<compile_context>
chip_gen: v7x
topology: tpu7x:2x2x1
jax: 0.10.2.dev20260603
libtpu: 0.0.44.dev20260713+nightly
codegen_flags: <defaults>
</compile_context>

<pallas_src>
import functools

import jax
import jax.numpy as jnp
from jax import lax
from jax.experimental import pallas as pl
from jax.experimental.pallas import tpu as pltpu
from jax.experimental.pallas import tpu_sc as plsc

B, C, H, W, N = 8, 8, 200, 176, 64
HW = H * W
ROW0 = 96
WROWS = 16
X_MIN, Y_MIN, X_MAX, Y_MAX = 0.0, -40.0, 70.0, 40.0

_info = plsc.get_sparse_core_info()
_NC = _info.num_cores


def _sc_body(t_hbm, preds_hbm, scal_hbm, vals_hbm, mask_hbm,
             tvm, stampvm, s0, s1, s2, s3, s4, s5, s6, s7,
             valsvm, maskvm, scalvm, sem):
  wid = lax.axis_index("s") * _NC + lax.axis_index("c")

  @pl.when(wid < B)
  def _():
    b = wid
    lanes = lax.iota(jnp.int32, 16)
    zeros16 = jnp.where(lanes < 0, 1.0, 0.0)

    pltpu.sync_copy(t_hbm.at[pl.ds(pl.multiple_of(b * (N * 7), 8), N * 7)],
                    tvm)

    slabs = [s0, s1, s2, s3, s4, s5, s6, s7]
    cps = []
    for c in range(8):
      cps.append(pltpu.async_copy(
          preds_hbm.at[b, c, pl.ds(ROW0, WROWS), pl.ds(0, 128)],
          slabs[c], sem))

    cells = []
    gxs = []
    gys = []
    valids = []
    encs = []
    for g in range(4):
      base = g * 112
      t0 = plsc.load_gather(tvm, [lanes * 7 + base + 0])
      t1 = plsc.load_gather(tvm, [lanes * 7 + base + 1])
      norm_x = (t0 - X_MIN) / (X_MAX - X_MIN)
      norm_y = (t1 - Y_MIN) / (Y_MAX - Y_MIN)
      valid = ((norm_x >= 0.0) & (norm_x < 1.0)
               & (norm_y >= 0.0) & (norm_y < 1.0))
      sx = jnp.where(valid, norm_x, 0.5) * float(W)
      sy = jnp.where(valid, norm_y, 0.5) * float(H)
      gx = sx.astype(jnp.int32)
      gy = sy.astype(jnp.int32)
      cx = (gx.astype(jnp.float32) + 0.5) / float(W)
      cy = (gy.astype(jnp.float32) + 0.5) / float(H)
      cell = gy * W + gx
      e = [(norm_x - cx) * float(W), (norm_y - cy) * float(H)]
      for j in range(2, 7):
        e.append(plsc.load_gather(tvm, [lanes * 7 + base + j]))
      cells.append(cell)
      gxs.append(gx)
      gys.append(gy)
      valids.append(valid)
      encs.append(e)

    for g in range(4):
      def _stamp(i, carry, g=g):
        m = (lanes == i) & valids[g]
        plsc.store_scatter(stampvm, [cells[g]], lanes + g * 16, mask=m)
        return carry

      lax.fori_loop(0, 16, _stamp, 0)

    winners = []
    nobj = jnp.float32(0.0)
    for g in range(4):
      win = ((plsc.load_gather(stampvm, [cells[g]]) == (lanes + g * 16))
             & valids[g])
      winners.append(win)
      nobj = nobj + jnp.sum(jnp.where(win, 1.0, 0.0))

    for cp in cps:
      cp.wait()

    sl1sum = jnp.float32(0.0)
    for c in range(8):
      for g in range(4):
        rloc = jnp.clip(gys[g] - ROW0, 0, WROWS - 1)
        cloc = jnp.clip(gxs[g], 0, 127)
        r = plsc.load_gather(slabs[c], [rloc, cloc])
        if c == 0:
          valsvm[pl.ds(g * 16, 16)] = r
          maskvm[pl.ds(g * 16, 16)] = jnp.where(winners[g], 1.0, 0.0)
        else:
          d = r - encs[g][c - 1]
          ad = jnp.abs(d)
          sl1 = jnp.where(ad < 1.0, 0.5 * d * d, ad - 0.5)
          sl1sum = sl1sum + jnp.sum(jnp.where(winners[g], sl1, 0.0))

    for s in range(4, 8):
      valsvm[pl.ds(s * 16, 16)] = zeros16
      maskvm[pl.ds(s * 16, 16)] = zeros16
    for s in range(8):
      scalvm[pl.ds(s * 16, 16)] = (
          jnp.where(lanes == 0, nobj, jnp.where(lanes == 1, sl1sum, 0.0))
          if s == 0 else zeros16)
    ob = pl.multiple_of(b * 128, 8)
    pltpu.sync_copy(scalvm, scal_hbm.at[pl.ds(ob, 128)])
    pltpu.sync_copy(valsvm, vals_hbm.at[pl.ds(ob, 128)])
    pltpu.sync_copy(maskvm, mask_hbm.at[pl.ds(ob, 128)])


_sc_call = functools.partial(
    pl.kernel,
    mesh=plsc.VectorSubcoreMesh(core_axis_name="c", subcore_axis_name="s"),
    compiler_params=pltpu.CompilerParams(
        needs_layout_passes=False, use_tc_tiling_on_sc=True),
    out_type=[
        jax.ShapeDtypeStruct((B * 128,), jnp.float32),
        jax.ShapeDtypeStruct((B * 128,), jnp.float32),
        jax.ShapeDtypeStruct((B * 128,), jnp.float32),
    ],
    scratch_types=[
        pltpu.VMEM((N * 7,), jnp.float32),
        pltpu.VMEM((HW,), jnp.int32),
        pltpu.VMEM((WROWS, 128), jnp.float32),
        pltpu.VMEM((WROWS, 128), jnp.float32),
        pltpu.VMEM((WROWS, 128), jnp.float32),
        pltpu.VMEM((WROWS, 128), jnp.float32),
        pltpu.VMEM((WROWS, 128), jnp.float32),
        pltpu.VMEM((WROWS, 128), jnp.float32),
        pltpu.VMEM((WROWS, 128), jnp.float32),
        pltpu.VMEM((WROWS, 128), jnp.float32),
        pltpu.VMEM((128,), jnp.float32),
        pltpu.VMEM((128,), jnp.float32),
        pltpu.VMEM((128,), jnp.float32),
        pltpu.SemaphoreType.DMA,
    ],
)(_sc_body)


def _tc_body(preds_ref, vals_ref, mask_ref, scal_ref,
             loss_ref, nobj_ref, clsvm, dsem):
  cp = pltpu.make_async_copy(preds_ref.at[:, 0], clsvm, dsem)
  cp.start()
  v = vals_ref[...]
  mk = mask_ref[...]
  spv = jnp.maximum(v, 0.0) + jnp.log(1.0 + jnp.exp(-jnp.abs(v)))
  corr = jnp.sum(jnp.where(mk > 0.0, 29.0 * spv - 30.0 * v, 0.0))
  sc = scal_ref[...]
  col = lax.broadcasted_iota(jnp.int32, (B, 128), 1)
  nobj = jnp.sum(jnp.where(col == 0, sc, 0.0))
  rsum = jnp.sum(jnp.where(col == 1, sc, 0.0))
  cp.wait()
  x = clsvm[...]
  s0 = jnp.sum(jnp.maximum(x, 0.0) + jnp.log(1.0 + jnp.exp(-jnp.abs(x))))
  cls_loss = (s0 + corr) / float(B * HW)
  reg_loss = rsum / (nobj * 7.0 + 1e-6)
  reg_loss = jnp.where(nobj > 0.0, reg_loss, 0.0)
  loss_ref[0, 0] = cls_loss + 2.0 * reg_loss
  nobj_ref[0, 0] = nobj


def kernel(preds, targets_list):
  t1d = targets_list.reshape(B * N * 7)
  scal, vals, mask = _sc_call(t1d, preds)
  loss, nobj = pl.pallas_call(
      _tc_body,
      out_shape=[
          jax.ShapeDtypeStruct((1, 1), jnp.float32),
          jax.ShapeDtypeStruct((1, 1), jnp.float32),
      ],
      grid=(1,),
      in_specs=[
          pl.BlockSpec(memory_space=pl.ANY),
          pl.BlockSpec((B, 128), lambda i: (0, 0)),
          pl.BlockSpec((B, 128), lambda i: (0, 0)),
          pl.BlockSpec((B, 128), lambda i: (0, 0)),
      ],
      out_specs=[
          pl.BlockSpec(memory_space=pltpu.SMEM),
          pl.BlockSpec(memory_space=pltpu.SMEM),
      ],
      scratch_shapes=[
          pltpu.VMEM((B, H, W), jnp.float32),
          pltpu.SemaphoreType.DMA,
      ],
  )(preds, vals.reshape(B, 128), mask.reshape(B, 128), scal.reshape(B, 128))
  return (loss.reshape(()), nobj.reshape(()))

# --- scband reference (transcript-rebuilt; emitter-appended) ---
"""Pipeline reference for scband-detection-loss-14104672600597 (READ-ONLY COPY).

The authoritative reference and input builder live on the scoring server;
editing this copy changes nothing except your own understanding.
"""

import jax, jax.numpy as jnp
import numpy as np

B, C, H, W, N = 8, 8, 200, 176, 64

def setup_inputs(seed: int = 0):
    key = jax.random.key(seed)
    k1, k2 = jax.random.split(key)
    preds = jax.random.normal(k1, (B, C, H, W), dtype=jnp.float32)
    targets_list = jax.random.uniform(k2, (B, N, 7), dtype=jnp.float32)
    return {"preds": preds, "targets_list": targets_list}

def _build_targets(targets_list, Hh, Ww):
    x_min, y_min, x_max, y_max = 0.0, -40.0, 70.0, 40.0
    t = targets_list
    Bb = t.shape[0]
    norm_x = (t[..., 0] - x_min) / (x_max - x_min)
    norm_y = (t[..., 1] - y_min) / (y_max - y_min)
    valid = (norm_x >= 0) & (norm_x < 1) & (norm_y >= 0) & (norm_y < 1)
    gx = jnp.clip(jnp.floor(norm_x * Ww).astype(jnp.int32), 0, Ww - 1)
    gy = jnp.clip(jnp.floor(norm_y * Hh).astype(jnp.int32), 0, Hh - 1)
    cx = (gx.astype(jnp.float32) + 0.5) / Ww
    cy = (gy.astype(jnp.float32) + 0.5) / Hh
    enc = jnp.concatenate([((norm_x - cx) * Ww)[..., None], ((norm_y - cy) * Hh)[..., None], t[..., 2:]], axis=-1)
    flat_idx = jnp.where(valid, gy * Ww + gx, Hh * Ww)

    def scat(idx_b, enc_b):
        tr = jnp.zeros((Hh * Ww + 1, 7), dtype=jnp.float32).at[idx_b].set(enc_b)
        m = jnp.zeros((Hh * Ww + 1,), dtype=jnp.float32).at[idx_b].set(1.0)
        return tr[:Hh * Ww], m[:Hh * Ww]

    tr, m = jax.vmap(scat)(flat_idx, enc)
    target_reg = tr.reshape(Bb, Hh, Ww, 7).transpose(0, 3, 1, 2)
    mask = m.reshape(Bb, Hh, Ww)
    return target_reg, mask

def reference(preds, targets_list):
    Bb, Cc, Hh, Ww = preds.shape
    cls_preds = preds[:, 0, :, :]
    reg_preds = preds[:, 1:, :, :]
    target_reg, mask = _build_targets(targets_list, Hh, Ww)
    # BCEWithLogitsLoss (reduction='none')
    raw_cls = jnp.maximum(cls_preds, 0.0) - cls_preds * mask + jnp.log1p(jnp.exp(-jnp.abs(cls_preds)))
    weight_mask = jnp.where(mask > 0, 30.0, 1.0)
    cls_loss = jnp.mean(raw_cls * weight_mask)
    num_objects = jnp.sum(mask)
    d = reg_preds - target_reg
    sl1 = jnp.where(jnp.abs(d) < 1.0, 0.5 * d * d, jnp.abs(d) - 0.5)
    reg_mask = mask[:, None, :, :]
    reg_loss = jnp.sum(sl1 * reg_mask) / (num_objects * 7.0 + 1e-6)
    reg_loss = jnp.where(num_objects > 0, reg_loss, 0.0)
    total_loss = cls_loss + 2.0 * reg_loss
    return (total_loss, num_objects)

if __name__ == "__main__":
    import jax
    _d = setup_inputs()
    print(jax.jit(kernel)(*tuple(_d.values())))

</pallas_src>

<mosaic_0001>
#map = affine_map<(d0, d1) -> (0)>
#map1 = affine_map<(d0, d1) -> (0, 0, 0, 0)>
module attributes {stable_mosaic.version = 14 : i64} {
  func.func @_sc_body(%arg0: i32, %arg1: i32, %arg2: memref<3584xf32, #tpu.memory_space<hbm>>, %arg3: memref<8x8x200x176xf32, #tpu.memory_space<hbm>>, %arg4: memref<1024xf32, #tpu.memory_space<hbm>>, %arg5: memref<1024xf32, #tpu.memory_space<hbm>>, %arg6: memref<1024xf32, #tpu.memory_space<hbm>>, %arg7: memref<448xf32, #tpu.memory_space<vmem>>, %arg8: memref<35200xi32, #tpu.memory_space<vmem>>, %arg9: memref<16x128xf32, #tpu.memory_space<vmem>>, %arg10: memref<16x128xf32, #tpu.memory_space<vmem>>, %arg11: memref<16x128xf32, #tpu.memory_space<vmem>>, %arg12: memref<16x128xf32, #tpu.memory_space<vmem>>, %arg13: memref<16x128xf32, #tpu.memory_space<vmem>>, %arg14: memref<16x128xf32, #tpu.memory_space<vmem>>, %arg15: memref<16x128xf32, #tpu.memory_space<vmem>>, %arg16: memref<16x128xf32, #tpu.memory_space<vmem>>, %arg17: memref<128xf32, #tpu.memory_space<vmem>>, %arg18: memref<128xf32, #tpu.memory_space<vmem>>, %arg19: memref<128xf32, #tpu.memory_space<vmem>>, %arg20: memref<!tpu.dma_semaphore, #tpu.memory_space<semaphore_mem>>) attributes {dimension_semantics = [#tpu.dimension_semantics<core_parallel>, #tpu.dimension_semantics<subcore_parallel>], iteration_bounds = array<i64: 2, 16>, scalar_prefetch = 0 : i64, scratch_operands = 14 : i64, tpu.core_type = #tpu.core_type<sc_vector_subcore>, window_params = [{transform_indices = #map}, {transform_indices = #map1}, {transform_indices = #map}, {transform_indices = #map}, {transform_indices = #map}]} {
    %mul3A = arith.constant 2 : i32
    %mul3A_0 = arith.muli %arg1, %mul3A : i32
    %add3A = arith.addi %mul3A_0, %arg0 : i32
    %lt3A = arith.constant 8 : i32
    %lt3A_1 = arith.cmpi slt, %add3A, %lt3A : i32
    %convert_element_type3A = arith.extui %lt3A_1 : i1 to i32
    %cond3A = arith.constant 0 : i32
    %cond3A_2 = arith.cmpi ne, %convert_element_type3A, %cond3A : i32
    scf.if %cond3A_2 {
      %iota3A = tpu.iota {dimensions = array<i32: 0>} : vector<16xi32>
      %lt3A_3 = arith.constant 0 : i32
      %lt3A_4 = vector.broadcast %lt3A_3 : i32 to vector<16xi32>
      %lt3A_5 = arith.cmpi slt, %iota3A, %lt3A_4 : vector<16xi32>
      %jit3A = arith.constant 1.000000e+00 : f32
      %jit3A_6 = arith.constant 0.000000e+00 : f32
      %broadcast_in_dim3A = vector.broadcast %jit3A : f32 to vector<16xf32>
      %broadcast_in_dim3A_7 = vector.broadcast %jit3A_6 : f32 to vector<16xf32>
      %select_n3A = arith.select %lt3A_5, %broadcast_in_dim3A, %broadcast_in_dim3A_7 : vector<16xi1>, vector<16xf32>
      %mul3A_8 = arith.constant 448 : i32
      %mul3A_9 = arith.muli %add3A, %mul3A_8 : i32
      %multiple_of3A = tpu.assume_multiple %mul3A_9, 8 : i32
      "tpu.region"() ({
        %run_scoped3A = tpu.sem_alloc : memref<!tpu.dma_semaphore, #tpu.memory_space<semaphore_mem>>
        %dma_start3A_1961 = tpu.memref_slice %arg2[%multiple_of3A] : memref<3584xf32, #tpu.memory_space<hbm>> -> memref<448xf32, #tpu.memory_space<hbm>>
        %dma_start3A_1962 = tpu.memref_slice %arg2[%multiple_of3A] : memref<3584xf32, #tpu.memory_space<hbm>> -> memref<448xf32, #tpu.memory_space<hbm>>
        tpu.enqueue_dma source(%dma_start3A_1962 : memref<448xf32, #tpu.memory_space<hbm>>) target(%arg7 : memref<448xf32, #tpu.memory_space<vmem>>) target_semaphore(%run_scoped3A : memref<!tpu.dma_semaphore, #tpu.memory_space<semaphore_mem>>)
        %dma_wait3A_1963 = tpu.memref_slice %arg2[%multiple_of3A] : memref<3584xf32, #tpu.memory_space<hbm>> -> memref<448xf32, #tpu.memory_space<hbm>>
        %dma_wait3A_1964 = tpu.memref_slice %arg2[%multiple_of3A] : memref<3584xf32, #tpu.memory_space<hbm>> -> memref<448xf32, #tpu.memory_space<hbm>>
        tpu.wait_dma2 semaphore(%run_scoped3A : memref<!tpu.dma_semaphore, #tpu.memory_space<semaphore_mem>>) src(%dma_wait3A_1964 : memref<448xf32, #tpu.memory_space<hbm>>) dst(%arg7 : memref<448xf32, #tpu.memory_space<vmem>>)
        tpu.yield
      }) : () -> ()
      %dma_start3A = arith.constant 0 : i32
      %dma_start3A_10 = arith.constant 96 : i32
      %dma_start3A_11 = arith.constant 0 : i32
      %dma_start3A_12 = tpu.memref_slice %arg3[%add3A, %dma_start3A, %dma_start3A_10, %dma_start3A_11] : memref<8x8x200x176xf32, #tpu.memory_space<hbm>> -> memref<1x1x16x128xf32, #tpu.memory_space<hbm>>
      %dma_start3A_13 = tpu.memref_squeeze %dma_start3A_12 : memref<1x1x16x128xf32, #tpu.memory_space<hbm>> -> memref<16x128xf32, #tpu.memory_space<hbm>>
      %dma_start3A_14 = arith.constant 96 : i32
      %dma_start3A_15 = arith.constant 0 : i32
      %dma_start3A_16 = tpu.memref_slice %arg3[%add3A, %dma_start3A, %dma_start3A_14, %dma_start3A_15] : memref<8x8x200x176xf32, #tpu.memory_space<hbm>> -> memref<1x1x16x128xf32, #tpu.memory_space<hbm>>
      %dma_start3A_17 = tpu.memref_squeeze %dma_start3A_16 : memref<1x1x16x128xf32, #tpu.memory_space<hbm>> -> memref<16x128xf32, #tpu.memory_space<hbm>>
      tpu.enqueue_dma source(%dma_start3A_17 : memref<16x128xf32, #tpu.memory_space<hbm>>) target(%arg9 : memref<16x128xf32, #tpu.memory_space<vmem>>) target_semaphore(%arg20 : memref<!tpu.dma_semaphore, #tpu.memory_space<semaphore_mem>>)
      %dma_start3A_18 = arith.constant 1 : i32
      %dma_start3A_19 = arith.constant 96 : i32
      %dma_start3A_20 = arith.constant 0 : i32
      %dma_start3A_21 = tpu.memref_slice %arg3[%add3A, %dma_start3A_18, %dma_start3A_19, %dma_start3A_20] : memref<8x8x200x176xf32, #tpu.memory_space<hbm>> -> memref<1x1x16x128xf32, #tpu.memory_space<hbm>>
      %dma_start3A_22 = tpu.memref_squeeze %dma_start3A_21 : memref<1x1x16x128xf32, #tpu.memory_space<hbm>> -> memref<16x128xf32, #tpu.memory_space<hbm>>
      %dma_start3A_23 = arith.constant 96 : i32
      %dma_start3A_24 = arith.constant 0 : i32
      %dma_start3A_25 = tpu.memref_slice %arg3[%add3A, %dma_start3A_18, %dma_start3A_23, %dma_start3A_24] : memref<8x8x200x176xf32, #tpu.memory_space<hbm>> -> memref<1x1x16x128xf32, #tpu.memory_space<hbm>>
      %dma_start3A_26 = tpu.memref_squeeze %dma_start3A_25 : memref<1x1x16x128xf32, #tpu.memory_space<hbm>> -> memref<16x128xf32, #tpu.memory_space<hbm>>
      tpu.enqueue_dma source(%dma_start3A_26 : memref<16x128xf32, #tpu.memory_space<hbm>>) target(%arg10 : memref<16x128xf32, #tpu.memory_space<vmem>>) target_semaphore(%arg20 : memref<!tpu.dma_semaphore, #tpu.memory_space<semaphore_mem>>)
      %dma_start3A_27 = arith.constant 2 : i32
      %dma_start3A_28 = arith.constant 96 : i32
      %dma_start3A_29 = arith.constant 0 : i32
      %dma_start3A_30 = tpu.memref_slice %arg3[%add3A, %dma_start3A_27, %dma_start3A_28, %dma_start3A_29] : memref<8x8x200x176xf32, #tpu.memory_space<hbm>> -> memref<1x1x16x128xf32, #tpu.memory_space<hbm>>
      %dma_start3A_31 = tpu.memref_squeeze %dma_start3A_30 : memref<1x1x16x128xf32, #tpu.memory_space<hbm>> -> memref<16x128xf32, #tpu.memory_space<hbm>>
      %dma_start3A_32 = arith.constant 96 : i32
      %dma_start3A_33 = arith.constant 0 : i32
      %dma_start3A_34 = tpu.memref_slice %arg3[%add3A, %dma_start3A_27, %dma_start3A_32, %dma_start3A_33] : memref<8x8x200x176xf32, #tpu.memory_space<hbm>> -> memref<1x1x16x128xf32, #tpu.memory_space<hbm>>
      %dma_start3A_35 = tpu.memref_squeeze %dma_start3A_34 : memref<1x1x16x128xf32, #tpu.memory_space<hbm>> -> memref<16x128xf32, #tpu.memory_space<hbm>>
      tpu.enqueue_dma source(%dma_start3A_35 : memref<16x128xf32, #tpu.memory_space<hbm>>) target(%arg11 : memref<16x128xf32, #tpu.memory_space<vmem>>) target_semaphore(%arg20 : memref<!tpu.dma_semaphore, #tpu.memory_space<semaphore_mem>>)
      %dma_start3A_36 = arith.constant 3 : i32
      %dma_start3A_37 = arith.constant 96 : i32
      %dma_start3A_38 = arith.constant 0 : i32
      %dma_start3A_39 = tpu.memref_slice %arg3[%add3A, %dma_start3A_36, %dma_start3A_37, %dma_start3A_38] : memref<8x8x200x176xf32, #tpu.memory_space<hbm>> -> memref<1x1x16x128xf32, #tpu.memory_space<hbm>>
      %dma_start3A_40 = tpu.memref_squeeze %dma_start3A_39 : memref<1x1x16x128xf32, #tpu.memory_space<hbm>> -> memref<16x128xf32, #tpu.memory_space<hbm>>
      %dma_start3A_41 = arith.constant 96 : i32
      %dma_start3A_42 = arith.constant 0 : i32
      %dma_start3A_43 = tpu.memref_slice %arg3[%add3A, %dma_start3A_36, %dma_start3A_41, %dma_start3A_42] : memref<8x8x200x176xf32, #tpu.memory_space<hbm>> -> memref<1x1x16x128xf32, #tpu.memory_space<hbm>>
      %dma_start3A_44 = tpu.memref_squeeze %dma_start3A_43 : memref<1x1x16x128xf32, #tpu.memory_space<hbm>> -> memref<16x128xf32, #tpu.memory_space<hbm>>
      tpu.enqueue_dma source(%dma_start3A_44 : memref<16x128xf32, #tpu.memory_space<hbm>>) target(%arg12 : memref<16x128xf32, #tpu.memory_space<vmem>>) target_semaphore(%arg20 : memref<!tpu.dma_semaphore, #tpu.memory_space<semaphore_mem>>)
      %dma_start3A_45 = arith.constant 4 : i32
      %dma_start3A_46 = arith.constant 96 : i32
      %dma_start3A_47 = arith.constant 0 : i32
      %dma_start3A_48 = tpu.memref_slice %arg3[%add3A, %dma_start3A_45, %dma_start3A_46, %dma_start3A_47] : memref<8x8x200x176xf32, #tpu.memory_space<hbm>> -> memref<1x1x16x128xf32, #tpu.memory_space<hbm>>
      %dma_start3A_49 = tpu.memref_squeeze %dma_start3A_48 : memref<1x1x16x128xf32, #tpu.memory_space<hbm>> -> memref<16x128xf32, #tpu.memory_space<hbm>>
      %dma_start3A_50 = arith.constant 96 : i32
      %dma_start3A_51 = arith.constant 0 : i32
      %dma_start3A_52 = tpu.memref_slice %arg3[%add3A, %dma_start3A_45, %dma_start3A_50, %dma_start3A_51] : memref<8x8x200x176xf32, #tpu.memory_space<hbm>> -> memref<1x1x16x128xf32, #tpu.memory_space<hbm>>
      %dma_start3A_53 = tpu.memref_squeeze %dma_start3A_52 : memref<1x1x16x128xf32, #tpu.memory_space<hbm>> -> memref<16x128xf32, #tpu.memory_space<hbm>>
      tpu.enqueue_dma source(%dma_start3A_53 : memref<16x128xf32, #tpu.memory_space<hbm>>) target(%arg13 : memref<16x128xf32, #tpu.memory_space<vmem>>) target_semaphore(%arg20 : memref<!tpu.dma_semaphore, #tpu.memory_space<semaphore_mem>>)
      %dma_start3A_54 = arith.constant 5 : i32
      %dma_start3A_55 = arith.constant 96 : i32
      %dma_start3A_56 = arith.constant 0 : i32
      %dma_start3A_57 = tpu.memref_slice %arg3[%add3A, %dma_start3A_54, %dma_start3A_55, %dma_start3A_56] : memref<8x8x200x176xf32, #tpu.memory_space<hbm>> -> memref<1x1x16x128xf32, #tpu.memory_space<hbm>>
      %dma_start3A_58 = tpu.memref_squeeze %dma_start3A_57 : memref<1x1x16x128xf32, #tpu.memory_space<hbm>> -> memref<16x128xf32, #tpu.memory_space<hbm>>
      %dma_start3A_59 = arith.constant 96 : i32
      %dma_start3A_60 = arith.constant 0 : i32
      %dma_start3A_61 = tpu.memref_slice %arg3[%add3A, %dma_start3A_54, %dma_start3A_59, %dma_start3A_60] : memref<8x8x200x176xf32, #tpu.memory_space<hbm>> -> memref<1x1x16x128xf32, #tpu.memory_space<hbm>>
      %dma_start3A_62 = tpu.memref_squeeze %dma_start3A_61 : memref<1x1x16x128xf32, #tpu.memory_space<hbm>> -> memref<16x128xf32, #tpu.memory_space<hbm>>
      tpu.enqueue_dma source(%dma_start3A_62 : memref<16x128xf32, #tpu.memory_space<hbm>>) target(%arg14 : memref<16x128xf32, #tpu.memory_space<vmem>>) target_semaphore(%arg20 : memref<!tpu.dma_semaphore, #tpu.memory_space<semaphore_mem>>)
      %dma_start3A_63 = arith.constant 6 : i32
      %dma_start3A_64 = arith.constant 96 : i32
      %dma_start3A_65 = arith.constant 0 : i32
      %dma_start3A_66 = tpu.memref_slice %arg3[%add3A, %dma_start3A_63, %dma_start3A_64, %dma_start3A_65] : memref<8x8x200x176xf32, #tpu.memory_space<hbm>> -> memref<1x1x16x128xf32, #tpu.memory_space<hbm>>
      %dma_start3A_67 = tpu.memref_squeeze %dma_start3A_66 : memref<1x1x16x128xf32, #tpu.memory_space<hbm>> -> memref<16x128xf32, #tpu.memory_space<hbm>>
      %dma_start3A_68 = arith.constant 96 : i32
      %dma_start3A_69 = arith.constant 0 : i32
      %dma_start3A_70 = tpu.memref_slice %arg3[%add3A, %dma_start3A_63, %dma_start3A_68, %dma_start3A_69] : memref<8x8x200x176xf32, #tpu.memory_space<hbm>> -> memref<1x1x16x128xf32, #tpu.memory_space<hbm>>
      %dma_start3A_71 = tpu.memref_squeeze %dma_start3A_70 : memref<1x1x16x128xf32, #tpu.memory_space<hbm>> -> memref<16x128xf32, #tpu.memory_space<hbm>>
      tpu.enqueue_dma source(%dma_start3A_71 : memref<16x128xf32, #tpu.memory_space<hbm>>) target(%arg15 : memref<16x128xf32, #tpu.memory_space<vmem>>) target_semaphore(%arg20 : memref<!tpu.dma_semaphore, #tpu.memory_space<semaphore_mem>>)
      %dma_start3A_72 = arith.constant 7 : i32
      %dma_start3A_73 = arith.constant 96 : i32
      %dma_start3A_74 = arith.constant 0 : i32
      %dma_start3A_75 = tpu.memref_slice %arg3[%add3A, %dma_start3A_72, %dma_start3A_73, %dma_start3A_74] : memref<8x8x200x176xf32, #tpu.memory_space<hbm>> -> memref<1x1x16x128xf32, #tpu.memory_space<hbm>>
      %dma_start3A_76 = tpu.memref_squeeze %dma_start3A_75 : memref<1x1x16x128xf32, #tpu.memory_space<hbm>> -> memref<16x128xf32, #tpu.memory_space<hbm>>
      %dma_start3A_77 = arith.constant 96 : i32
      %dma_start3A_78 = arith.constant 0 : i32
      %dma_start3A_79 = tpu.memref_slice %arg3[%add3A, %dma_start3A_72, %dma_start3A_77, %dma_start3A_78] : memref<8x8x200x176xf32, #tpu.memory_space<hbm>> -> memref<1x1x16x128xf32, #tpu.memory_space<hbm>>
      %dma_start3A_80 = tpu.memref_squeeze %dma_start3A_79 : memref<1x1x16x128xf32, #tpu.memory_space<hbm>> -> memref<16x128xf32, #tpu.memory_space<hbm>>
      tpu.enqueue_dma source(%dma_start3A_80 : memref<16x128xf32, #tpu.memory_space<hbm>>) target(%arg16 : memref<16x128xf32, #tpu.memory_space<vmem>>) target_semaphore(%arg20 : memref<!tpu.dma_semaphore, #tpu.memory_space<semaphore_mem>>)
      %mul3A_81 = arith.constant 7 : i32
      %mul3A_82 = vector.broadcast %mul3A_81 : i32 to vector<16xi32>
      %mul3A_83 = arith.muli %iota3A, %mul3A_82 : vector<16xi32>
      %add3A_84 = arith.constant 0 : i32
      %add3A_85 = vector.broadcast %add3A_84 : i32 to vector<16xi32>
      %add3A_86 = arith.addi %mul3A_83, %add3A_85 : vector<16xi32>
      %add3A_87 = arith.constant 0 : i32
      %add3A_88 = vector.broadcast %add3A_87 : i32 to vector<16xi32>
      %add3A_89 = arith.addi %add3A_86, %add3A_88 : vector<16xi32>
      %gather3A = tpu.vector_load_idx %arg7[%add3A_89] : memref<448xf32, #tpu.memory_space<vmem>>[vector<16xi32>], vector<16xf32>,
      %mul3A_90 = arith.constant 7 : i32
      %mul3A_91 = vector.broadcast %mul3A_90 : i32 to vector<16xi32>
      %mul3A_92 = arith.muli %iota3A, %mul3A_91 : vector<16xi32>
      %add3A_93 = arith.constant 0 : i32
      %add3A_94 = vector.broadcast %add3A_93 : i32 to vector<16xi32>
      %add3A_95 = arith.addi %mul3A_92, %add3A_94 : vector<16xi32>
      %add3A_96 = arith.constant 1 : i32
      %add3A_97 = vector.broadcast %add3A_96 : i32 to vector<16xi32>
      %add3A_98 = arith.addi %add3A_95, %add3A_97 : vector<16xi32>
      %gather3A_99 = tpu.vector_load_idx %arg7[%add3A_98] : memref<448xf32, #tpu.memory_space<vmem>>[vector<16xi32>], vector<16xf32>,
      %sub3A = arith.constant 0.000000e+00 : f32
      %sub3A_100 = vector.broadcast %sub3A : f32 to vector<16xf32>
      %sub3A_101 = arith.subf %gather3A, %sub3A_100 : vector<16xf32>
      %div3A = arith.constant 7.000000e+01 : f32
      %div3A_102 = vector.broadcast %div3A : f32 to vector<16xf32>
      %div3A_103 = arith.divf %sub3A_101, %div3A_102 : vector<16xf32>
      %sub3A_104 = arith.constant -4.000000e+01 : f32
      %sub3A_105 = vector.broadcast %sub3A_104 : f32 to vector<16xf32>
      %sub3A_106 = arith.subf %gather3A_99, %sub3A_105 : vector<16xf32>
      %div3A_107 = arith.constant 8.000000e+01 : f32
      %div3A_108 = vector.broadcast %div3A_107 : f32 to vector<16xf32>
      %div3A_109 = arith.divf %sub3A_106, %div3A_108 : vector<16xf32>
      %ge3A = arith.constant 0.000000e+00 : f32
      %ge3A_110 = vector.broadcast %ge3A : f32 to vector<16xf32>
      %ge3A_111 = arith.cmpf oge, %div3A_103, %ge3A_110 : vector<16xf32>
      %lt3A_112 = arith.constant 1.000000e+00 : f32
      %lt3A_113 = vector.broadcast %lt3A_112 : f32 to vector<16xf32>
      %lt3A_114 = arith.cmpf olt, %div3A_103, %lt3A_113 : vector<16xf32>
      %and3A = arith.andi %ge3A_111, %lt3A_114 : vector<16xi1>
      %ge3A_115 = arith.constant 0.000000e+00 : f32
      %ge3A_116 = vector.broadcast %ge3A_115 : f32 to vector<16xf32>
      %ge3A_117 = arith.cmpf oge, %div3A_109, %ge3A_116 : vector<16xf32>
      %and3A_118 = arith.andi %and3A, %ge3A_117 : vector<16xi1>
      %lt3A_119 = arith.constant 1.000000e+00 : f32
      %lt3A_120 = vector.broadcast %lt3A_119 : f32 to vector<16xf32>
      %lt3A_121 = arith.cmpf olt, %div3A_109, %lt3A_120 : vector<16xf32>
      %and3A_122 = arith.andi %and3A_118, %lt3A_121 : vector<16xi1>
      %jit3A_123 = arith.constant 5.000000e-01 : f32
      %broadcast_in_dim3A_124 = vector.broadcast %jit3A_123 : f32 to vector<16xf32>
      %select_n3A_125 = arith.select %and3A_122, %div3A_103, %broadcast_in_dim3A_124 : vector<16xi1>, vector<16xf32>
      %mul3A_126 = arith.constant 1.760000e+02 : f32
      %mul3A_127 = vector.broadcast %mul3A_126 : f32 to vector<16xf32>
      %mul3A_128 = arith.mulf %select_n3A_125, %mul3A_127 : vector<16xf32>
      %jit3A_129 = arith.constant 5.000000e-01 : f32
      %broadcast_in_dim3A_130 = vector.broadcast %jit3A_129 : f32 to vector<16xf32>
      %select_n3A_131 = arith.select %and3A_122, %div3A_109, %broadcast_in_dim3A_130 : vector<16xi1>, vector<16xf32>
      %mul3A_132 = arith.constant 2.000000e+02 : f32
      %mul3A_133 = vector.broadcast %mul3A_132 : f32 to vector<16xf32>
      %mul3A_134 = arith.mulf %select_n3A_131, %mul3A_133 : vector<16xf32>
      %convert_element_type3A_135 = arith.fptosi %mul3A_128 : vector<16xf32> to vector<16xi32>
      %convert_element_type3A_136 = arith.fptosi %mul3A_134 : vector<16xf32> to vector<16xi32>
      %convert_element_type3A_137 = arith.sitofp %convert_element_type3A_135 : vector<16xi32> to vector<16xf32>
      %add3A_138 = arith.constant 5.000000e-01 : f32
      %add3A_139 = vector.broadcast %add3A_138 : f32 to vector<16xf32>
      %add3A_140 = arith.addf %convert_element_type3A_137, %add3A_139 : vector<16xf32>
      %div3A_141 = arith.constant 1.760000e+02 : f32
      %div3A_142 = vector.broadcast %div3A_141 : f32 to vector<16xf32>
      %div3A_143 = arith.divf %add3A_140, %div3A_142 : vector<16xf32>
      %convert_element_type3A_144 = arith.sitofp %convert_element_type3A_136 : vector<16xi32> to vector<16xf32>
      %add3A_145 = arith.constant 5.000000e-01 : f32
      %add3A_146 = vector.broadcast %add3A_145 : f32 to vector<16xf32>
      %add3A_147 = arith.addf %convert_element_type3A_144, %add3A_146 : vector<16xf32>
      %div3A_148 = arith.constant 2.000000e+02 : f32
      %div3A_149 = vector.broadcast %div3A_148 : f32 to vector<16xf32>
      %div3A_150 = arith.divf %add3A_147, %div3A_149 : vector<16xf32>
      %mul3A_151 = arith.constant 176 : i32
      %mul3A_152 = vector.broadcast %mul3A_151 : i32 to vector<16xi32>
      %mul3A_153 = arith.muli %convert_element_type3A_136, %mul3A_152 : vector<16xi32>
      %add3A_154 = arith.addi %mul3A_153, %convert_element_type3A_135 : vector<16xi32>
      %sub3A_155 = arith.subf %div3A_103, %div3A_143 : vector<16xf32>
      %mul3A_156 = arith.constant 1.760000e+02 : f32
      %mul3A_157 = vector.broadcast %mul3A_156 : f32 to vector<16xf32>
      %mul3A_158 = arith.mulf %sub3A_155, %mul3A_157 : vector<16xf32>
      %sub3A_159 = arith.subf %div3A_109, %div3A_150 : vector<16xf32>
      %mul3A_160 = arith.constant 2.000000e+02 : f32
      %mul3A_161 = vector.broadcast %mul3A_160 : f32 to vector<16xf32>
      %mul3A_162 = arith.mulf %sub3A_159, %mul3A_161 : vector<16xf32>
      %mul3A_163 = arith.constant 7 : i32
      %mul3A_164 = vector.broadcast %mul3A_163 : i32 to vector<16xi32>
      %mul3A_165 = arith.muli %iota3A, %mul3A_164 : vector<16xi32>
      %add3A_166 = arith.constant 0 : i32
      %add3A_167 = vector.broadcast %add3A_166 : i32 to vector<16xi32>
      %add3A_168 = arith.addi %mul3A_165, %add3A_167 : vector<16xi32>
      %add3A_169 = arith.constant 2 : i32
      %add3A_170 = vector.broadcast %add3A_169 : i32 to vector<16xi32>
      %add3A_171 = arith.addi %add3A_168, %add3A_170 : vector<16xi32>
      %gather3A_172 = tpu.vector_load_idx %arg7[%add3A_171] : memref<448xf32, #tpu.memory_space<vmem>>[vector<16xi32>], vector<16xf32>,
      %mul3A_173 = arith.constant 7 : i32
      %mul3A_174 = vector.broadcast %mul3A_173 : i32 to vector<16xi32>
      %mul3A_175 = arith.muli %iota3A, %mul3A_174 : vector<16xi32>
      %add3A_176 = arith.constant 0 : i32
      %add3A_177 = vector.broadcast %add3A_176 : i32 to vector<16xi32>
      %add3A_178 = arith.addi %mul3A_175, %add3A_177 : vector<16xi32>
      %add3A_179 = arith.constant 3 : i32
      %add3A_180 = vector.broadcast %add3A_179 : i32 to vector<16xi32>
      %add3A_181 = arith.addi %add3A_178, %add3A_180 : vector<16xi32>
      %gather3A_182 = tpu.vector_load_idx %arg7[%add3A_181] : memref<448xf32, #tpu.memory_space<vmem>>[vector<16xi32>], vector<16xf32>,
      %mul3A_183 = arith.constant 7 : i32
      %mul3A_184 = vector.broadcast %mul3A_183 : i32 to vector<16xi32>
      %mul3A_185 = arith.muli %iota3A, %mul3A_184 : vector<16xi32>
      %add3A_186 = arith.constant 0 : i32
      %add3A_187 = vector.broadcast %add3A_186 : i32 to vector<16xi32>
      %add3A_188 = arith.addi %mul3A_185, %add3A_187 : vector<16xi32>
      %add3A_189 = arith.constant 4 : i32
      %add3A_190 = vector.broadcast %add3A_189 : i32 to vector<16xi32>
      %add3A_191 = arith.addi %add3A_188, %add3A_190 : vector<16xi32>
      %gather3A_192 = tpu.vector_load_idx %arg7[%add3A_191] : memref<448xf32, #tpu.memory_space<vmem>>[vector<16xi32>], vector<16xf32>,
      %mul3A_193 = arith.constant 7 : i32
      %mul3A_194 = vector.broadcast %mul3A_193 : i32 to vector<16xi32>
      %mul3A_195 = arith.muli %iota3A, %mul3A_194 : vector<16xi32>
      %add3A_196 = arith.constant 0 : i32
      %add3A_197 = vector.broadcast %add3A_196 : i32 to vector<16xi32>
      %add3A_198 = arith.addi %mul3A_195, %add3A_197 : vector<16xi32>
      %add3A_199 = arith.constant 5 : i32
      %add3A_200 = vector.broadcast %add3A_199 : i32 to vector<16xi32>
      %add3A_201 = arith.addi %add3A_198, %add3A_200 : vector<16xi32>
      %gather3A_202 = tpu.vector_load_idx %arg7[%add3A_201] : memref<448xf32, #tpu.memory_space<vmem>>[vector<16xi32>], vector<16xf32>,
      %mul3A_203 = arith.constant 7 : i32
      %mul3A_204 = vector.broadcast %mul3A_203 : i32 to vector<16xi32>
      %mul3A_205 = arith.muli %iota3A, %mul3A_204 : vector<16xi32>
      %add3A_206 = arith.constant 0 : i32
      %add3A_207 = vector.broadcast %add3A_206 : i32 to vector<16xi32>
      %add3A_208 = arith.addi %mul3A_205, %add3A_207 : vector<16xi32>
      %add3A_209 = arith.constant 6 : i32
      %add3A_210 = vector.broadcast %add3A_209 : i32 to vector<16xi32>
      %add3A_211 = arith.addi %add3A_208, %add3A_210 : vector<16xi32>
      %gather3A_212 = tpu.vector_load_idx %arg7[%add3A_211] : memref<448xf32, #tpu.memory_space<vmem>>[vector<16xi32>], vector<16xf32>,
      %mul3A_213 = arith.constant 7 : i32
      %mul3A_214 = vector.broadcast %mul3A_213 : i32 to vector<16xi32>
      %mul3A_215 = arith.muli %iota3A, %mul3A_214 : vector<16xi32>
      %add3A_216 = arith.constant 112 : i32
      %add3A_217 = vector.broadcast %add3A_216 : i32 to vector<16xi32>
      %add3A_218 = arith.addi %mul3A_215, %add3A_217 : vector<16xi32>
      %add3A_219 = arith.constant 0 : i32
      %add3A_220 = vector.broadcast %add3A_219 : i32 to vector<16xi32>
      %add3A_221 = arith.addi %add3A_218, %add3A_220 : vector<16xi32>
      %gather3A_222 = tpu.vector_load_idx %arg7[%add3A_221] : memref<448xf32, #tpu.memory_space<vmem>>[vector<16xi32>], vector<16xf32>,
      %mul3A_223 = arith.constant 7 : i32
      %mul3A_224 = vector.broadcast %mul3A_223 : i32 to vector<16xi32>
      %mul3A_225 = arith.muli %iota3A, %mul3A_224 : vector<16xi32>
      %add3A_226 = arith.constant 112 : i32
      %add3A_227 = vector.broadcast %add3A_226 : i32 to vector<16xi32>
      %add3A_228 = arith.addi %mul3A_225, %add3A_227 : vector<16xi32>
      %add3A_229 = arith.constant 1 : i32
      %add3A_230 = vector.broadcast %add3A_229 : i32 to vector<16xi32>
      %add3A_231 = arith.addi %add3A_228, %add3A_230 : vector<16xi32>
      %gather3A_232 = tpu.vector_load_idx %arg7[%add3A_231] : memref<448xf32, #tpu.memory_space<vmem>>[vector<16xi32>], vector<16xf32>,
      %sub3A_233 = arith.constant 0.000000e+00 : f32
      %sub3A_234 = vector.broadcast %sub3A_233 : f32 to vector<16xf32>
      %sub3A_235 = arith.subf %gather3A_222, %sub3A_234 : vector<16xf32>
      %div3A_236 = arith.constant 7.000000e+01 : f32
      %div3A_237 = vector.broadcast %div3A_236 : f32 to vector<16xf32>
      %div3A_238 = arith.divf %sub3A_235, %div3A_237 : vector<16xf32>
      %sub3A_239 = arith.constant -4.000000e+01 : f32
      %sub3A_240 = vector.broadcast %sub3A_239 : f32 to vector<16xf32>
      %sub3A_241 = arith.subf %gather3A_232, %sub3A_240 : vector<16xf32>
      %div3A_242 = arith.constant 8.000000e+01 : f32
      %div3A_243 = vector.broadcast %div3A_242 : f32 to vector<16xf32>
      %div3A_244 = arith.divf %sub3A_241, %div3A_243 : vector<16xf32>
      %ge3A_245 = arith.constant 0.000000e+00 : f32
      %ge3A_246 = vector.broadcast %ge3A_245 : f32 to vector<16xf32>
      %ge3A_247 = arith.cmpf oge, %div3A_238, %ge3A_246 : vector<16xf32>
      %lt3A_248 = arith.constant 1.000000e+00 : f32
      %lt3A_249 = vector.broadcast %lt3A_248 : f32 to vector<16xf32>
      %lt3A_250 = arith.cmpf olt, %div3A_238, %lt3A_249 : vector<16xf32>
      %and3A_251 = arith.andi %ge3A_247, %lt3A_250 : vector<16xi1>
      %ge3A_252 = arith.constant 0.000000e+00 : f32
      %ge3A_253 = vector.broadcast %ge3A_252 : f32 to vector<16xf32>
      %ge3A_254 = arith.cmpf oge, %div3A_244, %ge3A_253 : vector<16xf32>
      %and3A_255 = arith.andi %and3A_251, %ge3A_254 : vector<16xi1>
      %lt3A_256 = arith.constant 1.000000e+00 : f32
      %lt3A_257 = vector.broadcast %lt3A_256 : f32 to vector<16xf32>
      %lt3A_258 = arith.cmpf olt, %div3A_244, %lt3A_257 : vector<16xf32>
      %and3A_259 = arith.andi %and3A_255, %lt3A_258 : vector<16xi1>
      %jit3A_260 = arith.constant 5.000000e-01 : f32
      %broadcast_in_dim3A_261 = vector.broadcast %jit3A_260 : f32 to vector<16xf32>
      %select_n3A_262 = arith.select %and3A_259, %div3A_238, %broadcast_in_dim3A_261 : vector<16xi1>, vector<16xf32>
      %mul3A_263 = arith.constant 1.760000e+02 : f32
      %mul3A_264 = vector.broadcast %mul3A_263 : f32 to vector<16xf32>
      %mul3A_265 = arith.mulf %select_n3A_262, %mul3A_264 : vector<16xf32>
      %jit3A_266 = arith.constant 5.000000e-01 : f32
      %broadcast_in_dim3A_267 = vector.broadcast %jit3A_266 : f32 to vector<16xf32>
      %select_n3A_268 = arith.select %and3A_259, %div3A_244, %broadcast_in_dim3A_267 : vector<16xi1>, vector<16xf32>
      %mul3A_269 = arith.constant 2.000000e+02 : f32
      %mul3A_270 = vector.broadcast %mul3A_269 : f32 to vector<16xf32>
      %mul3A_271 = arith.mulf %select_n3A_268, %mul3A_270 : vector<16xf32>
      %convert_element_type3A_272 = arith.fptosi %mul3A_265 : vector<16xf32> to vector<16xi32>
      %convert_element_type3A_273 = arith.fptosi %mul3A_271 : vector<16xf32> to vector<16xi32>
      %convert_element_type3A_274 = arith.sitofp %convert_element_type3A_272 : vector<16xi32> to vector<16xf32>
      %add3A_275 = arith.constant 5.000000e-01 : f32
      %add3A_276 = vector.broadcast %add3A_275 : f32 to vector<16xf32>
      %add3A_277 = arith.addf %convert_element_type3A_274, %add3A_276 : vector<16xf32>
      %div3A_278 = arith.constant 1.760000e+02 : f32
      %div3A_279 = vector.broadcast %div3A_278 : f32 to vector<16xf32>
      %div3A_280 = arith.divf %add3A_277, %div3A_279 : vector<16xf32>
      %convert_element_type3A_281 = arith.sitofp %convert_element_type3A_273 : vector<16xi32> to vector<16xf32>
      %add3A_282 = arith.constant 5.000000e-01 : f32
      %add3A_283 = vector.broadcast %add3A_282 : f32 to vector<16xf32>
      %add3A_284 = arith.addf %convert_element_type3A_281, %add3A_283 : vector<16xf32>
      %div3A_285 = arith.constant 2.000000e+02 : f32
      %div3A_286 = vector.broadcast %div3A_285 : f32 to vector<16xf32>
      %div3A_287 = arith.divf %add3A_284, %div3A_286 : vector<16xf32>
      %mul3A_288 = arith.constant 176 : i32
      %mul3A_289 = vector.broadcast %mul3A_288 : i32 to vector<16xi32>
      %mul3A_290 = arith.muli %convert_element_type3A_273, %mul3A_289 : vector<16xi32>
      %add3A_291 = arith.addi %mul3A_290, %convert_element_type3A_272 : vector<16xi32>
      %sub3A_292 = arith.subf %div3A_238, %div3A_280 : vector<16xf32>
      %mul3A_293 = arith.constant 1.760000e+02 : f32
      %mul3A_294 = vector.broadcast %mul3A_293 : f32 to vector<16xf32>
      %mul3A_295 = arith.mulf %sub3A_292, %mul3A_294 : vector<16xf32>
      %sub3A_296 = arith.subf %div3A_244, %div3A_287 : vector<16xf32>
      %mul3A_297 = arith.constant 2.000000e+02 : f32
      %mul3A_298 = vector.broadcast %mul3A_297 : f32 to vector<16xf32>
      %mul3A_299 = arith.mulf %sub3A_296, %mul3A_298 : vector<16xf32>
      %mul3A_300 = arith.constant 7 : i32
      %mul3A_301 = vector.broadcast %mul3A_300 : i32 to vector<16xi32>
      %mul3A_302 = arith.muli %iota3A, %mul3A_301 : vector<16xi32>
      %add3A_303 = arith.constant 112 : i32
      %add3A_304 = vector.broadcast %add3A_303 : i32 to vector<16xi32>
      %add3A_305 = arith.addi %mul3A_302, %add3A_304 : vector<16xi32>
      %add3A_306 = arith.constant 2 : i32
      %add3A_307 = vector.broadcast %add3A_306 : i32 to vector<16xi32>
      %add3A_308 = arith.addi %add3A_305, %add3A_307 : vector<16xi32>
      %gather3A_309 = tpu.vector_load_idx %arg7[%add3A_308] : memref<448xf32, #tpu.memory_space<vmem>>[vector<16xi32>], vector<16xf32>,
      %mul3A_310 = arith.constant 7 : i32
      %mul3A_311 = vector.broadcast %mul3A_310 : i32 to vector<16xi32>
      %mul3A_312 = arith.muli %iota3A, %mul3A_311 : vector<16xi32>
      %add3A_313 = arith.constant 112 : i32
      %add3A_314 = vector.broadcast %add3A_313 : i32 to vector<16xi32>
      %add3A_315 = arith.addi %mul3A_312, %add3A_314 : vector<16xi32>
      %add3A_316 = arith.constant 3 : i32
      %add3A_317 = vector.broadcast %add3A_316 : i32 to vector<16xi32>
      %add3A_318 = arith.addi %add3A_315, %add3A_317 : vector<16xi32>
      %gather3A_319 = tpu.vector_load_idx %arg7[%add3A_318] : memref<448xf32, #tpu.memory_space<vmem>>[vector<16xi32>], vector<16xf32>,
      %mul3A_320 = arith.constant 7 : i32
      %mul3A_321 = vector.broadcast %mul3A_320 : i32 to vector<16xi32>
      %mul3A_322 = arith.muli %iota3A, %mul3A_321 : vector<16xi32>
      %add3A_323 = arith.constant 112 : i32
      %add3A_324 = vector.broadcast %add3A_323 : i32 to vector<16xi32>
      %add3A_325 = arith.addi %mul3A_322, %add3A_324 : vector<16xi32>
      %add3A_326 = arith.constant 4 : i32
      %add3A_327 = vector.broadcast %add3A_326 : i32 to vector<16xi32>
      %add3A_328 = arith.addi %add3A_325, %add3A_327 : vector<16xi32>
      %gather3A_329 = tpu.vector_load_idx %arg7[%add3A_328] : memref<448xf32, #tpu.memory_space<vmem>>[vector<16xi32>], vector<16xf32>,
      %mul3A_330 = arith.constant 7 : i32
      %mul3A_331 = vector.broadcast %mul3A_330 : i32 to vector<16xi32>
      %mul3A_332 = arith.muli %iota3A, %mul3A_331 : vector<16xi32>
      %add3A_333 = arith.constant 112 : i32
      %add3A_334 = vector.broadcast %add3A_333 : i32 to vector<16xi32>
      %add3A_335 = arith.addi %mul3A_332, %add3A_334 : vector<16xi32>
      %add3A_336 = arith.constant 5 : i32
      %add3A_337 = vector.broadcast %add3A_336 : i32 to vector<16xi32>
      %add3A_338 = arith.addi %add3A_335, %add3A_337 : vector<16xi32>
      %gather3A_339 = tpu.vector_load_idx %arg7[%add3A_338] : memref<448xf32, #tpu.memory_space<vmem>>[vector<16xi32>], vector<16xf32>,
      %mul3A_340 = arith.constant 7 : i32
      %mul3A_341 = vector.broadcast %mul3A_340 : i32 to vector<16xi32>
      %mul3A_342 = arith.muli %iota3A, %mul3A_341 : vector<16xi32>
      %add3A_343 = arith.constant 112 : i32
      %add3A_344 = vector.broadcast %add3A_343 : i32 to vector<16xi32>
      %add3A_345 = arith.addi %mul3A_342, %add3A_344 : vector<16xi32>
      %add3A_346 = arith.constant 6 : i32
      %add3A_347 = vector.broadcast %add3A_346 : i32 to vector<16xi32>
      %add3A_348 = arith.addi %add3A_345, %add3A_347 : vector<16xi32>
      %gather3A_349 = tpu.vector_load_idx %arg7[%add3A_348] : memref<448xf32, #tpu.memory_space<vmem>>[vector<16xi32>], vector<16xf32>,
      %mul3A_350 = arith.constant 7 : i32
      %mul3A_351 = vector.broadcast %mul3A_350 : i32 to vector<16xi32>
      %mul3A_352 = arith.muli %iota3A, %mul3A_351 : vector<16xi32>
      %add3A_353 = arith.constant 224 : i32
      %add3A_354 = vector.broadcast %add3A_353 : i32 to vector<16xi32>
      %add3A_355 = arith.addi %mul3A_352, %add3A_354 : vector<16xi32>
      %add3A_356 = arith.constant 0 : i32
      %add3A_357 = vector.broadcast %add3A_356 : i32 to vector<16xi32>
      %add3A_358 = arith.addi %add3A_355, %add3A_357 : vector<16xi32>
      %gather3A_359 = tpu.vector_load_idx %arg7[%add3A_358] : memref<448xf32, #tpu.memory_space<vmem>>[vector<16xi32>], vector<16xf32>,
      %mul3A_360 = arith.constant 7 : i32
      %mul3A_361 = vector.broadcast %mul3A_360 : i32 to vector<16xi32>
      %mul3A_362 = arith.muli %iota3A, %mul3A_361 : vector<16xi32>
      %add3A_363 = arith.constant 224 : i32
      %add3A_364 = vector.broadcast %add3A_363 : i32 to vector<16xi32>
      %add3A_365 = arith.addi %mul3A_362, %add3A_364 : vector<16xi32>
      %add3A_366 = arith.constant 1 : i32
      %add3A_367 = vector.broadcast %add3A_366 : i32 to vector<16xi32>
      %add3A_368 = arith.addi %add3A_365, %add3A_367 : vector<16xi32>
      %gather3A_369 = tpu.vector_load_idx %arg7[%add3A_368] : memref<448xf32, #tpu.memory_space<vmem>>[vector<16xi32>], vector<16xf32>,
      %sub3A_370 = arith.constant 0.000000e+00 : f32
      %sub3A_371 = vector.broadcast %sub3A_370 : f32 to vector<16xf32>
      %sub3A_372 = arith.subf %gather3A_359, %sub3A_371 : vector<16xf32>
      %div3A_373 = arith.constant 7.000000e+01 : f32
      %div3A_374 = vector.broadcast %div3A_373 : f32 to vector<16xf32>
      %div3A_375 = arith.divf %sub3A_372, %div3A_374 : vector<16xf32>
      %sub3A_376 = arith.constant -4.000000e+01 : f32
      %sub3A_377 = vector.broadcast %sub3A_376 : f32 to vector<16xf32>
      %sub3A_378 = arith.subf %gather3A_369, %sub3A_377 : vector<16xf32>
      %div3A_379 = arith.constant 8.000000e+01 : f32
      %div3A_380 = vector.broadcast %div3A_379 : f32 to vector<16xf32>
      %div3A_381 = arith.divf %sub3A_378, %div3A_380 : vector<16xf32>
      %ge3A_382 = arith.constant 0.000000e+00 : f32
      %ge3A_383 = vector.broadcast %ge3A_382 : f32 to vector<16xf32>
      %ge3A_384 = arith.cmpf oge, %div3A_375, %ge3A_383 : vector<16xf32>
      %lt3A_385 = arith.constant 1.000000e+00 : f32
      %lt3A_386 = vector.broadcast %lt3A_385 : f32 to vector<16xf32>
      %lt3A_387 = arith.cmpf olt, %div3A_375, %lt3A_386 : vector<16xf32>
      %and3A_388 = arith.andi %ge3A_384, %lt3A_387 : vector<16xi1>
      %ge3A_389 = arith.constant 0.000000e+00 : f32
      %ge3A_390 = vector.broadcast %ge3A_389 : f32 to vector<16xf32>
      %ge3A_391 = arith.cmpf oge, %div3A_381, %ge3A_390 : vector<16xf32>
      %and3A_392 = arith.andi %and3A_388, %ge3A_391 : vector<16xi1>
      %lt3A_393 = arith.constant 1.000000e+00 : f32
      %lt3A_394 = vector.broadcast %lt3A_393 : f32 to vector<16xf32>
      %lt3A_395 = arith.cmpf olt, %div3A_381, %lt3A_394 : vector<16xf32>
      %and3A_396 = arith.andi %and3A_392, %lt3A_395 : vector<16xi1>
      %jit3A_397 = arith.constant 5.000000e-01 : f32
      %broadcast_in_dim3A_398 = vector.broadcast %jit3A_397 : f32 to vector<16xf32>
      %select_n3A_399 = arith.select %and3A_396, %div3A_375, %broadcast_in_dim3A_398 : vector<16xi1>, vector<16xf32>
      %mul3A_400 = arith.constant 1.760000e+02 : f32
      %mul3A_401 = vector.broadcast %mul3A_400 : f32 to vector<16xf32>
      %mul3A_402 = arith.mulf %select_n3A_399, %mul3A_401 : vector<16xf32>
      %jit3A_403 = arith.constant 5.000000e-01 : f32
      %broadcast_in_dim3A_404 = vector.broadcast %jit3A_403 : f32 to vector<16xf32>
      %select_n3A_405 = arith.select %and3A_396, %div3A_381, %broadcast_in_dim3A_404 : vector<16xi1>, vector<16xf32>
      %mul3A_406 = arith.constant 2.000000e+02 : f32
      %mul3A_407 = vector.broadcast %mul3A_406 : f32 to vector<16xf32>
      %mul3A_408 = arith.mulf %select_n3A_405, %mul3A_407 : vector<16xf32>
      %convert_element_type3A_409 = arith.fptosi %mul3A_402 : vector<16xf32> to vector<16xi32>
      %convert_element_type3A_410 = arith.fptosi %mul3A_408 : vector<16xf32> to vector<16xi32>
      %convert_element_type3A_411 = arith.sitofp %convert_element_type3A_409 : vector<16xi32> to vector<16xf32>
      %add3A_412 = arith.constant 5.000000e-01 : f32
      %add3A_413 = vector.broadcast %add3A_412 : f32 to vector<16xf32>
      %add3A_414 = arith.addf %convert_element_type3A_411, %add3A_413 : vector<16xf32>
      %div3A_415 = arith.constant 1.760000e+02 : f32
      %div3A_416 = vector.broadcast %div3A_415 : f32 to vector<16xf32>
      %div3A_417 = arith.divf %add3A_414, %div3A_416 : vector<16xf32>
      %convert_element_type3A_418 = arith.sitofp %convert_element_type3A_410 : vector<16xi32> to vector<16xf32>
      %add3A_419 = arith.constant 5.000000e-01 : f32
      %add3A_420 = vector.broadcast %add3A_419 : f32 to vector<16xf32>
      %add3A_421 = arith.addf %convert_element_type3A_418, %add3A_420 : vector<16xf32>
      %div3A_422 = arith.constant 2.000000e+02 : f32
      %div3A_423 = vector.broadcast %div3A_422 : f32 to vector<16xf32>
      %div3A_424 = arith.divf %add3A_421, %div3A_423 : vector<16xf32>
      %mul3A_425 = arith.constant 176 : i32
      %mul3A_426 = vector.broadcast %mul3A_425 : i32 to vector<16xi32>
      %mul3A_427 = arith.muli %convert_element_type3A_410, %mul3A_426 : vector<16xi32>
      %add3A_428 = arith.addi %mul3A_427, %convert_element_type3A_409 : vector<16xi32>
      %sub3A_429 = arith.subf %div3A_375, %div3A_417 : vector<16xf32>
      %mul3A_430 = arith.constant 1.760000e+02 : f32
      %mul3A_431 = vector.broadcast %mul3A_430 : f32 to vector<16xf32>
      %mul3A_432 = arith.mulf %sub3A_429, %mul3A_431 : vector<16xf32>
      %sub3A_433 = arith.subf %div3A_381, %div3A_424 : vector<16xf32>
      %mul3A_434 = arith.constant 2.000000e+02 : f32
      %mul3A_435 = vector.broadcast %mul3A_434 : f32 to vector<16xf32>
      %mul3A_436 = arith.mulf %sub3A_433, %mul3A_435 : vector<16xf32>
      %mul3A_437 = arith.constant 7 : i32
      %mul3A_438 = vector.broadcast %mul3A_437 : i32 to vector<16xi32>
      %mul3A_439 = arith.muli %iota3A, %mul3A_438 : vector<16xi32>
      %add3A_440 = arith.constant 224 : i32
      %add3A_441 = vector.broadcast %add3A_440 : i32 to vector<16xi32>
      %add3A_442 = arith.addi %mul3A_439, %add3A_441 : vector<16xi32>
      %add3A_443 = arith.constant 2 : i32
      %add3A_444 = vector.broadcast %add3A_443 : i32 to vector<16xi32>
      %add3A_445 = arith.addi %add3A_442, %add3A_444 : vector<16xi32>
      %gather3A_446 = tpu.vector_load_idx %arg7[%add3A_445] : memref<448xf32, #tpu.memory_space<vmem>>[vector<16xi32>], vector<16xf32>,
      %mul3A_447 = arith.constant 7 : i32
      %mul3A_448 = vector.broadcast %mul3A_447 : i32 to vector<16xi32>
      %mul3A_449 = arith.muli %iota3A, %mul3A_448 : vector<16xi32>
      %add3A_450 = arith.constant 224 : i32
      %add3A_451 = vector.broadcast %add3A_450 : i32 to vector<16xi32>
      %add3A_452 = arith.addi %mul3A_449, %add3A_451 : vector<16xi32>
      %add3A_453 = arith.constant 3 : i32
      %add3A_454 = vector.broadcast %add3A_453 : i32 to vector<16xi32>
      %add3A_455 = arith.addi %add3A_452, %add3A_454 : vector<16xi32>
      %gather3A_456 = tpu.vector_load_idx %arg7[%add3A_455] : memref<448xf32, #tpu.memory_space<vmem>>[vector<16xi32>], vector<16xf32>,
      %mul3A_457 = arith.constant 7 : i32
      %mul3A_458 = vector.broadcast %mul3A_457 : i32 to vector<16xi32>
      %mul3A_459 = arith.muli %iota3A, %mul3A_458 : vector<16xi32>
      %add3A_460 = arith.constant 224 : i32
      %add3A_461 = vector.broadcast %add3A_460 : i32 to vector<16xi32>
      %add3A_462 = arith.addi %mul3A_459, %add3A_461 : vector<16xi32>
      %add3A_463 = arith.constant 4 : i32
      %add3A_464 = vector.broadcast %add3A_463 : i32 to vector<16xi32>
      %add3A_465 = arith.addi %add3A_462, %add3A_464 : vector<16xi32>
      %gather3A_466 = tpu.vector_load_idx %arg7[%add3A_465] : memref<448xf32, #tpu.memory_space<vmem>>[vector<16xi32>], vector<16xf32>,
      %mul3A_467 = arith.constant 7 : i32
      %mul3A_468 = vector.broadcast %mul3A_467 : i32 to vector<16xi32>
      %mul3A_469 = arith.muli %iota3A, %mul3A_468 : vector<16xi32>
      %add3A_470 = arith.constant 224 : i32
      %add3A_471 = vector.broadcast %add3A_470 : i32 to vector<16xi32>
      %add3A_472 = arith.addi %mul3A_469, %add3A_471 : vector<16xi32>
      %add3A_473 = arith.constant 5 : i32
      %add3A_474 = vector.broadcast %add3A_473 : i32 to vector<16xi32>
      %add3A_475 = arith.addi %add3A_472, %add3A_474 : vector<16xi32>
      %gather3A_476 = tpu.vector_load_idx %arg7[%add3A_475] : memref<448xf32, #tpu.memory_space<vmem>>[vector<16xi32>], vector<16xf32>,
      %mul3A_477 = arith.constant 7 : i32
      %mul3A_478 = vector.broadcast %mul3A_477 : i32 to vector<16xi32>
      %mul3A_479 = arith.muli %iota3A, %mul3A_478 : vector<16xi32>
      %add3A_480 = arith.constant 224 : i32
      %add3A_481 = vector.broadcast %add3A_480 : i32 to vector<16xi32>
      %add3A_482 = arith.addi %mul3A_479, %add3A_481 : vector<16xi32>
      %add3A_483 = arith.constant 6 : i32
      %add3A_484 = vector.broadcast %add3A_483 : i32 to vector<16xi32>
      %add3A_485 = arith.addi %add3A_482, %add3A_484 : vector<16xi32>
      %gather3A_486 = tpu.vector_load_idx %arg7[%add3A_485] : memref<448xf32, #tpu.memory_space<vmem>>[vector<16xi32>], vector<16xf32>,
      %mul3A_487 = arith.constant 7 : i32
      %mul3A_488 = vector.broadcast %mul3A_487 : i32 to vector<16xi32>
      %mul3A_489 = arith.muli %iota3A, %mul3A_488 : vector<16xi32>
      %add3A_490 = arith.constant 336 : i32
      %add3A_491 = vector.broadcast %add3A_490 : i32 to vector<16xi32>
      %add3A_492 = arith.addi %mul3A_489, %add3A_491 : vector<16xi32>
      %add3A_493 = arith.constant 0 : i32
      %add3A_494 = vector.broadcast %add3A_493 : i32 to vector<16xi32>
      %add3A_495 = arith.addi %add3A_492, %add3A_494 : vector<16xi32>
      %gather3A_496 = tpu.vector_load_idx %arg7[%add3A_495] : memref<448xf32, #tpu.memory_space<vmem>>[vector<16xi32>], vector<16xf32>,
      %mul3A_497 = arith.constant 7 : i32
      %mul3A_498 = vector.broadcast %mul3A_497 : i32 to vector<16xi32>
      %mul3A_499 = arith.muli %iota3A, %mul3A_498 : vector<16xi32>
      %add3A_500 = arith.constant 336 : i32
      %add3A_501 = vector.broadcast %add3A_500 : i32 to vector<16xi32>
      %add3A_502 = arith.addi %mul3A_499, %add3A_501 : vector<16xi32>
      %add3A_503 = arith.constant 1 : i32
      %add3A_504 = vector.broadcast %add3A_503 : i32 to vector<16xi32>
      %add3A_505 = arith.addi %add3A_502, %add3A_504 : vector<16xi32>
      %gather3A_506 = tpu.vector_load_idx %arg7[%add3A_505] : memref<448xf32, #tpu.memory_space<vmem>>[vector<16xi32>], vector<16xf32>,
      %sub3A_507 = arith.constant 0.000000e+00 : f32
      %sub3A_508 = vector.broadcast %sub3A_507 : f32 to vector<16xf32>
      %sub3A_509 = arith.subf %gather3A_496, %sub3A_508 : vector<16xf32>
      %div3A_510 = arith.constant 7.000000e+01 : f32
      %div3A_511 = vector.broadcast %div3A_510 : f32 to vector<16xf32>
      %div3A_512 = arith.divf %sub3A_509, %div3A_511 : vector<16xf32>
      %sub3A_513 = arith.constant -4.000000e+01 : f32
      %sub3A_514 = vector.broadcast %sub3A_513 : f32 to vector<16xf32>
      %sub3A_515 = arith.subf %gather3A_506, %sub3A_514 : vector<16xf32>
      %div3A_516 = arith.constant 8.000000e+01 : f32
      %div3A_517 = vector.broadcast %div3A_516 : f32 to vector<16xf32>
      %div3A_518 = arith.divf %sub3A_515, %div3A_517 : vector<16xf32>
      %ge3A_519 = arith.constant 0.000000e+00 : f32
      %ge3A_520 = vector.broadcast %ge3A_519 : f32 to vector<16xf32>
      %ge3A_521 = arith.cmpf oge, %div3A_512, %ge3A_520 : vector<16xf32>
      %lt3A_522 = arith.constant 1.000000e+00 : f32
      %lt3A_523 = vector.broadcast %lt3A_522 : f32 to vector<16xf32>
      %lt3A_524 = arith.cmpf olt, %div3A_512, %lt3A_523 : vector<16xf32>
      %and3A_525 = arith.andi %ge3A_521, %lt3A_524 : vector<16xi1>
      %ge3A_526 = arith.constant 0.000000e+00 : f32
      %ge3A_527 = vector.broadcast %ge3A_526 : f32 to vector<16xf32>
      %ge3A_528 = arith.cmpf oge, %div3A_518, %ge3A_527 : vector<16xf32>
      %and3A_529 = arith.andi %and3A_525, %ge3A_528 : vector<16xi1>
      %lt3A_530 = arith.constant 1.000000e+00 : f32
      %lt3A_531 = vector.broadcast %lt3A_530 : f32 to vector<16xf32>
      %lt3A_532 = arith.cmpf olt, %div3A_518, %lt3A_531 : vector<16xf32>
      %and3A_533 = arith.andi %and3A_529, %lt3A_532 : vector<16xi1>
      %jit3A_534 = arith.constant 5.000000e-01 : f32
      %broadcast_in_dim3A_535 = vector.broadcast %jit3A_534 : f32 to vector<16xf32>
      %select_n3A_536 = arith.select %and3A_533, %div3A_512, %broadcast_in_dim3A_535 : vector<16xi1>, vector<16xf32>
      %mul3A_537 = arith.constant 1.760000e+02 : f32
      %mul3A_538 = vector.broadcast %mul3A_537 : f32 to vector<16xf32>
      %mul3A_539 = arith.mulf %select_n3A_536, %mul3A_538 : vector<16xf32>
      %jit3A_540 = arith.constant 5.000000e-01 : f32
      %broadcast_in_dim3A_541 = vector.broadcast %jit3A_540 : f32 to vector<16xf32>
      %select_n3A_542 = arith.select %and3A_533, %div3A_518, %broadcast_in_dim3A_541 : vector<16xi1>, vector<16xf32>
      %mul3A_543 = arith.constant 2.000000e+02 : f32
      %mul3A_544 = vector.broadcast %mul3A_543 : f32 to vector<16xf32>
      %mul3A_545 = arith.mulf %select_n3A_542, %mul3A_544 : vector<16xf32>
      %convert_element_type3A_546 = arith.fptosi %mul3A_539 : vector<16xf32> to vector<16xi32>
      %convert_element_type3A_547 = arith.fptosi %mul3A_545 : vector<16xf32> to vector<16xi32>
      %convert_element_type3A_548 = arith.sitofp %convert_element_type3A_546 : vector<16xi32> to vector<16xf32>
      %add3A_549 = arith.constant 5.000000e-01 : f32
      %add3A_550 = vector.broadcast %add3A_549 : f32 to vector<16xf32>
      %add3A_551 = arith.addf %convert_element_type3A_548, %add3A_550 : vector<16xf32>
      %div3A_552 = arith.constant 1.760000e+02 : f32
      %div3A_553 = vector.broadcast %div3A_552 : f32 to vector<16xf32>
      %div3A_554 = arith.divf %add3A_551, %div3A_553 : vector<16xf32>
      %convert_element_type3A_555 = arith.sitofp %convert_element_type3A_547 : vector<16xi32> to vector<16xf32>
      %add3A_556 = arith.constant 5.000000e-01 : f32
      %add3A_557 = vector.broadcast %add3A_556 : f32 to vector<16xf32>
      %add3A_558 = arith.addf %convert_element_type3A_555, %add3A_557 : vector<16xf32>
      %div3A_559 = arith.constant 2.000000e+02 : f32
      %div3A_560 = vector.broadcast %div3A_559 : f32 to vector<16xf32>
      %div3A_561 = arith.divf %add3A_558, %div3A_560 : vector<16xf32>
      %mul3A_562 = arith.constant 176 : i32
      %mul3A_563 = vector.broadcast %mul3A_562 : i32 to vector<16xi32>
      %mul3A_564 = arith.muli %convert_element_type3A_547, %mul3A_563 : vector<16xi32>
      %add3A_565 = arith.addi %mul3A_564, %convert_element_type3A_546 : vector<16xi32>
      %sub3A_566 = arith.subf %div3A_512, %div3A_554 : vector<16xf32>
      %mul3A_567 = arith.constant 1.760000e+02 : f32
      %mul3A_568 = vector.broadcast %mul3A_567 : f32 to vector<16xf32>
      %mul3A_569 = arith.mulf %sub3A_566, %mul3A_568 : vector<16xf32>
      %sub3A_570 = arith.subf %div3A_518, %div3A_561 : vector<16xf32>
      %mul3A_571 = arith.constant 2.000000e+02 : f32
      %mul3A_572 = vector.broadcast %mul3A_571 : f32 to vector<16xf32>
      %mul3A_573 = arith.mulf %sub3A_570, %mul3A_572 : vector<16xf32>
      %mul3A_574 = arith.constant 7 : i32
      %mul3A_575 = vector.broadcast %mul3A_574 : i32 to vector<16xi32>
      %mul3A_576 = arith.muli %iota3A, %mul3A_575 : vector<16xi32>
      %add3A_577 = arith.constant 336 : i32
      %add3A_578 = vector.broadcast %add3A_577 : i32 to vector<16xi32>
      %add3A_579 = arith.addi %mul3A_576, %add3A_578 : vector<16xi32>
      %add3A_580 = arith.constant 2 : i32
      %add3A_581 = vector.broadcast %add3A_580 : i32 to vector<16xi32>
      %add3A_582 = arith.addi %add3A_579, %add3A_581 : vector<16xi32>
      %gather3A_583 = tpu.vector_load_idx %arg7[%add3A_582] : memref<448xf32, #tpu.memory_space<vmem>>[vector<16xi32>], vector<16xf32>,
      %mul3A_584 = arith.constant 7 : i32
      %mul3A_585 = vector.broadcast %mul3A_584 : i32 to vector<16xi32>
      %mul3A_586 = arith.muli %iota3A, %mul3A_585 : vector<16xi32>
      %add3A_587 = arith.constant 336 : i32
      %add3A_588 = vector.broadcast %add3A_587 : i32 to vector<16xi32>
      %add3A_589 = arith.addi %mul3A_586, %add3A_588 : vector<16xi32>
      %add3A_590 = arith.constant 3 : i32
      %add3A_591 = vector.broadcast %add3A_590 : i32 to vector<16xi32>
      %add3A_592 = arith.addi %add3A_589, %add3A_591 : vector<16xi32>
      %gather3A_593 = tpu.vector_load_idx %arg7[%add3A_592] : memref<448xf32, #tpu.memory_space<vmem>>[vector<16xi32>], vector<16xf32>,
      %mul3A_594 = arith.constant 7 : i32
      %mul3A_595 = vector.broadcast %mul3A_594 : i32 to vector<16xi32>
      %mul3A_596 = arith.muli %iota3A, %mul3A_595 : vector<16xi32>
      %add3A_597 = arith.constant 336 : i32
      %add3A_598 = vector.broadcast %add3A_597 : i32 to vector<16xi32>
      %add3A_599 = arith.addi %mul3A_596, %add3A_598 : vector<16xi32>
      %add3A_600 = arith.constant 4 : i32
      %add3A_601 = vector.broadcast %add3A_600 : i32 to vector<16xi32>
      %add3A_602 = arith.addi %add3A_599, %add3A_601 : vector<16xi32>
      %gather3A_603 = tpu.vector_load_idx %arg7[%add3A_602] : memref<448xf32, #tpu.memory_space<vmem>>[vector<16xi32>], vector<16xf32>,
      %mul3A_604 = arith.constant 7 : i32
      %mul3A_605 = vector.broadcast %mul3A_604 : i32 to vector<16xi32>
      %mul3A_606 = arith.muli %iota3A, %mul3A_605 : vector<16xi32>
      %add3A_607 = arith.constant 336 : i32
      %add3A_608 = vector.broadcast %add3A_607 : i32 to vector<16xi32>
      %add3A_609 = arith.addi %mul3A_606, %add3A_608 : vector<16xi32>
      %add3A_610 = arith.constant 5 : i32
      %add3A_611 = vector.broadcast %add3A_610 : i32 to vector<16xi32>
      %add3A_612 = arith.addi %add3A_609, %add3A_611 : vector<16xi32>
      %gather3A_613 = tpu.vector_load_idx %arg7[%add3A_612] : memref<448xf32, #tpu.memory_space<vmem>>[vector<16xi32>], vector<16xf32>,
      %mul3A_614 = arith.constant 7 : i32
      %mul3A_615 = vector.broadcast %mul3A_614 : i32 to vector<16xi32>
      %mul3A_616 = arith.muli %iota3A, %mul3A_615 : vector<16xi32>
      %add3A_617 = arith.constant 336 : i32
      %add3A_618 = vector.broadcast %add3A_617 : i32 to vector<16xi32>
      %add3A_619 = arith.addi %mul3A_616, %add3A_618 : vector<16xi32>
      %add3A_620 = arith.constant 6 : i32
      %add3A_621 = vector.broadcast %add3A_620 : i32 to vector<16xi32>
      %add3A_622 = arith.addi %add3A_619, %add3A_621 : vector<16xi32>
      %gather3A_623 = tpu.vector_load_idx %arg7[%add3A_622] : memref<448xf32, #tpu.memory_space<vmem>>[vector<16xi32>], vector<16xf32>,
      %scan3A = arith.constant 0 : i32
      %scan3A_624 = arith.constant 0 : i32
      %scan3A_625 = arith.constant 16 : i32
      %scan3A_626 = arith.addi %scan3A_624, %scan3A_625 : i32
      %scan3A_627 = arith.constant 1 : i32
      scf.for %scan3A_1961 = %scan3A_624 to %scan3A_626 step %scan3A_627  : i32 {
        %eq3A_1962 = vector.broadcast %scan3A_1961 : i32 to vector<16xi32>
        %eq3A_1963 = arith.cmpi eq, %iota3A, %eq3A_1962 : vector<16xi32>
        %and3A_1964 = arith.andi %eq3A_1963, %and3A_122 : vector<16xi1>
        %add3A_1965 = arith.constant 0 : i32
        %add3A_1966 = vector.broadcast %add3A_1965 : i32 to vector<16xi32>
        %add3A_1967 = arith.addi %iota3A, %add3A_1966 : vector<16xi32>
        tpu.vector_store_idx %arg8[%add3A_154], %add3A_1967 masked %and3A_1964 : memref<35200xi32, #tpu.memory_space<vmem>>[vector<16xi32>], vector<16xi32>, vector<16xi1>
      }
      %scan3A_628 = arith.constant 16 : i32
      %scan3A_629 = arith.constant 0 : i32
      %scan3A_630 = arith.constant 0 : i32
      %scan3A_631 = arith.constant 16 : i32
      %scan3A_632 = arith.addi %scan3A_630, %scan3A_631 : i32
      %scan3A_633 = arith.constant 1 : i32
      scf.for %scan3A_1961 = %scan3A_630 to %scan3A_632 step %scan3A_633  : i32 {
        %eq3A_1962 = vector.broadcast %scan3A_1961 : i32 to vector<16xi32>
        %eq3A_1963 = arith.cmpi eq, %iota3A, %eq3A_1962 : vector<16xi32>
        %and3A_1964 = arith.andi %eq3A_1963, %and3A_259 : vector<16xi1>
        %add3A_1965 = arith.constant 16 : i32
        %add3A_1966 = vector.broadcast %add3A_1965 : i32 to vector<16xi32>
        %add3A_1967 = arith.addi %iota3A, %add3A_1966 : vector<16xi32>
        tpu.vector_store_idx %arg8[%add3A_291], %add3A_1967 masked %and3A_1964 : memref<35200xi32, #tpu.memory_space<vmem>>[vector<16xi32>], vector<16xi32>, vector<16xi1>
      }
      %scan3A_634 = arith.constant 16 : i32
      %scan3A_635 = arith.constant 0 : i32
      %scan3A_636 = arith.constant 0 : i32
      %scan3A_637 = arith.constant 16 : i32
      %scan3A_638 = arith.addi %scan3A_636, %scan3A_637 : i32
      %scan3A_639 = arith.constant 1 : i32
      scf.for %scan3A_1961 = %scan3A_636 to %scan3A_638 step %scan3A_639  : i32 {
        %eq3A_1962 = vector.broadcast %scan3A_1961 : i32 to vector<16xi32>
        %eq3A_1963 = arith.cmpi eq, %iota3A, %eq3A_1962 : vector<16xi32>
        %and3A_1964 = arith.andi %eq3A_1963, %and3A_396 : vector<16xi1>
        %add3A_1965 = arith.constant 32 : i32
        %add3A_1966 = vector.broadcast %add3A_1965 : i32 to vector<16xi32>
        %add3A_1967 = arith.addi %iota3A, %add3A_1966 : vector<16xi32>
        tpu.vector_store_idx %arg8[%add3A_428], %add3A_1967 masked %and3A_1964 : memref<35200xi32, #tpu.memory_space<vmem>>[vector<16xi32>], vector<16xi32>, vector<16xi1>
      }
      %scan3A_640 = arith.constant 16 : i32
      %scan3A_641 = arith.constant 0 : i32
      %scan3A_642 = arith.constant 0 : i32
      %scan3A_643 = arith.constant 16 : i32
      %scan3A_644 = arith.addi %scan3A_642, %scan3A_643 : i32
      %scan3A_645 = arith.constant 1 : i32
      scf.for %scan3A_1961 = %scan3A_642 to %scan3A_644 step %scan3A_645  : i32 {
        %eq3A_1962 = vector.broadcast %scan3A_1961 : i32 to vector<16xi32>
        %eq3A_1963 = arith.cmpi eq, %iota3A, %eq3A_1962 : vector<16xi32>
        %and3A_1964 = arith.andi %eq3A_1963, %and3A_533 : vector<16xi1>
        %add3A_1965 = arith.constant 48 : i32
        %add3A_1966 = vector.broadcast %add3A_1965 : i32 to vector<16xi32>
        %add3A_1967 = arith.addi %iota3A, %add3A_1966 : vector<16xi32>
        tpu.vector_store_idx %arg8[%add3A_565], %add3A_1967 masked %and3A_1964 : memref<35200xi32, #tpu.memory_space<vmem>>[vector<16xi32>], vector<16xi32>, vector<16xi1>
      }
      %scan3A_646 = arith.constant 16 : i32
      %gather3A_647 = tpu.vector_load_idx %arg8[%add3A_154] : memref<35200xi32, #tpu.memory_space<vmem>>[vector<16xi32>], vector<16xi32>,
      %add3A_648 = arith.constant 0 : i32
      %add3A_649 = vector.broadcast %add3A_648 : i32 to vector<16xi32>
      %add3A_650 = arith.addi %iota3A, %add3A_649 : vector<16xi32>
      %eq3A = arith.cmpi eq, %gather3A_647, %add3A_650 : vector<16xi32>
      %and3A_651 = arith.andi %eq3A, %and3A_122 : vector<16xi1>
      %jit3A_652 = arith.constant 1.000000e+00 : f32
      %jit3A_653 = arith.constant 0.000000e+00 : f32
      %broadcast_in_dim3A_654 = vector.broadcast %jit3A_652 : f32 to vector<16xf32>
      %broadcast_in_dim3A_655 = vector.broadcast %jit3A_653 : f32 to vector<16xf32>
      %select_n3A_656 = arith.select %and3A_651, %broadcast_in_dim3A_654, %broadcast_in_dim3A_655 : vector<16xi1>, vector<16xf32>
      %reduce_sum3A = arith.constant true
      %reduce_sum3A_657 = vector.broadcast %reduce_sum3A : i1 to vector<16xi1>
      %reduce_sum3A_658 = tpu.scan <sum>, %select_n3A_656 masked %reduce_sum3A_657 : vector<16xf32>, vector<16xi1> -> vector<16xf32>
      %reduce_sum3A_659 = vector.extract %reduce_sum3A_658[15] : f32 from vector<16xf32>
      %add3A_660 = arith.constant 0.000000e+00 : f32
      %add3A_661 = arith.addf %add3A_660, %reduce_sum3A_659 : f32
      %gather3A_662 = tpu.vector_load_idx %arg8[%add3A_291] : memref<35200xi32, #tpu.memory_space<vmem>>[vector<16xi32>], vector<16xi32>,
      %add3A_663 = arith.constant 16 : i32
      %add3A_664 = vector.broadcast %add3A_663 : i32 to vector<16xi32>
      %add3A_665 = arith.addi %iota3A, %add3A_664 : vector<16xi32>
      %eq3A_666 = arith.cmpi eq, %gather3A_662, %add3A_665 : vector<16xi32>
      %and3A_667 = arith.andi %eq3A_666, %and3A_259 : vector<16xi1>
      %jit3A_668 = arith.constant 1.000000e+00 : f32
      %jit3A_669 = arith.constant 0.000000e+00 : f32
      %broadcast_in_dim3A_670 = vector.broadcast %jit3A_668 : f32 to vector<16xf32>
      %broadcast_in_dim3A_671 = vector.broadcast %jit3A_669 : f32 to vector<16xf32>
      %select_n3A_672 = arith.select %and3A_667, %broadcast_in_dim3A_670, %broadcast_in_dim3A_671 : vector<16xi1>, vector<16xf32>
      %reduce_sum3A_673 = arith.constant true
      %reduce_sum3A_674 = vector.broadcast %reduce_sum3A_673 : i1 to vector<16xi1>
      %reduce_sum3A_675 = tpu.scan <sum>, %select_n3A_672 masked %reduce_sum3A_674 : vector<16xf32>, vector<16xi1> -> vector<16xf32>
      %reduce_sum3A_676 = vector.extract %reduce_sum3A_675[15] : f32 from vector<16xf32>
      %add3A_677 = arith.addf %add3A_661, %reduce_sum3A_676 : f32
      %gather3A_678 = tpu.vector_load_idx %arg8[%add3A_428] : memref<35200xi32, #tpu.memory_space<vmem>>[vector<16xi32>], vector<16xi32>,
      %add3A_679 = arith.constant 32 : i32
      %add3A_680 = vector.broadcast %add3A_679 : i32 to vector<16xi32>
      %add3A_681 = arith.addi %iota3A, %add3A_680 : vector<16xi32>
      %eq3A_682 = arith.cmpi eq, %gather3A_678, %add3A_681 : vector<16xi32>
      %and3A_683 = arith.andi %eq3A_682, %and3A_396 : vector<16xi1>
      %jit3A_684 = arith.constant 1.000000e+00 : f32
      %jit3A_685 = arith.constant 0.000000e+00 : f32
      %broadcast_in_dim3A_686 = vector.broadcast %jit3A_684 : f32 to vector<16xf32>
      %broadcast_in_dim3A_687 = vector.broadcast %jit3A_685 : f32 to vector<16xf32>
      %select_n3A_688 = arith.select %and3A_683, %broadcast_in_dim3A_686, %broadcast_in_dim3A_687 : vector<16xi1>, vector<16xf32>
      %reduce_sum3A_689 = arith.constant true
      %reduce_sum3A_690 = vector.broadcast %reduce_sum3A_689 : i1 to vector<16xi1>
      %reduce_sum3A_691 = tpu.scan <sum>, %select_n3A_688 masked %reduce_sum3A_690 : vector<16xf32>, vector<16xi1> -> vector<16xf32>
      %reduce_sum3A_692 = vector.extract %reduce_sum3A_691[15] : f32 from vector<16xf32>
      %add3A_693 = arith.addf %add3A_677, %reduce_sum3A_692 : f32
      %gather3A_694 = tpu.vector_load_idx %arg8[%add3A_565] : memref<35200xi32, #tpu.memory_space<vmem>>[vector<16xi32>], vector<16xi32>,
      %add3A_695 = arith.constant 48 : i32
      %add3A_696 = vector.broadcast %add3A_695 : i32 to vector<16xi32>
      %add3A_697 = arith.addi %iota3A, %add3A_696 : vector<16xi32>
      %eq3A_698 = arith.cmpi eq, %gather3A_694, %add3A_697 : vector<16xi32>
      %and3A_699 = arith.andi %eq3A_698, %and3A_533 : vector<16xi1>
      %jit3A_700 = arith.constant 1.000000e+00 : f32
      %jit3A_701 = arith.constant 0.000000e+00 : f32
      %broadcast_in_dim3A_702 = vector.broadcast %jit3A_700 : f32 to vector<16xf32>
      %broadcast_in_dim3A_703 = vector.broadcast %jit3A_701 : f32 to vector<16xf32>
      %select_n3A_704 = arith.select %and3A_699, %broadcast_in_dim3A_702, %broadcast_in_dim3A_703 : vector<16xi1>, vector<16xf32>
      %reduce_sum3A_705 = arith.constant true
      %reduce_sum3A_706 = vector.broadcast %reduce_sum3A_705 : i1 to vector<16xi1>
      %reduce_sum3A_707 = tpu.scan <sum>, %select_n3A_704 masked %reduce_sum3A_706 : vector<16xf32>, vector<16xi1> -> vector<16xf32>
      %reduce_sum3A_708 = vector.extract %reduce_sum3A_707[15] : f32 from vector<16xf32>
      %add3A_709 = arith.addf %add3A_693, %reduce_sum3A_708 : f32
      %dma_wait3A = arith.constant 0 : i32
      %dma_wait3A_710 = arith.constant 96 : i32
      %dma_wait3A_711 = arith.constant 0 : i32
      %dma_wait3A_712 = tpu.memref_slice %arg3[%add3A, %dma_wait3A, %dma_wait3A_710, %dma_wait3A_711] : memref<8x8x200x176xf32, #tpu.memory_space<hbm>> -> memref<1x1x16x128xf32, #tpu.memory_space<hbm>>
      %dma_wait3A_713 = tpu.memref_squeeze %dma_wait3A_712 : memref<1x1x16x128xf32, #tpu.memory_space<hbm>> -> memref<16x128xf32, #tpu.memory_space<hbm>>
      %dma_wait3A_714 = arith.constant 96 : i32
      %dma_wait3A_715 = arith.constant 0 : i32
      %dma_wait3A_716 = tpu.memref_slice %arg3[%add3A, %dma_wait3A, %dma_wait3A_714, %dma_wait3A_715] : memref<8x8x200x176xf32, #tpu.memory_space<hbm>> -> memref<1x1x16x128xf32, #tpu.memory_space<hbm>>
      %dma_wait3A_717 = tpu.memref_squeeze %dma_wait3A_716 : memref<1x1x16x128xf32, #tpu.memory_space<hbm>> -> memref<16x128xf32, #tpu.memory_space<hbm>>
      tpu.wait_dma2 semaphore(%arg20 : memref<!tpu.dma_semaphore, #tpu.memory_space<semaphore_mem>>) src(%dma_wait3A_717 : memref<16x128xf32, #tpu.memory_space<hbm>>) dst(%arg9 : memref<16x128xf32, #tpu.memory_space<vmem>>)
      %dma_wait3A_718 = arith.constant 1 : i32
      %dma_wait3A_719 = arith.constant 96 : i32
      %dma_wait3A_720 = arith.constant 0 : i32
      %dma_wait3A_721 = tpu.memref_slice %arg3[%add3A, %dma_wait3A_718, %dma_wait3A_719, %dma_wait3A_720] : memref<8x8x200x176xf32, #tpu.memory_space<hbm>> -> memref<1x1x16x128xf32, #tpu.memory_space<hbm>>
      %dma_wait3A_722 = tpu.memref_squeeze %dma_wait3A_721 : memref<1x1x16x128xf32, #tpu.memory_space<hbm>> -> memref<16x128xf32, #tpu.memory_space<hbm>>
      %dma_wait3A_723 = arith.constant 96 : i32
      %dma_wait3A_724 = arith.constant 0 : i32
      %dma_wait3A_725 = tpu.memref_slice %arg3[%add3A, %dma_wait3A_718, %dma_wait3A_723, %dma_wait3A_724] : memref<8x8x200x176xf32, #tpu.memory_space<hbm>> -> memref<1x1x16x128xf32, #tpu.memory_space<hbm>>
      %dma_wait3A_726 = tpu.memref_squeeze %dma_wait3A_725 : memref<1x1x16x128xf32, #tpu.memory_space<hbm>> -> memref<16x128xf32, #tpu.memory_space<hbm>>
      tpu.wait_dma2 semaphore(%arg20 : memref<!tpu.dma_semaphore, #tpu.memory_space<semaphore_mem>>) src(%dma_wait3A_726 : memref<16x128xf32, #tpu.memory_space<hbm>>) dst(%arg10 : memref<16x128xf32, #tpu.memory_space<vmem>>)
      %dma_wait3A_727 = arith.constant 2 : i32
      %dma_wait3A_728 = arith.constant 96 : i32
      %dma_wait3A_729 = arith.constant 0 : i32
      %dma_wait3A_730 = tpu.memref_slice %arg3[%add3A, %dma_wait3A_727, %dma_wait3A_728, %dma_wait3A_729] : memref<8x8x200x176xf32, #tpu.memory_space<hbm>> -> memref<1x1x16x128xf32, #tpu.memory_space<hbm>>
      %dma_wait3A_731 = tpu.memref_squeeze %dma_wait3A_730 : memref<1x1x16x128xf32, #tpu.memory_space<hbm>> -> memref<16x128xf32, #tpu.memory_space<hbm>>
      %dma_wait3A_732 = arith.constant 96 : i32
      %dma_wait3A_733 = arith.constant 0 : i32
      %dma_wait3A_734 = tpu.memref_slice %arg3[%add3A, %dma_wait3A_727, %dma_wait3A_732, %dma_wait3A_733] : memref<8x8x200x176xf32, #tpu.memory_space<hbm>> -> memref<1x1x16x128xf32, #tpu.memory_space<hbm>>
      %dma_wait3A_735 = tpu.memref_squeeze %dma_wait3A_734 : memref<1x1x16x128xf32, #tpu.memory_space<hbm>> -> memref<16x128xf32, #tpu.memory_space<hbm>>
      tpu.wait_dma2 semaphore(%arg20 : memref<!tpu.dma_semaphore, #tpu.memory_space<semaphore_mem>>) src(%dma_wait3A_735 : memref<16x128xf32, #tpu.memory_space<hbm>>) dst(%arg11 : memref<16x128xf32, #tpu.memory_space<vmem>>)
      %dma_wait3A_736 = arith.constant 3 : i32
      %dma_wait3A_737 = arith.constant 96 : i32
      %dma_wait3A_738 = arith.constant 0 : i32
      %dma_wait3A_739 = tpu.memref_slice %arg3[%add3A, %dma_wait3A_736, %dma_wait3A_737, %dma_wait3A_738] : memref<8x8x200x176xf32, #tpu.memory_space<hbm>> -> memref<1x1x16x128xf32, #tpu.memory_space<hbm>>
      %dma_wait3A_740 = tpu.memref_squeeze %dma_wait3A_739 : memref<1x1x16x128xf32, #tpu.memory_space<hbm>> -> memref<16x128xf32, #tpu.memory_space<hbm>>
      %dma_wait3A_741 = arith.constant 96 : i32
      %dma_wait3A_742 = arith.constant 0 : i32
      %dma_wait3A_743 = tpu.memref_slice %arg3[%add3A, %dma_wait3A_736, %dma_wait3A_741, %dma_wait3A_742] : memref<8x8x200x176xf32, #tpu.memory_space<hbm>> -> memref<1x1x16x128xf32, #tpu.memory_space<hbm>>
      %dma_wait3A_744 = tpu.memref_squeeze %dma_wait3A_743 : memref<1x1x16x128xf32, #tpu.memory_space<hbm>> -> memref<16x128xf32, #tpu.memory_space<hbm>>
      tpu.wait_dma2 semaphore(%arg20 : memref<!tpu.dma_semaphore, #tpu.memory_space<semaphore_mem>>) src(%dma_wait3A_744 : memref<16x128xf32, #tpu.memory_space<hbm>>) dst(%arg12 : memref<16x128xf32, #tpu.memory_space<vmem>>)
      %dma_wait3A_745 = arith.constant 4 : i32
      %dma_wait3A_746 = arith.constant 96 : i32
      %dma_wait3A_747 = arith.constant 0 : i32
      %dma_wait3A_748 = tpu.memref_slice %arg3[%add3A, %dma_wait3A_745, %dma_wait3A_746, %dma_wait3A_747] : memref<8x8x200x176xf32, #tpu.memory_space<hbm>> -> memref<1x1x16x128xf32, #tpu.memory_space<hbm>>
      %dma_wait3A_749 = tpu.memref_squeeze %dma_wait3A_748 : memref<1x1x16x128xf32, #tpu.memory_space<hbm>> -> memref<16x128xf32, #tpu.memory_space<hbm>>
      %dma_wait3A_750 = arith.constant 96 : i32
      %dma_wait3A_751 = arith.constant 0 : i32
      %dma_wait3A_752 = tpu.memref_slice %arg3[%add3A, %dma_wait3A_745, %dma_wait3A_750, %dma_wait3A_751] : memref<8x8x200x176xf32, #tpu.memory_space<hbm>> -> memref<1x1x16x128xf32, #tpu.memory_space<hbm>>
      %dma_wait3A_753 = tpu.memref_squeeze %dma_wait3A_752 : memref<1x1x16x128xf32, #tpu.memory_space<hbm>> -> memref<16x128xf32, #tpu.memory_space<hbm>>
      tpu.wait_dma2 semaphore(%arg20 : memref<!tpu.dma_semaphore, #tpu.memory_space<semaphore_mem>>) src(%dma_wait3A_753 : memref<16x128xf32, #tpu.memory_space<hbm>>) dst(%arg13 : memref<16x128xf32, #tpu.memory_space<vmem>>)
      %dma_wait3A_754 = arith.constant 5 : i32
      %dma_wait3A_755 = arith.constant 96 : i32
      %dma_wait3A_756 = arith.constant 0 : i32
      %dma_wait3A_757 = tpu.memref_slice %arg3[%add3A, %dma_wait3A_754, %dma_wait3A_755, %dma_wait3A_756] : memref<8x8x200x176xf32, #tpu.memory_space<hbm>> -> memref<1x1x16x128xf32, #tpu.memory_space<hbm>>
      %dma_wait3A_758 = tpu.memref_squeeze %dma_wait3A_757 : memref<1x1x16x128xf32, #tpu.memory_space<hbm>> -> memref<16x128xf32, #tpu.memory_space<hbm>>
      %dma_wait3A_759 = arith.constant 96 : i32
      %dma_wait3A_760 = arith.constant 0 : i32
      %dma_wait3A_761 = tpu.memref_slice %arg3[%add3A, %dma_wait3A_754, %dma_wait3A_759, %dma_wait3A_760] : memref<8x8x200x176xf32, #tpu.memory_space<hbm>> -> memref<1x1x16x128xf32, #tpu.memory_space<hbm>>
      %dma_wait3A_762 = tpu.memref_squeeze %dma_wait3A_761 : memref<1x1x16x128xf32, #tpu.memory_space<hbm>> -> memref<16x128xf32, #tpu.memory_space<hbm>>
      tpu.wait_dma2 semaphore(%arg20 : memref<!tpu.dma_semaphore, #tpu.memory_space<semaphore_mem>>) src(%dma_wait3A_762 : memref<16x128xf32, #tpu.memory_space<hbm>>) dst(%arg14 : memref<16x128xf32, #tpu.memory_space<vmem>>)
      %dma_wait3A_763 = arith.constant 6 : i32
      %dma_wait3A_764 = arith.constant 96 : i32
      %dma_wait3A_765 = arith.constant 0 : i32
      %dma_wait3A_766 = tpu.memref_slice %arg3[%add3A, %dma_wait3A_763, %dma_wait3A_764, %dma_wait3A_765] : memref<8x8x200x176xf32, #tpu.memory_space<hbm>> -> memref<1x1x16x128xf32, #tpu.memory_space<hbm>>
      %dma_wait3A_767 = tpu.memref_squeeze %dma_wait3A_766 : memref<1x1x16x128xf32, #tpu.memory_space<hbm>> -> memref<16x128xf32, #tpu.memory_space<hbm>>
      %dma_wait3A_768 = arith.constant 96 : i32
      %dma_wait3A_769 = arith.constant 0 : i32
      %dma_wait3A_770 = tpu.memref_slice %arg3[%add3A, %dma_wait3A_763, %dma_wait3A_768, %dma_wait3A_769] : memref<8x8x200x176xf32, #tpu.memory_space<hbm>> -> memref<1x1x16x128xf32, #tpu.memory_space<hbm>>
      %dma_wait3A_771 = tpu.memref_squeeze %dma_wait3A_770 : memref<1x1x16x128xf32, #tpu.memory_space<hbm>> -> memref<16x128xf32, #tpu.memory_space<hbm>>
      tpu.wait_dma2 semaphore(%arg20 : memref<!tpu.dma_semaphore, #tpu.memory_space<semaphore_mem>>) src(%dma_wait3A_771 : memref<16x128xf32, #tpu.memory_space<hbm>>) dst(%arg15 : memref<16x128xf32, #tpu.memory_space<vmem>>)
      %dma_wait3A_772 = arith.constant 7 : i32
      %dma_wait3A_773 = arith.constant 96 : i32
      %dma_wait3A_774 = arith.constant 0 : i32
      %dma_wait3A_775 = tpu.memref_slice %arg3[%add3A, %dma_wait3A_772, %dma_wait3A_773, %dma_wait3A_774] : memref<8x8x200x176xf32, #tpu.memory_space<hbm>> -> memref<1x1x16x128xf32, #tpu.memory_space<hbm>>
      %dma_wait3A_776 = tpu.memref_squeeze %dma_wait3A_775 : memref<1x1x16x128xf32, #tpu.memory_space<hbm>> -> memref<16x128xf32, #tpu.memory_space<hbm>>
      %dma_wait3A_777 = arith.constant 96 : i32
      %dma_wait3A_778 = arith.constant 0 : i32
      %dma_wait3A_779 = tpu.memref_slice %arg3[%add3A, %dma_wait3A_772, %dma_wait3A_777, %dma_wait3A_778] : memref<8x8x200x176xf32, #tpu.memory_space<hbm>> -> memref<1x1x16x128xf32, #tpu.memory_space<hbm>>
      %dma_wait3A_780 = tpu.memref_squeeze %dma_wait3A_779 : memref<1x1x16x128xf32, #tpu.memory_space<hbm>> -> memref<16x128xf32, #tpu.memory_space<hbm>>
      tpu.wait_dma2 semaphore(%arg20 : memref<!tpu.dma_semaphore, #tpu.memory_space<semaphore_mem>>) src(%dma_wait3A_780 : memref<16x128xf32, #tpu.memory_space<hbm>>) dst(%arg16 : memref<16x128xf32, #tpu.memory_space<vmem>>)
      %sub3A_781 = arith.constant 96 : i32
      %sub3A_782 = vector.broadcast %sub3A_781 : i32 to vector<16xi32>
      %sub3A_783 = arith.subi %convert_element_type3A_136, %sub3A_782 : vector<16xi32>
      %jit3A_784 = arith.constant 0 : i32
      %jit3A_785 = arith.constant 15 : i32
      %max3A = vector.broadcast %jit3A_784 : i32 to vector<16xi32>
      %max3A_786 = arith.maxsi %max3A, %sub3A_783 : vector<16xi32>
      %min3A = vector.broadcast %jit3A_785 : i32 to vector<16xi32>
      %min3A_787 = arith.minsi %min3A, %max3A_786 : vector<16xi32>
      %jit3A_788 = arith.constant 0 : i32
      %jit3A_789 = arith.constant 127 : i32
      %max3A_790 = vector.broadcast %jit3A_788 : i32 to vector<16xi32>
      %max3A_791 = arith.maxsi %max3A_790, %convert_element_type3A_135 : vector<16xi32>
      %min3A_792 = vector.broadcast %jit3A_789 : i32 to vector<16xi32>
      %min3A_793 = arith.minsi %min3A_792, %max3A_791 : vector<16xi32>
      %gather3A_794 = tpu.vector_load_idx %arg9[%min3A_787, %min3A_793] : memref<16x128xf32, #tpu.memory_space<vmem>>[vector<16xi32>, vector<16xi32>], vector<16xf32>,
      %swap3A = arith.constant 0 : index
      %swap3A_795 = tpu.vector_load %arg17[%swap3A] {strides = array<i32>} : memref<128xf32, #tpu.memory_space<vmem>>, vector<16xf32>,
      tpu.vector_store %arg17[%swap3A], %gather3A_794 {strides = array<i32>} : memref<128xf32, #tpu.memory_space<vmem>>, vector<16xf32>,
      %jit3A_796 = arith.constant 1.000000e+00 : f32
      %jit3A_797 = arith.constant 0.000000e+00 : f32
      %broadcast_in_dim3A_798 = vector.broadcast %jit3A_796 : f32 to vector<16xf32>
      %broadcast_in_dim3A_799 = vector.broadcast %jit3A_797 : f32 to vector<16xf32>
      %select_n3A_800 = arith.select %and3A_651, %broadcast_in_dim3A_798, %broadcast_in_dim3A_799 : vector<16xi1>, vector<16xf32>
      %swap3A_801 = arith.constant 0 : index
      %swap3A_802 = tpu.vector_load %arg18[%swap3A_801] {strides = array<i32>} : memref<128xf32, #tpu.memory_space<vmem>>, vector<16xf32>,
      tpu.vector_store %arg18[%swap3A_801], %select_n3A_800 {strides = array<i32>} : memref<128xf32, #tpu.memory_space<vmem>>, vector<16xf32>,
      %sub3A_803 = arith.constant 96 : i32
      %sub3A_804 = vector.broadcast %sub3A_803 : i32 to vector<16xi32>
      %sub3A_805 = arith.subi %convert_element_type3A_273, %sub3A_804 : vector<16xi32>
      %jit3A_806 = arith.constant 0 : i32
      %jit3A_807 = arith.constant 15 : i32
      %max3A_808 = vector.broadcast %jit3A_806 : i32 to vector<16xi32>
      %max3A_809 = arith.maxsi %max3A_808, %sub3A_805 : vector<16xi32>
      %min3A_810 = vector.broadcast %jit3A_807 : i32 to vector<16xi32>
      %min3A_811 = arith.minsi %min3A_810, %max3A_809 : vector<16xi32>
      %jit3A_812 = arith.constant 0 : i32
      %jit3A_813 = arith.constant 127 : i32
      %max3A_814 = vector.broadcast %jit3A_812 : i32 to vector<16xi32>
      %max3A_815 = arith.maxsi %max3A_814, %convert_element_type3A_272 : vector<16xi32>
      %min3A_816 = vector.broadcast %jit3A_813 : i32 to vector<16xi32>
      %min3A_817 = arith.minsi %min3A_816, %max3A_815 : vector<16xi32>
      %gather3A_818 = tpu.vector_load_idx %arg9[%min3A_811, %min3A_817] : memref<16x128xf32, #tpu.memory_space<vmem>>[vector<16xi32>, vector<16xi32>], vector<16xf32>,
      %swap3A_819 = arith.constant 16 : index
      %swap3A_820 = tpu.vector_load %arg17[%swap3A_819] {strides = array<i32>} : memref<128xf32, #tpu.memory_space<vmem>>, vector<16xf32>,
      tpu.vector_store %arg17[%swap3A_819], %gather3A_818 {strides = array<i32>} : memref<128xf32, #tpu.memory_space<vmem>>, vector<16xf32>,
      %jit3A_821 = arith.constant 1.000000e+00 : f32
      %jit3A_822 = arith.constant 0.000000e+00 : f32
      %broadcast_in_dim3A_823 = vector.broadcast %jit3A_821 : f32 to vector<16xf32>
      %broadcast_in_dim3A_824 = vector.broadcast %jit3A_822 : f32 to vector<16xf32>
      %select_n3A_825 = arith.select %and3A_667, %broadcast_in_dim3A_823, %broadcast_in_dim3A_824 : vector<16xi1>, vector<16xf32>
      %swap3A_826 = arith.constant 16 : index
      %swap3A_827 = tpu.vector_load %arg18[%swap3A_826] {strides = array<i32>} : memref<128xf32, #tpu.memory_space<vmem>>, vector<16xf32>,
      tpu.vector_store %arg18[%swap3A_826], %select_n3A_825 {strides = array<i32>} : memref<128xf32, #tpu.memory_space<vmem>>, vector<16xf32>,
      %sub3A_828 = arith.constant 96 : i32
      %sub3A_829 = vector.broadcast %sub3A_828 : i32 to vector<16xi32>
      %sub3A_830 = arith.subi %convert_element_type3A_410, %sub3A_829 : vector<16xi32>
      %jit3A_831 = arith.constant 0 : i32
      %jit3A_832 = arith.constant 15 : i32
      %max3A_833 = vector.broadcast %jit3A_831 : i32 to vector<16xi32>
      %max3A_834 = arith.maxsi %max3A_833, %sub3A_830 : vector<16xi32>
      %min3A_835 = vector.broadcast %jit3A_832 : i32 to vector<16xi32>
      %min3A_836 = arith.minsi %min3A_835, %max3A_834 : vector<16xi32>
      %jit3A_837 = arith.constant 0 : i32
      %jit3A_838 = arith.constant 127 : i32
      %max3A_839 = vector.broadcast %jit3A_837 : i32 to vector<16xi32>
      %max3A_840 = arith.maxsi %max3A_839, %convert_element_type3A_409 : vector<16xi32>
      %min3A_841 = vector.broadcast %jit3A_838 : i32 to vector<16xi32>
      %min3A_842 = arith.minsi %min3A_841, %max3A_840 : vector<16xi32>
      %gather3A_843 = tpu.vector_load_idx %arg9[%min3A_836, %min3A_842] : memref<16x128xf32, #tpu.memory_space<vmem>>[vector<16xi32>, vector<16xi32>], vector<16xf32>,
      %swap3A_844 = arith.constant 32 : index
      %swap3A_845 = tpu.vector_load %arg17[%swap3A_844] {strides = array<i32>} : memref<128xf32, #tpu.memory_space<vmem>>, vector<16xf32>,
      tpu.vector_store %arg17[%swap3A_844], %gather3A_843 {strides = array<i32>} : memref<128xf32, #tpu.memory_space<vmem>>, vector<16xf32>,
      %jit3A_846 = arith.constant 1.000000e+00 : f32
      %jit3A_847 = arith.constant 0.000000e+00 : f32
      %broadcast_in_dim3A_848 = vector.broadcast %jit3A_846 : f32 to vector<16xf32>
      %broadcast_in_dim3A_849 = vector.broadcast %jit3A_847 : f32 to vector<16xf32>
      %select_n3A_850 = arith.select %and3A_683, %broadcast_in_dim3A_848, %broadcast_in_dim3A_849 : vector<16xi1>, vector<16xf32>
      %swap3A_851 = arith.constant 32 : index
      %swap3A_852 = tpu.vector_load %arg18[%swap3A_851] {strides = array<i32>} : memref<128xf32, #tpu.memory_space<vmem>>, vector<16xf32>,
      tpu.vector_store %arg18[%swap3A_851], %select_n3A_850 {strides = array<i32>} : memref<128xf32, #tpu.memory_space<vmem>>, vector<16xf32>,
      %sub3A_853 = arith.constant 96 : i32
      %sub3A_854 = vector.broadcast %sub3A_853 : i32 to vector<16xi32>
      %sub3A_855 = arith.subi %convert_element_type3A_547, %sub3A_854 : vector<16xi32>
      %jit3A_856 = arith.constant 0 : i32
      %jit3A_857 = arith.constant 15 : i32
      %max3A_858 = vector.broadcast %jit3A_856 : i32 to vector<16xi32>
      %max3A_859 = arith.maxsi %max3A_858, %sub3A_855 : vector<16xi32>
      %min3A_860 = vector.broadcast %jit3A_857 : i32 to vector<16xi32>
      %min3A_861 = arith.minsi %min3A_860, %max3A_859 : vector<16xi32>
      %jit3A_862 = arith.constant 0 : i32
      %jit3A_863 = arith.constant 127 : i32
      %max3A_864 = vector.broadcast %jit3A_862 : i32 to vector<16xi32>
      %max3A_865 = arith.maxsi %max3A_864, %convert_element_type3A_546 : vector<16xi32>
      %min3A_866 = vector.broadcast %jit3A_863 : i32 to vector<16xi32>
      %min3A_867 = arith.minsi %min3A_866, %max3A_865 : vector<16xi32>
      %gather3A_868 = tpu.vector_load_idx %arg9[%min3A_861, %min3A_867] : memref<16x128xf32, #tpu.memory_space<vmem>>[vector<16xi32>, vector<16xi32>], vector<16xf32>,
      %swap3A_869 = arith.constant 48 : index
      %swap3A_870 = tpu.vector_load %arg17[%swap3A_869] {strides = array<i32>} : memref<128xf32, #tpu.memory_space<vmem>>, vector<16xf32>,
      tpu.vector_store %arg17[%swap3A_869], %gather3A_868 {strides = array<i32>} : memref<128xf32, #tpu.memory_space<vmem>>, vector<16xf32>,
      %jit3A_871 = arith.constant 1.000000e+00 : f32
      %jit3A_872 = arith.constant 0.000000e+00 : f32
      %broadcast_in_dim3A_873 = vector.broadcast %jit3A_871 : f32 to vector<16xf32>
      %broadcast_in_dim3A_874 = vector.broadcast %jit3A_872 : f32 to vector<16xf32>
      %select_n3A_875 = arith.select %and3A_699, %broadcast_in_dim3A_873, %broadcast_in_dim3A_874 : vector<16xi1>, vector<16xf32>
      %swap3A_876 = arith.constant 48 : index
      %swap3A_877 = tpu.vector_load %arg18[%swap3A_876] {strides = array<i32>} : memref<128xf32, #tpu.memory_space<vmem>>, vector<16xf32>,
      tpu.vector_store %arg18[%swap3A_876], %select_n3A_875 {strides = array<i32>} : memref<128xf32, #tpu.memory_space<vmem>>, vector<16xf32>,
      %sub3A_878 = arith.constant 96 : i32
      %sub3A_879 = vector.broadcast %sub3A_878 : i32 to vector<16xi32>
      %sub3A_880 = arith.subi %convert_element_type3A_136, %sub3A_879 : vector<16xi32>
      %jit3A_881 = arith.constant 0 : i32
      %jit3A_882 = arith.constant 15 : i32
      %max3A_883 = vector.broadcast %jit3A_881 : i32 to vector<16xi32>
      %max3A_884 = arith.maxsi %max3A_883, %sub3A_880 : vector<16xi32>
      %min3A_885 = vector.broadcast %jit3A_882 : i32 to vector<16xi32>
      %min3A_886 = arith.minsi %min3A_885, %max3A_884 : vector<16xi32>
      %jit3A_887 = arith.constant 0 : i32
      %jit3A_888 = arith.constant 127 : i32
      %max3A_889 = vector.broadcast %jit3A_887 : i32 to vector<16xi32>
      %max3A_890 = arith.maxsi %max3A_889, %convert_element_type3A_135 : vector<16xi32>
      %min3A_891 = vector.broadcast %jit3A_888 : i32 to vector<16xi32>
      %min3A_892 = arith.minsi %min3A_891, %max3A_890 : vector<16xi32>
      %gather3A_893 = tpu.vector_load_idx %arg10[%min3A_886, %min3A_892] : memref<16x128xf32, #tpu.memory_space<vmem>>[vector<16xi32>, vector<16xi32>], vector<16xf32>,
      %sub3A_894 = arith.subf %gather3A_893, %mul3A_158 : vector<16xf32>
      %abs3A = math.absf %sub3A_894 : vector<16xf32>
      %lt3A_895 = arith.constant 1.000000e+00 : f32
      %lt3A_896 = vector.broadcast %lt3A_895 : f32 to vector<16xf32>
      %lt3A_897 = arith.cmpf olt, %abs3A, %lt3A_896 : vector<16xf32>
      %mul3A_898 = arith.constant 5.000000e-01 : f32
      %mul3A_899 = vector.broadcast %mul3A_898 : f32 to vector<16xf32>
      %mul3A_900 = arith.mulf %mul3A_899, %sub3A_894 : vector<16xf32>
      %mul3A_901 = arith.mulf %mul3A_900, %sub3A_894 : vector<16xf32>
      %sub3A_902 = arith.constant 5.000000e-01 : f32
      %sub3A_903 = vector.broadcast %sub3A_902 : f32 to vector<16xf32>
      %sub3A_904 = arith.subf %abs3A, %sub3A_903 : vector<16xf32>
      %select_n3A_905 = arith.select %lt3A_897, %mul3A_901, %sub3A_904 : vector<16xi1>, vector<16xf32>
      %jit3A_906 = arith.constant 0.000000e+00 : f32
      %broadcast_in_dim3A_907 = vector.broadcast %jit3A_906 : f32 to vector<16xf32>
      %select_n3A_908 = arith.select %and3A_651, %select_n3A_905, %broadcast_in_dim3A_907 : vector<16xi1>, vector<16xf32>
      %reduce_sum3A_909 = arith.constant true
      %reduce_sum3A_910 = vector.broadcast %reduce_sum3A_909 : i1 to vector<16xi1>
      %reduce_sum3A_911 = tpu.scan <sum>, %select_n3A_908 masked %reduce_sum3A_910 : vector<16xf32>, vector<16xi1> -> vector<16xf32>
      %reduce_sum3A_912 = vector.extract %reduce_sum3A_911[15] : f32 from vector<16xf32>
      %add3A_913 = arith.constant 0.000000e+00 : f32
      %add3A_914 = arith.addf %add3A_913, %reduce_sum3A_912 : f32
      %sub3A_915 = arith.constant 96 : i32
      %sub3A_916 = vector.broadcast %sub3A_915 : i32 to vector<16xi32>
      %sub3A_917 = arith.subi %convert_element_type3A_273, %sub3A_916 : vector<16xi32>
      %jit3A_918 = arith.constant 0 : i32
      %jit3A_919 = arith.constant 15 : i32
      %max3A_920 = vector.broadcast %jit3A_918 : i32 to vector<16xi32>
      %max3A_921 = arith.maxsi %max3A_920, %sub3A_917 : vector<16xi32>
      %min3A_922 = vector.broadcast %jit3A_919 : i32 to vector<16xi32>
      %min3A_923 = arith.minsi %min3A_922, %max3A_921 : vector<16xi32>
      %jit3A_924 = arith.constant 0 : i32
      %jit3A_925 = arith.constant 127 : i32
      %max3A_926 = vector.broadcast %jit3A_924 : i32 to vector<16xi32>
      %max3A_927 = arith.maxsi %max3A_926, %convert_element_type3A_272 : vector<16xi32>
      %min3A_928 = vector.broadcast %jit3A_925 : i32 to vector<16xi32>
      %min3A_929 = arith.minsi %min3A_928, %max3A_927 : vector<16xi32>
      %gather3A_930 = tpu.vector_load_idx %arg10[%min3A_923, %min3A_929] : memref<16x128xf32, #tpu.memory_space<vmem>>[vector<16xi32>, vector<16xi32>], vector<16xf32>,
      %sub3A_931 = arith.subf %gather3A_930, %mul3A_295 : vector<16xf32>
      %abs3A_932 = math.absf %sub3A_931 : vector<16xf32>
      %lt3A_933 = arith.constant 1.000000e+00 : f32
      %lt3A_934 = vector.broadcast %lt3A_933 : f32 to vector<16xf32>
      %lt3A_935 = arith.cmpf olt, %abs3A_932, %lt3A_934 : vector<16xf32>
      %mul3A_936 = arith.constant 5.000000e-01 : f32
      %mul3A_937 = vector.broadcast %mul3A_936 : f32 to vector<16xf32>
      %mul3A_938 = arith.mulf %mul3A_937, %sub3A_931 : vector<16xf32>
      %mul3A_939 = arith.mulf %mul3A_938, %sub3A_931 : vector<16xf32>
      %sub3A_940 = arith.constant 5.000000e-01 : f32
      %sub3A_941 = vector.broadcast %sub3A_940 : f32 to vector<16xf32>
      %sub3A_942 = arith.subf %abs3A_932, %sub3A_941 : vector<16xf32>
      %select_n3A_943 = arith.select %lt3A_935, %mul3A_939, %sub3A_942 : vector<16xi1>, vector<16xf32>
      %jit3A_944 = arith.constant 0.000000e+00 : f32
      %broadcast_in_dim3A_945 = vector.broadcast %jit3A_944 : f32 to vector<16xf32>
      %select_n3A_946 = arith.select %and3A_667, %select_n3A_943, %broadcast_in_dim3A_945 : vector<16xi1>, vector<16xf32>
      %reduce_sum3A_947 = arith.constant true
      %reduce_sum3A_948 = vector.broadcast %reduce_sum3A_947 : i1 to vector<16xi1>
      %reduce_sum3A_949 = tpu.scan <sum>, %select_n3A_946 masked %reduce_sum3A_948 : vector<16xf32>, vector<16xi1> -> vector<16xf32>
      %reduce_sum3A_950 = vector.extract %reduce_sum3A_949[15] : f32 from vector<16xf32>
      %add3A_951 = arith.addf %add3A_914, %reduce_sum3A_950 : f32
      %sub3A_952 = arith.constant 96 : i32
      %sub3A_953 = vector.broadcast %sub3A_952 : i32 to vector<16xi32>
      %sub3A_954 = arith.subi %convert_element_type3A_410, %sub3A_953 : vector<16xi32>
      %jit3A_955 = arith.constant 0 : i32
      %jit3A_956 = arith.constant 15 : i32
      %max3A_957 = vector.broadcast %jit3A_955 : i32 to vector<16xi32>
      %max3A_958 = arith.maxsi %max3A_957, %sub3A_954 : vector<16xi32>
      %min3A_959 = vector.broadcast %jit3A_956 : i32 to vector<16xi32>
      %min3A_960 = arith.minsi %min3A_959, %max3A_958 : vector<16xi32>
      %jit3A_961 = arith.constant 0 : i32
      %jit3A_962 = arith.constant 127 : i32
      %max3A_963 = vector.broadcast %jit3A_961 : i32 to vector<16xi32>
      %max3A_964 = arith.maxsi %max3A_963, %convert_element_type3A_409 : vector<16xi32>
      %min3A_965 = vector.broadcast %jit3A_962 : i32 to vector<16xi32>
      %min3A_966 = arith.minsi %min3A_965, %max3A_964 : vector<16xi32>
      %gather3A_967 = tpu.vector_load_idx %arg10[%min3A_960, %min3A_966] : memref<16x128xf32, #tpu.memory_space<vmem>>[vector<16xi32>, vector<16xi32>], vector<16xf32>,
      %sub3A_968 = arith.subf %gather3A_967, %mul3A_432 : vector<16xf32>
      %abs3A_969 = math.absf %sub3A_968 : vector<16xf32>
      %lt3A_970 = arith.constant 1.000000e+00 : f32
      %lt3A_971 = vector.broadcast %lt3A_970 : f32 to vector<16xf32>
      %lt3A_972 = arith.cmpf olt, %abs3A_969, %lt3A_971 : vector<16xf32>
      %mul3A_973 = arith.constant 5.000000e-01 : f32
      %mul3A_974 = vector.broadcast %mul3A_973 : f32 to vector<16xf32>
      %mul3A_975 = arith.mulf %mul3A_974, %sub3A_968 : vector<16xf32>
      %mul3A_976 = arith.mulf %mul3A_975, %sub3A_968 : vector<16xf32>
      %sub3A_977 = arith.constant 5.000000e-01 : f32
      %sub3A_978 = vector.broadcast %sub3A_977 : f32 to vector<16xf32>
      %sub3A_979 = arith.subf %abs3A_969, %sub3A_978 : vector<16xf32>
      %select_n3A_980 = arith.select %lt3A_972, %mul3A_976, %sub3A_979 : vector<16xi1>, vector<16xf32>
      %jit3A_981 = arith.constant 0.000000e+00 : f32
      %broadcast_in_dim3A_982 = vector.broadcast %jit3A_981 : f32 to vector<16xf32>
      %select_n3A_983 = arith.select %and3A_683, %select_n3A_980, %broadcast_in_dim3A_982 : vector<16xi1>, vector<16xf32>
      %reduce_sum3A_984 = arith.constant true
      %reduce_sum3A_985 = vector.broadcast %reduce_sum3A_984 : i1 to vector<16xi1>
      %reduce_sum3A_986 = tpu.scan <sum>, %select_n3A_983 masked %reduce_sum3A_985 : vector<16xf32>, vector<16xi1> -> vector<16xf32>
      %reduce_sum3A_987 = vector.extract %reduce_sum3A_986[15] : f32 from vector<16xf32>
      %add3A_988 = arith.addf %add3A_951, %reduce_sum3A_987 : f32
      %sub3A_989 = arith.constant 96 : i32
      %sub3A_990 = vector.broadcast %sub3A_989 : i32 to vector<16xi32>
      %sub3A_991 = arith.subi %convert_element_type3A_547, %sub3A_990 : vector<16xi32>
      %jit3A_992 = arith.constant 0 : i32
      %jit3A_993 = arith.constant 15 : i32
      %max3A_994 = vector.broadcast %jit3A_992 : i32 to vector<16xi32>
      %max3A_995 = arith.maxsi %max3A_994, %sub3A_991 : vector<16xi32>
      %min3A_996 = vector.broadcast %jit3A_993 : i32 to vector<16xi32>
      %min3A_997 = arith.minsi %min3A_996, %max3A_995 : vector<16xi32>
      %jit3A_998 = arith.constant 0 : i32
      %jit3A_999 = arith.constant 127 : i32
      %max3A_1000 = vector.broadcast %jit3A_998 : i32 to vector<16xi32>
      %max3A_1001 = arith.maxsi %max3A_1000, %convert_element_type3A_546 : vector<16xi32>
      %min3A_1002 = vector.broadcast %jit3A_999 : i32 to vector<16xi32>
      %min3A_1003 = arith.minsi %min3A_1002, %max3A_1001 : vector<16xi32>
      %gather3A_1004 = tpu.vector_load_idx %arg10[%min3A_997, %min3A_1003] : memref<16x128xf32, #tpu.memory_space<vmem>>[vector<16xi32>, vector<16xi32>], vector<16xf32>,
      %sub3A_1005 = arith.subf %gather3A_1004, %mul3A_569 : vector<16xf32>
      %abs3A_1006 = math.absf %sub3A_1005 : vector<16xf32>
      %lt3A_1007 = arith.constant 1.000000e+00 : f32
      %lt3A_1008 = vector.broadcast %lt3A_1007 : f32 to vector<16xf32>
      %lt3A_1009 = arith.cmpf olt, %abs3A_1006, %lt3A_1008 : vector<16xf32>
      %mul3A_1010 = arith.constant 5.000000e-01 : f32
      %mul3A_1011 = vector.broadcast %mul3A_1010 : f32 to vector<16xf32>
      %mul3A_1012 = arith.mulf %mul3A_1011, %sub3A_1005 : vector<16xf32>
      %mul3A_1013 = arith.mulf %mul3A_1012, %sub3A_1005 : vector<16xf32>
      %sub3A_1014 = arith.constant 5.000000e-01 : f32
      %sub3A_1015 = vector.broadcast %sub3A_1014 : f32 to vector<16xf32>
      %sub3A_1016 = arith.subf %abs3A_1006, %sub3A_1015 : vector<16xf32>
      %select_n3A_1017 = arith.select %lt3A_1009, %mul3A_1013, %sub3A_1016 : vector<16xi1>, vector<16xf32>
      %jit3A_1018 = arith.constant 0.000000e+00 : f32
      %broadcast_in_dim3A_1019 = vector.broadcast %jit3A_1018 : f32 to vector<16xf32>
      %select_n3A_1020 = arith.select %and3A_699, %select_n3A_1017, %broadcast_in_dim3A_1019 : vector<16xi1>, vector<16xf32>
      %reduce_sum3A_1021 = arith.constant true
      %reduce_sum3A_1022 = vector.broadcast %reduce_sum3A_1021 : i1 to vector<16xi1>
      %reduce_sum3A_1023 = tpu.scan <sum>, %select_n3A_1020 masked %reduce_sum3A_1022 : vector<16xf32>, vector<16xi1> -> vector<16xf32>
      %reduce_sum3A_1024 = vector.extract %reduce_sum3A_1023[15] : f32 from vector<16xf32>
      %add3A_1025 = arith.addf %add3A_988, %reduce_sum3A_1024 : f32
      %sub3A_1026 = arith.constant 96 : i32
      %sub3A_1027 = vector.broadcast %sub3A_1026 : i32 to vector<16xi32>
      %sub3A_1028 = arith.subi %convert_element_type3A_136, %sub3A_1027 : vector<16xi32>
      %jit3A_1029 = arith.constant 0 : i32
      %jit3A_1030 = arith.constant 15 : i32
      %max3A_1031 = vector.broadcast %jit3A_1029 : i32 to vector<16xi32>
      %max3A_1032 = arith.maxsi %max3A_1031, %sub3A_1028 : vector<16xi32>
      %min3A_1033 = vector.broadcast %jit3A_1030 : i32 to vector<16xi32>
      %min3A_1034 = arith.minsi %min3A_1033, %max3A_1032 : vector<16xi32>
      %jit3A_1035 = arith.constant 0 : i32
      %jit3A_1036 = arith.constant 127 : i32
      %max3A_1037 = vector.broadcast %jit3A_1035 : i32 to vector<16xi32>
      %max3A_1038 = arith.maxsi %max3A_1037, %convert_element_type3A_135 : vector<16xi32>
      %min3A_1039 = vector.broadcast %jit3A_1036 : i32 to vector<16xi32>
      %min3A_1040 = arith.minsi %min3A_1039, %max3A_1038 : vector<16xi32>
      %gather3A_1041 = tpu.vector_load_idx %arg11[%min3A_1034, %min3A_1040] : memref<16x128xf32, #tpu.memory_space<vmem>>[vector<16xi32>, vector<16xi32>], vector<16xf32>,
      %sub3A_1042 = arith.subf %gather3A_1041, %mul3A_162 : vector<16xf32>
      %abs3A_1043 = math.absf %sub3A_1042 : vector<16xf32>
      %lt3A_1044 = arith.constant 1.000000e+00 : f32
      %lt3A_1045 = vector.broadcast %lt3A_1044 : f32 to vector<16xf32>
      %lt3A_1046 = arith.cmpf olt, %abs3A_1043, %lt3A_1045 : vector<16xf32>
      %mul3A_1047 = arith.constant 5.000000e-01 : f32
      %mul3A_1048 = vector.broadcast %mul3A_1047 : f32 to vector<16xf32>
      %mul3A_1049 = arith.mulf %mul3A_1048, %sub3A_1042 : vector<16xf32>
      %mul3A_1050 = arith.mulf %mul3A_1049, %sub3A_1042 : vector<16xf32>
      %sub3A_1051 = arith.constant 5.000000e-01 : f32
      %sub3A_1052 = vector.broadcast %sub3A_1051 : f32 to vector<16xf32>
      %sub3A_1053 = arith.subf %abs3A_1043, %sub3A_1052 : vector<16xf32>
      %select_n3A_1054 = arith.select %lt3A_1046, %mul3A_1050, %sub3A_1053 : vector<16xi1>, vector<16xf32>
      %jit3A_1055 = arith.constant 0.000000e+00 : f32
      %broadcast_in_dim3A_1056 = vector.broadcast %jit3A_1055 : f32 to vector<16xf32>
      %select_n3A_1057 = arith.select %and3A_651, %select_n3A_1054, %broadcast_in_dim3A_1056 : vector<16xi1>, vector<16xf32>
      %reduce_sum3A_1058 = arith.constant true
      %reduce_sum3A_1059 = vector.broadcast %reduce_sum3A_1058 : i1 to vector<16xi1>
      %reduce_sum3A_1060 = tpu.scan <sum>, %select_n3A_1057 masked %reduce_sum3A_1059 : vector<16xf32>, vector<16xi1> -> vector<16xf32>
      %reduce_sum3A_1061 = vector.extract %reduce_sum3A_1060[15] : f32 from vector<16xf32>
      %add3A_1062 = arith.addf %add3A_1025, %reduce_sum3A_1061 : f32
      %sub3A_1063 = arith.constant 96 : i32
      %sub3A_1064 = vector.broadcast %sub3A_1063 : i32 to vector<16xi32>
      %sub3A_1065 = arith.subi %convert_element_type3A_273, %sub3A_1064 : vector<16xi32>
      %jit3A_1066 = arith.constant 0 : i32
      %jit3A_1067 = arith.constant 15 : i32
      %max3A_1068 = vector.broadcast %jit3A_1066 : i32 to vector<16xi32>
      %max3A_1069 = arith.maxsi %max3A_1068, %sub3A_1065 : vector<16xi32>
      %min3A_1070 = vector.broadcast %jit3A_1067 : i32 to vector<16xi32>
      %min3A_1071 = arith.minsi %min3A_1070, %max3A_1069 : vector<16xi32>
      %jit3A_1072 = arith.constant 0 : i32
      %jit3A_1073 = arith.constant 127 : i32
      %max3A_1074 = vector.broadcast %jit3A_1072 : i32 to vector<16xi32>
      %max3A_1075 = arith.maxsi %max3A_1074, %convert_element_type3A_272 : vector<16xi32>
      %min3A_1076 = vector.broadcast %jit3A_1073 : i32 to vector<16xi32>
      %min3A_1077 = arith.minsi %min3A_1076, %max3A_1075 : vector<16xi32>
      %gather3A_1078 = tpu.vector_load_idx %arg11[%min3A_1071, %min3A_1077] : memref<16x128xf32, #tpu.memory_space<vmem>>[vector<16xi32>, vector<16xi32>], vector<16xf32>,
      %sub3A_1079 = arith.subf %gather3A_1078, %mul3A_299 : vector<16xf32>
      %abs3A_1080 = math.absf %sub3A_1079 : vector<16xf32>
      %lt3A_1081 = arith.constant 1.000000e+00 : f32
      %lt3A_1082 = vector.broadcast %lt3A_1081 : f32 to vector<16xf32>
      %lt3A_1083 = arith.cmpf olt, %abs3A_1080, %lt3A_1082 : vector<16xf32>
      %mul3A_1084 = arith.constant 5.000000e-01 : f32
      %mul3A_1085 = vector.broadcast %mul3A_1084 : f32 to vector<16xf32>
      %mul3A_1086 = arith.mulf %mul3A_1085, %sub3A_1079 : vector<16xf32>
      %mul3A_1087 = arith.mulf %mul3A_1086, %sub3A_1079 : vector<16xf32>
      %sub3A_1088 = arith.constant 5.000000e-01 : f32
      %sub3A_1089 = vector.broadcast %sub3A_1088 : f32 to vector<16xf32>
      %sub3A_1090 = arith.subf %abs3A_1080, %sub3A_1089 : vector<16xf32>
      %select_n3A_1091 = arith.select %lt3A_1083, %mul3A_1087, %sub3A_1090 : vector<16xi1>, vector<16xf32>
      %jit3A_1092 = arith.constant 0.000000e+00 : f32
      %broadcast_in_dim3A_1093 = vector.broadcast %jit3A_1092 : f32 to vector<16xf32>
      %select_n3A_1094 = arith.select %and3A_667, %select_n3A_1091, %broadcast_in_dim3A_1093 : vector<16xi1>, vector<16xf32>
      %reduce_sum3A_1095 = arith.constant true
      %reduce_sum3A_1096 = vector.broadcast %reduce_sum3A_1095 : i1 to vector<16xi1>
      %reduce_sum3A_1097 = tpu.scan <sum>, %select_n3A_1094 masked %reduce_sum3A_1096 : vector<16xf32>, vector<16xi1> -> vector<16xf32>
      %reduce_sum3A_1098 = vector.extract %reduce_sum3A_1097[15] : f32 from vector<16xf32>
      %add3A_1099 = arith.addf %add3A_1062, %reduce_sum3A_1098 : f32
      %sub3A_1100 = arith.constant 96 : i32
      %sub3A_1101 = vector.broadcast %sub3A_1100 : i32 to vector<16xi32>
      %sub3A_1102 = arith.subi %convert_element_type3A_410, %sub3A_1101 : vector<16xi32>
      %jit3A_1103 = arith.constant 0 : i32
      %jit3A_1104 = arith.constant 15 : i32
      %max3A_1105 = vector.broadcast %jit3A_1103 : i32 to vector<16xi32>
      %max3A_1106 = arith.maxsi %max3A_1105, %sub3A_1102 : vector<16xi32>
      %min3A_1107 = vector.broadcast %jit3A_1104 : i32 to vector<16xi32>
      %min3A_1108 = arith.minsi %min3A_1107, %max3A_1106 : vector<16xi32>
      %jit3A_1109 = arith.constant 0 : i32
      %jit3A_1110 = arith.constant 127 : i32
      %max3A_1111 = vector.broadcast %jit3A_1109 : i32 to vector<16xi32>
      %max3A_1112 = arith.maxsi %max3A_1111, %convert_element_type3A_409 : vector<16xi32>
      %min3A_1113 = vector.broadcast %jit3A_1110 : i32 to vector<16xi32>
      %min3A_1114 = arith.minsi %min3A_1113, %max3A_1112 : vector<16xi32>
      %gather3A_1115 = tpu.vector_load_idx %arg11[%min3A_1108, %min3A_1114] : memref<16x128xf32, #tpu.memory_space<vmem>>[vector<16xi32>, vector<16xi32>], vector<16xf32>,
      %sub3A_1116 = arith.subf %gather3A_1115, %mul3A_436 : vector<16xf32>
      %abs3A_1117 = math.absf %sub3A_1116 : vector<16xf32>
      %lt3A_1118 = arith.constant 1.000000e+00 : f32
      %lt3A_1119 = vector.broadcast %lt3A_1118 : f32 to vector<16xf32>
      %lt3A_1120 = arith.cmpf olt, %abs3A_1117, %lt3A_1119 : vector<16xf32>
      %mul3A_1121 = arith.constant 5.000000e-01 : f32
      %mul3A_1122 = vector.broadcast %mul3A_1121 : f32 to vector<16xf32>
      %mul3A_1123 = arith.mulf %mul3A_1122, %sub3A_1116 : vector<16xf32>
      %mul3A_1124 = arith.mulf %mul3A_1123, %sub3A_1116 : vector<16xf32>
      %sub3A_1125 = arith.constant 5.000000e-01 : f32
      %sub3A_1126 = vector.broadcast %sub3A_1125 : f32 to vector<16xf32>
      %sub3A_1127 = arith.subf %abs3A_1117, %sub3A_1126 : vector<16xf32>
      %select_n3A_1128 = arith.select %lt3A_1120, %mul3A_1124, %sub3A_1127 : vector<16xi1>, vector<16xf32>
      %jit3A_1129 = arith.constant 0.000000e+00 : f32
      %broadcast_in_dim3A_1130 = vector.broadcast %jit3A_1129 : f32 to vector<16xf32>
      %select_n3A_1131 = arith.select %and3A_683, %select_n3A_1128, %broadcast_in_dim3A_1130 : vector<16xi1>, vector<16xf32>
      %reduce_sum3A_1132 = arith.constant true
      %reduce_sum3A_1133 = vector.broadcast %reduce_sum3A_1132 : i1 to vector<16xi1>
      %reduce_sum3A_1134 = tpu.scan <sum>, %select_n3A_1131 masked %reduce_sum3A_1133 : vector<16xf32>, vector<16xi1> -> vector<16xf32>
      %reduce_sum3A_1135 = vector.extract %reduce_sum3A_1134[15] : f32 from vector<16xf32>
      %add3A_1136 = arith.addf %add3A_1099, %reduce_sum3A_1135 : f32
      %sub3A_1137 = arith.constant 96 : i32
      %sub3A_1138 = vector.broadcast %sub3A_1137 : i32 to vector<16xi32>
      %sub3A_1139 = arith.subi %convert_element_type3A_547, %sub3A_1138 : vector<16xi32>
      %jit3A_1140 = arith.constant 0 : i32
      %jit3A_1141 = arith.constant 15 : i32
      %max3A_1142 = vector.broadcast %jit3A_1140 : i32 to vector<16xi32>
      %max3A_1143 = arith.maxsi %max3A_1142, %sub3A_1139 : vector<16xi32>
      %min3A_1144 = vector.broadcast %jit3A_1141 : i32 to vector<16xi32>
      %min3A_1145 = arith.minsi %min3A_1144, %max3A_1143 : vector<16xi32>
      %jit3A_1146 = arith.constant 0 : i32
      %jit3A_1147 = arith.constant 127 : i32
      %max3A_1148 = vector.broadcast %jit3A_1146 : i32 to vector<16xi32>
      %max3A_1149 = arith.maxsi %max3A_1148, %convert_element_type3A_546 : vector<16xi32>
      %min3A_1150 = vector.broadcast %jit3A_1147 : i32 to vector<16xi32>
      %min3A_1151 = arith.minsi %min3A_1150, %max3A_1149 : vector<16xi32>
      %gather3A_1152 = tpu.vector_load_idx %arg11[%min3A_1145, %min3A_1151] : memref<16x128xf32, #tpu.memory_space<vmem>>[vector<16xi32>, vector<16xi32>], vector<16xf32>,
      %sub3A_1153 = arith.subf %gather3A_1152, %mul3A_573 : vector<16xf32>
      %abs3A_1154 = math.absf %sub3A_1153 : vector<16xf32>
      %lt3A_1155 = arith.constant 1.000000e+00 : f32
      %lt3A_1156 = vector.broadcast %lt3A_1155 : f32 to vector<16xf32>
      %lt3A_1157 = arith.cmpf olt, %abs3A_1154, %lt3A_1156 : vector<16xf32>
      %mul3A_1158 = arith.constant 5.000000e-01 : f32
      %mul3A_1159 = vector.broadcast %mul3A_1158 : f32 to vector<16xf32>
      %mul3A_1160 = arith.mulf %mul3A_1159, %sub3A_1153 : vector<16xf32>
      %mul3A_1161 = arith.mulf %mul3A_1160, %sub3A_1153 : vector<16xf32>
      %sub3A_1162 = arith.constant 5.000000e-01 : f32
      %sub3A_1163 = vector.broadcast %sub3A_1162 : f32 to vector<16xf32>
      %sub3A_1164 = arith.subf %abs3A_1154, %sub3A_1163 : vector<16xf32>
      %select_n3A_1165 = arith.select %lt3A_1157, %mul3A_1161, %sub3A_1164 : vector<16xi1>, vector<16xf32>
      %jit3A_1166 = arith.constant 0.000000e+00 : f32
      %broadcast_in_dim3A_1167 = vector.broadcast %jit3A_1166 : f32 to vector<16xf32>
      %select_n3A_1168 = arith.select %and3A_699, %select_n3A_1165, %broadcast_in_dim3A_1167 : vector<16xi1>, vector<16xf32>
      %reduce_sum3A_1169 = arith.constant true
      %reduce_sum3A_1170 = vector.broadcast %reduce_sum3A_1169 : i1 to vector<16xi1>
      %reduce_sum3A_1171 = tpu.scan <sum>, %select_n3A_1168 masked %reduce_sum3A_1170 : vector<16xf32>, vector<16xi1> -> vector<16xf32>
      %reduce_sum3A_1172 = vector.extract %reduce_sum3A_1171[15] : f32 from vector<16xf32>
      %add3A_1173 = arith.addf %add3A_1136, %reduce_sum3A_1172 : f32
      %sub3A_1174 = arith.constant 96 : i32
      %sub3A_1175 = vector.broadcast %sub3A_1174 : i32 to vector<16xi32>
      %sub3A_1176 = arith.subi %convert_element_type3A_136, %sub3A_1175 : vector<16xi32>
      %jit3A_1177 = arith.constant 0 : i32
      %jit3A_1178 = arith.constant 15 : i32
      %max3A_1179 = vector.broadcast %jit3A_1177 : i32 to vector<16xi32>
      %max3A_1180 = arith.maxsi %max3A_1179, %sub3A_1176 : vector<16xi32>
      %min3A_1181 = vector.broadcast %jit3A_1178 : i32 to vector<16xi32>
      %min3A_1182 = arith.minsi %min3A_1181, %max3A_1180 : vector<16xi32>
      %jit3A_1183 = arith.constant 0 : i32
      %jit3A_1184 = arith.constant 127 : i32
      %max3A_1185 = vector.broadcast %jit3A_1183 : i32 to vector<16xi32>
      %max3A_1186 = arith.maxsi %max3A_1185, %convert_element_type3A_135 : vector<16xi32>
      %min3A_1187 = vector.broadcast %jit3A_1184 : i32 to vector<16xi32>
      %min3A_1188 = arith.minsi %min3A_1187, %max3A_1186 : vector<16xi32>
      %gather3A_1189 = tpu.vector_load_idx %arg12[%min3A_1182, %min3A_1188] : memref<16x128xf32, #tpu.memory_space<vmem>>[vector<16xi32>, vector<16xi32>], vector<16xf32>,
      %sub3A_1190 = arith.subf %gather3A_1189, %gather3A_172 : vector<16xf32>
      %abs3A_1191 = math.absf %sub3A_1190 : vector<16xf32>
      %lt3A_1192 = arith.constant 1.000000e+00 : f32
      %lt3A_1193 = vector.broadcast %lt3A_1192 : f32 to vector<16xf32>
      %lt3A_1194 = arith.cmpf olt, %abs3A_1191, %lt3A_1193 : vector<16xf32>
      %mul3A_1195 = arith.constant 5.000000e-01 : f32
      %mul3A_1196 = vector.broadcast %mul3A_1195 : f32 to vector<16xf32>
      %mul3A_1197 = arith.mulf %mul3A_1196, %sub3A_1190 : vector<16xf32>
      %mul3A_1198 = arith.mulf %mul3A_1197, %sub3A_1190 : vector<16xf32>
      %sub3A_1199 = arith.constant 5.000000e-01 : f32
      %sub3A_1200 = vector.broadcast %sub3A_1199 : f32 to vector<16xf32>
      %sub3A_1201 = arith.subf %abs3A_1191, %sub3A_1200 : vector<16xf32>
      %select_n3A_1202 = arith.select %lt3A_1194, %mul3A_1198, %sub3A_1201 : vector<16xi1>, vector<16xf32>
      %jit3A_1203 = arith.constant 0.000000e+00 : f32
      %broadcast_in_dim3A_1204 = vector.broadcast %jit3A_1203 : f32 to vector<16xf32>
      %select_n3A_1205 = arith.select %and3A_651, %select_n3A_1202, %broadcast_in_dim3A_1204 : vector<16xi1>, vector<16xf32>
      %reduce_sum3A_1206 = arith.constant true
      %reduce_sum3A_1207 = vector.broadcast %reduce_sum3A_1206 : i1 to vector<16xi1>
      %reduce_sum3A_1208 = tpu.scan <sum>, %select_n3A_1205 masked %reduce_sum3A_1207 : vector<16xf32>, vector<16xi1> -> vector<16xf32>
      %reduce_sum3A_1209 = vector.extract %reduce_sum3A_1208[15] : f32 from vector<16xf32>
      %add3A_1210 = arith.addf %add3A_1173, %reduce_sum3A_1209 : f32
      %sub3A_1211 = arith.constant 96 : i32
      %sub3A_1212 = vector.broadcast %sub3A_1211 : i32 to vector<16xi32>
      %sub3A_1213 = arith.subi %convert_element_type3A_273, %sub3A_1212 : vector<16xi32>
      %jit3A_1214 = arith.constant 0 : i32
      %jit3A_1215 = arith.constant 15 : i32
      %max3A_1216 = vector.broadcast %jit3A_1214 : i32 to vector<16xi32>
      %max3A_1217 = arith.maxsi %max3A_1216, %sub3A_1213 : vector<16xi32>
      %min3A_1218 = vector.broadcast %jit3A_1215 : i32 to vector<16xi32>
      %min3A_1219 = arith.minsi %min3A_1218, %max3A_1217 : vector<16xi32>
      %jit3A_1220 = arith.constant 0 : i32
      %jit3A_1221 = arith.constant 127 : i32
      %max3A_1222 = vector.broadcast %jit3A_1220 : i32 to vector<16xi32>
      %max3A_1223 = arith.maxsi %max3A_1222, %convert_element_type3A_272 : vector<16xi32>
      %min3A_1224 = vector.broadcast %jit3A_1221 : i32 to vector<16xi32>
      %min3A_1225 = arith.minsi %min3A_1224, %max3A_1223 : vector<16xi32>
      %gather3A_1226 = tpu.vector_load_idx %arg12[%min3A_1219, %min3A_1225] : memref<16x128xf32, #tpu.memory_space<vmem>>[vector<16xi32>, vector<16xi32>], vector<16xf32>,
      %sub3A_1227 = arith.subf %gather3A_1226, %gather3A_309 : vector<16xf32>
      %abs3A_1228 = math.absf %sub3A_1227 : vector<16xf32>
      %lt3A_1229 = arith.constant 1.000000e+00 : f32
      %lt3A_1230 = vector.broadcast %lt3A_1229 : f32 to vector<16xf32>
      %lt3A_1231 = arith.cmpf olt, %abs3A_1228, %lt3A_1230 : vector<16xf32>
      %mul3A_1232 = arith.constant 5.000000e-01 : f32
      %mul3A_1233 = vector.broadcast %mul3A_1232 : f32 to vector<16xf32>
      %mul3A_1234 = arith.mulf %mul3A_1233, %sub3A_1227 : vector<16xf32>
      %mul3A_1235 = arith.mulf %mul3A_1234, %sub3A_1227 : vector<16xf32>
      %sub3A_1236 = arith.constant 5.000000e-01 : f32
      %sub3A_1237 = vector.broadcast %sub3A_1236 : f32 to vector<16xf32>
      %sub3A_1238 = arith.subf %abs3A_1228, %sub3A_1237 : vector<16xf32>
      %select_n3A_1239 = arith.select %lt3A_1231, %mul3A_1235, %sub3A_1238 : vector<16xi1>, vector<16xf32>
      %jit3A_1240 = arith.constant 0.000000e+00 : f32
      %broadcast_in_dim3A_1241 = vector.broadcast %jit3A_1240 : f32 to vector<16xf32>
      %select_n3A_1242 = arith.select %and3A_667, %select_n3A_1239, %broadcast_in_dim3A_1241 : vector<16xi1>, vector<16xf32>
      %reduce_sum3A_1243 = arith.constant true
      %reduce_sum3A_1244 = vector.broadcast %reduce_sum3A_1243 : i1 to vector<16xi1>
      %reduce_sum3A_1245 = tpu.scan <sum>, %select_n3A_1242 masked %reduce_sum3A_1244 : vector<16xf32>, vector<16xi1> -> vector<16xf32>
      %reduce_sum3A_1246 = vector.extract %reduce_sum3A_1245[15] : f32 from vector<16xf32>
      %add3A_1247 = arith.addf %add3A_1210, %reduce_sum3A_1246 : f32
      %sub3A_1248 = arith.constant 96 : i32
      %sub3A_1249 = vector.broadcast %sub3A_1248 : i32 to vector<16xi32>
      %sub3A_1250 = arith.subi %convert_element_type3A_410, %sub3A_1249 : vector<16xi32>
      %jit3A_1251 = arith.constant 0 : i32
      %jit3A_1252 = arith.constant 15 : i32
      %max3A_1253 = vector.broadcast %jit3A_1251 : i32 to vector<16xi32>
      %max3A_1254 = arith.maxsi %max3A_1253, %sub3A_1250 : vector<16xi32>
      %min3A_1255 = vector.broadcast %jit3A_1252 : i32 to vector<16xi32>
      %min3A_1256 = arith.minsi %min3A_1255, %max3A_1254 : vector<16xi32>
      %jit3A_1257 = arith.constant 0 : i32
      %jit3A_1258 = arith.constant 127 : i32
      %max3A_1259 = vector.broadcast %jit3A_1257 : i32 to vector<16xi32>
      %max3A_1260 = arith.maxsi %max3A_1259, %convert_element_type3A_409 : vector<16xi32>
      %min3A_1261 = vector.broadcast %jit3A_1258 : i32 to vector<16xi32>
      %min3A_1262 = arith.minsi %min3A_1261, %max3A_1260 : vector<16xi32>
      %gather3A_1263 = tpu.vector_load_idx %arg12[%min3A_1256, %min3A_1262] : memref<16x128xf32, #tpu.memory_space<vmem>>[vector<16xi32>, vector<16xi32>], vector<16xf32>,
      %sub3A_1264 = arith.subf %gather3A_1263, %gather3A_446 : vector<16xf32>
      %abs3A_1265 = math.absf %sub3A_1264 : vector<16xf32>
      %lt3A_1266 = arith.constant 1.000000e+00 : f32
      %lt3A_1267 = vector.broadcast %lt3A_1266 : f32 to vector<16xf32>
      %lt3A_1268 = arith.cmpf olt, %abs3A_1265, %lt3A_1267 : vector<16xf32>
      %mul3A_1269 = arith.constant 5.000000e-01 : f32
      %mul3A_1270 = vector.broadcast %mul3A_1269 : f32 to vector<16xf32>
      %mul3A_1271 = arith.mulf %mul3A_1270, %sub3A_1264 : vector<16xf32>
      %mul3A_1272 = arith.mulf %mul3A_1271, %sub3A_1264 : vector<16xf32>
      %sub3A_1273 = arith.constant 5.000000e-01 : f32
      %sub3A_1274 = vector.broadcast %sub3A_1273 : f32 to vector<16xf32>
      %sub3A_1275 = arith.subf %abs3A_1265, %sub3A_1274 : vector<16xf32>
      %select_n3A_1276 = arith.select %lt3A_1268, %mul3A_1272, %sub3A_1275 : vector<16xi1>, vector<16xf32>
      %jit3A_1277 = arith.constant 0.000000e+00 : f32
      %broadcast_in_dim3A_1278 = vector.broadcast %jit3A_1277 : f32 to vector<16xf32>
      %select_n3A_1279 = arith.select %and3A_683, %select_n3A_1276, %broadcast_in_dim3A_1278 : vector<16xi1>, vector<16xf32>
      %reduce_sum3A_1280 = arith.constant true
      %reduce_sum3A_1281 = vector.broadcast %reduce_sum3A_1280 : i1 to vector<16xi1>
      %reduce_sum3A_1282 = tpu.scan <sum>, %select_n3A_1279 masked %reduce_sum3A_1281 : vector<16xf32>, vector<16xi1> -> vector<16xf32>
      %reduce_sum3A_1283 = vector.extract %reduce_sum3A_1282[15] : f32 from vector<16xf32>
      %add3A_1284 = arith.addf %add3A_1247, %reduce_sum3A_1283 : f32
      %sub3A_1285 = arith.constant 96 : i32
      %sub3A_1286 = vector.broadcast %sub3A_1285 : i32 to vector<16xi32>
      %sub3A_1287 = arith.subi %convert_element_type3A_547, %sub3A_1286 : vector<16xi32>
      %jit3A_1288 = arith.constant 0 : i32
      %jit3A_1289 = arith.constant 15 : i32
      %max3A_1290 = vector.broadcast %jit3A_1288 : i32 to vector<16xi32>
      %max3A_1291 = arith.maxsi %max3A_1290, %sub3A_1287 : vector<16xi32>
      %min3A_1292 = vector.broadcast %jit3A_1289 : i32 to vector<16xi32>
      %min3A_1293 = arith.minsi %min3A_1292, %max3A_1291 : vector<16xi32>
      %jit3A_1294 = arith.constant 0 : i32
      %jit3A_1295 = arith.constant 127 : i32
      %max3A_1296 = vector.broadcast %jit3A_1294 : i32 to vector<16xi32>
      %max3A_1297 = arith.maxsi %max3A_1296, %convert_element_type3A_546 : vector<16xi32>
      %min3A_1298 = vector.broadcast %jit3A_1295 : i32 to vector<16xi32>
      %min3A_1299 = arith.minsi %min3A_1298, %max3A_1297 : vector<16xi32>
      %gather3A_1300 = tpu.vector_load_idx %arg12[%min3A_1293, %min3A_1299] : memref<16x128xf32, #tpu.memory_space<vmem>>[vector<16xi32>, vector<16xi32>], vector<16xf32>,
      %sub3A_1301 = arith.subf %gather3A_1300, %gather3A_583 : vector<16xf32>
      %abs3A_1302 = math.absf %sub3A_1301 : vector<16xf32>
      %lt3A_1303 = arith.constant 1.000000e+00 : f32
      %lt3A_1304 = vector.broadcast %lt3A_1303 : f32 to vector<16xf32>
      %lt3A_1305 = arith.cmpf olt, %abs3A_1302, %lt3A_1304 : vector<16xf32>
      %mul3A_1306 = arith.constant 5.000000e-01 : f32
      %mul3A_1307 = vector.broadcast %mul3A_1306 : f32 to vector<16xf32>
      %mul3A_1308 = arith.mulf %mul3A_1307, %sub3A_1301 : vector<16xf32>
      %mul3A_1309 = arith.mulf %mul3A_1308, %sub3A_1301 : vector<16xf32>
      %sub3A_1310 = arith.constant 5.000000e-01 : f32
      %sub3A_1311 = vector.broadcast %sub3A_1310 : f32 to vector<16xf32>
      %sub3A_1312 = arith.subf %abs3A_1302, %sub3A_1311 : vector<16xf32>
      %select_n3A_1313 = arith.select %lt3A_1305, %mul3A_1309, %sub3A_1312 : vector<16xi1>, vector<16xf32>
      %jit3A_1314 = arith.constant 0.000000e+00 : f32
      %broadcast_in_dim3A_1315 = vector.broadcast %jit3A_1314 : f32 to vector<16xf32>
      %select_n3A_1316 = arith.select %and3A_699, %select_n3A_1313, %broadcast_in_dim3A_1315 : vector<16xi1>, vector<16xf32>
      %reduce_sum3A_1317 = arith.constant true
      %reduce_sum3A_1318 = vector.broadcast %reduce_sum3A_1317 : i1 to vector<16xi1>
      %reduce_sum3A_1319 = tpu.scan <sum>, %select_n3A_1316 masked %reduce_sum3A_1318 : vector<16xf32>, vector<16xi1> -> vector<16xf32>
      %reduce_sum3A_1320 = vector.extract %reduce_sum3A_1319[15] : f32 from vector<16xf32>
      %add3A_1321 = arith.addf %add3A_1284, %reduce_sum3A_1320 : f32
      %sub3A_1322 = arith.constant 96 : i32
      %sub3A_1323 = vector.broadcast %sub3A_1322 : i32 to vector<16xi32>
      %sub3A_1324 = arith.subi %convert_element_type3A_136, %sub3A_1323 : vector<16xi32>
      %jit3A_1325 = arith.constant 0 : i32
      %jit3A_1326 = arith.constant 15 : i32
      %max3A_1327 = vector.broadcast %jit3A_1325 : i32 to vector<16xi32>
      %max3A_1328 = arith.maxsi %max3A_1327, %sub3A_1324 : vector<16xi32>
      %min3A_1329 = vector.broadcast %jit3A_1326 : i32 to vector<16xi32>
      %min3A_1330 = arith.minsi %min3A_1329, %max3A_1328 : vector<16xi32>
      %jit3A_1331 = arith.constant 0 : i32
      %jit3A_1332 = arith.constant 127 : i32
      %max3A_1333 = vector.broadcast %jit3A_1331 : i32 to vector<16xi32>
      %max3A_1334 = arith.maxsi %max3A_1333, %convert_element_type3A_135 : vector<16xi32>
      %min3A_1335 = vector.broadcast %jit3A_1332 : i32 to vector<16xi32>
      %min3A_1336 = arith.minsi %min3A_1335, %max3A_1334 : vector<16xi32>
      %gather3A_1337 = tpu.vector_load_idx %arg13[%min3A_1330, %min3A_1336] : memref<16x128xf32, #tpu.memory_space<vmem>>[vector<16xi32>, vector<16xi32>], vector<16xf32>,
      %sub3A_1338 = arith.subf %gather3A_1337, %gather3A_182 : vector<16xf32>
      %abs3A_1339 = math.absf %sub3A_1338 : vector<16xf32>
      %lt3A_1340 = arith.constant 1.000000e+00 : f32
      %lt3A_1341 = vector.broadcast %lt3A_1340 : f32 to vector<16xf32>
      %lt3A_1342 = arith.cmpf olt, %abs3A_1339, %lt3A_1341 : vector<16xf32>
      %mul3A_1343 = arith.constant 5.000000e-01 : f32
      %mul3A_1344 = vector.broadcast %mul3A_1343 : f32 to vector<16xf32>
      %mul3A_1345 = arith.mulf %mul3A_1344, %sub3A_1338 : vector<16xf32>
      %mul3A_1346 = arith.mulf %mul3A_1345, %sub3A_1338 : vector<16xf32>
      %sub3A_1347 = arith.constant 5.000000e-01 : f32
      %sub3A_1348 = vector.broadcast %sub3A_1347 : f32 to vector<16xf32>
      %sub3A_1349 = arith.subf %abs3A_1339, %sub3A_1348 : vector<16xf32>
      %select_n3A_1350 = arith.select %lt3A_1342, %mul3A_1346, %sub3A_1349 : vector<16xi1>, vector<16xf32>
      %jit3A_1351 = arith.constant 0.000000e+00 : f32
      %broadcast_in_dim3A_1352 = vector.broadcast %jit3A_1351 : f32 to vector<16xf32>
      %select_n3A_1353 = arith.select %and3A_651, %select_n3A_1350, %broadcast_in_dim3A_1352 : vector<16xi1>, vector<16xf32>
      %reduce_sum3A_1354 = arith.constant true
      %reduce_sum3A_1355 = vector.broadcast %reduce_sum3A_1354 : i1 to vector<16xi1>
      %reduce_sum3A_1356 = tpu.scan <sum>, %select_n3A_1353 masked %reduce_sum3A_1355 : vector<16xf32>, vector<16xi1> -> vector<16xf32>
      %reduce_sum3A_1357 = vector.extract %reduce_sum3A_1356[15] : f32 from vector<16xf32>
      %add3A_1358 = arith.addf %add3A_1321, %reduce_sum3A_1357 : f32
      %sub3A_1359 = arith.constant 96 : i32
      %sub3A_1360 = vector.broadcast %sub3A_1359 : i32 to vector<16xi32>
      %sub3A_1361 = arith.subi %convert_element_type3A_273, %sub3A_1360 : vector<16xi32>
      %jit3A_1362 = arith.constant 0 : i32
      %jit3A_1363 = arith.constant 15 : i32
      %max3A_1364 = vector.broadcast %jit3A_1362 : i32 to vector<16xi32>
      %max3A_1365 = arith.maxsi %max3A_1364, %sub3A_1361 : vector<16xi32>
      %min3A_1366 = vector.broadcast %jit3A_1363 : i32 to vector<16xi32>
      %min3A_1367 = arith.minsi %min3A_1366, %max3A_1365 : vector<16xi32>
      %jit3A_1368 = arith.constant 0 : i32
      %jit3A_1369 = arith.constant 127 : i32
      %max3A_1370 = vector.broadcast %jit3A_1368 : i32 to vector<16xi32>
      %max3A_1371 = arith.maxsi %max3A_1370, %convert_element_type3A_272 : vector<16xi32>
      %min3A_1372 = vector.broadcast %jit3A_1369 : i32 to vector<16xi32>
      %min3A_1373 = arith.minsi %min3A_1372, %max3A_1371 : vector<16xi32>
      %gather3A_1374 = tpu.vector_load_idx %arg13[%min3A_1367, %min3A_1373] : memref<16x128xf32, #tpu.memory_space<vmem>>[vector<16xi32>, vector<16xi32>], vector<16xf32>,
      %sub3A_1375 = arith.subf %gather3A_1374, %gather3A_319 : vector<16xf32>
      %abs3A_1376 = math.absf %sub3A_1375 : vector<16xf32>
      %lt3A_1377 = arith.constant 1.000000e+00 : f32
      %lt3A_1378 = vector.broadcast %lt3A_1377 : f32 to vector<16xf32>
      %lt3A_1379 = arith.cmpf olt, %abs3A_1376, %lt3A_1378 : vector<16xf32>
      %mul3A_1380 = arith.constant 5.000000e-01 : f32
      %mul3A_1381 = vector.broadcast %mul3A_1380 : f32 to vector<16xf32>
      %mul3A_1382 = arith.mulf %mul3A_1381, %sub3A_1375 : vector<16xf32>
      %mul3A_1383 = arith.mulf %mul3A_1382, %sub3A_1375 : vector<16xf32>
      %sub3A_1384 = arith.constant 5.000000e-01 : f32
      %sub3A_1385 = vector.broadcast %sub3A_1384 : f32 to vector<16xf32>
      %sub3A_1386 = arith.subf %abs3A_1376, %sub3A_1385 : vector<16xf32>
      %select_n3A_1387 = arith.select %lt3A_1379, %mul3A_1383, %sub3A_1386 : vector<16xi1>, vector<16xf32>
      %jit3A_1388 = arith.constant 0.000000e+00 : f32
      %broadcast_in_dim3A_1389 = vector.broadcast %jit3A_1388 : f32 to vector<16xf32>
      %select_n3A_1390 = arith.select %and3A_667, %select_n3A_1387, %broadcast_in_dim3A_1389 : vector<16xi1>, vector<16xf32>
      %reduce_sum3A_1391 = arith.constant true
      %reduce_sum3A_1392 = vector.broadcast %reduce_sum3A_1391 : i1 to vector<16xi1>
      %reduce_sum3A_1393 = tpu.scan <sum>, %select_n3A_1390 masked %reduce_sum3A_1392 : vector<16xf32>, vector<16xi1> -> vector<16xf32>
      %reduce_sum3A_1394 = vector.extract %reduce_sum3A_1393[15] : f32 from vector<16xf32>
      %add3A_1395 = arith.addf %add3A_1358, %reduce_sum3A_1394 : f32
      %sub3A_1396 = arith.constant 96 : i32
      %sub3A_1397 = vector.broadcast %sub3A_1396 : i32 to vector<16xi32>
      %sub3A_1398 = arith.subi %convert_element_type3A_410, %sub3A_1397 : vector<16xi32>
      %jit3A_1399 = arith.constant 0 : i32
      %jit3A_1400 = arith.constant 15 : i32
      %max3A_1401 = vector.broadcast %jit3A_1399 : i32 to vector<16xi32>
      %max3A_1402 = arith.maxsi %max3A_1401, %sub3A_1398 : vector<16xi32>
      %min3A_1403 = vector.broadcast %jit3A_1400 : i32 to vector<16xi32>
      %min3A_1404 = arith.minsi %min3A_1403, %max3A_1402 : vector<16xi32>
      %jit3A_1405 = arith.constant 0 : i32
      %jit3A_1406 = arith.constant 127 : i32
      %max3A_1407 = vector.broadcast %jit3A_1405 : i32 to vector<16xi32>
      %max3A_1408 = arith.maxsi %max3A_1407, %convert_element_type3A_409 : vector<16xi32>
      %min3A_1409 = vector.broadcast %jit3A_1406 : i32 to vector<16xi32>
      %min3A_1410 = arith.minsi %min3A_1409, %max3A_1408 : vector<16xi32>
      %gather3A_1411 = tpu.vector_load_idx %arg13[%min3A_1404, %min3A_1410] : memref<16x128xf32, #tpu.memory_space<vmem>>[vector<16xi32>, vector<16xi32>], vector<16xf32>,
      %sub3A_1412 = arith.subf %gather3A_1411, %gather3A_456 : vector<16xf32>
      %abs3A_1413 = math.absf %sub3A_1412 : vector<16xf32>
      %lt3A_1414 = arith.constant 1.000000e+00 : f32
      %lt3A_1415 = vector.broadcast %lt3A_1414 : f32 to vector<16xf32>
      %lt3A_1416 = arith.cmpf olt, %abs3A_1413, %lt3A_1415 : vector<16xf32>
      %mul3A_1417 = arith.constant 5.000000e-01 : f32
      %mul3A_1418 = vector.broadcast %mul3A_1417 : f32 to vector<16xf32>
      %mul3A_1419 = arith.mulf %mul3A_1418, %sub3A_1412 : vector<16xf32>
      %mul3A_1420 = arith.mulf %mul3A_1419, %sub3A_1412 : vector<16xf32>
      %sub3A_1421 = arith.constant 5.000000e-01 : f32
      %sub3A_1422 = vector.broadcast %sub3A_1421 : f32 to vector<16xf32>
      %sub3A_1423 = arith.subf %abs3A_1413, %sub3A_1422 : vector<16xf32>
      %select_n3A_1424 = arith.select %lt3A_1416, %mul3A_1420, %sub3A_1423 : vector<16xi1>, vector<16xf32>
      %jit3A_1425 = arith.constant 0.000000e+00 : f32
      %broadcast_in_dim3A_1426 = vector.broadcast %jit3A_1425 : f32 to vector<16xf32>
      %select_n3A_1427 = arith.select %and3A_683, %select_n3A_1424, %broadcast_in_dim3A_1426 : vector<16xi1>, vector<16xf32>
      %reduce_sum3A_1428 = arith.constant true
      %reduce_sum3A_1429 = vector.broadcast %reduce_sum3A_1428 : i1 to vector<16xi1>
      %reduce_sum3A_1430 = tpu.scan <sum>, %select_n3A_1427 masked %reduce_sum3A_1429 : vector<16xf32>, vector<16xi1> -> vector<16xf32>
      %reduce_sum3A_1431 = vector.extract %reduce_sum3A_1430[15] : f32 from vector<16xf32>
      %add3A_1432 = arith.addf %add3A_1395, %reduce_sum3A_1431 : f32
      %sub3A_1433 = arith.constant 96 : i32
      %sub3A_1434 = vector.broadcast %sub3A_1433 : i32 to vector<16xi32>
      %sub3A_1435 = arith.subi %convert_element_type3A_547, %sub3A_1434 : vector<16xi32>
      %jit3A_1436 = arith.constant 0 : i32
      %jit3A_1437 = arith.constant 15 : i32
      %max3A_1438 = vector.broadcast %jit3A_1436 : i32 to vector<16xi32>
      %max3A_1439 = arith.maxsi %max3A_1438, %sub3A_1435 : vector<16xi32>
      %min3A_1440 = vector.broadcast %jit3A_1437 : i32 to vector<16xi32>
      %min3A_1441 = arith.minsi %min3A_1440, %max3A_1439 : vector<16xi32>
      %jit3A_1442 = arith.constant 0 : i32
      %jit3A_1443 = arith.constant 127 : i32
      %max3A_1444 = vector.broadcast %jit3A_1442 : i32 to vector<16xi32>
      %max3A_1445 = arith.maxsi %max3A_1444, %convert_element_type3A_546 : vector<16xi32>
      %min3A_1446 = vector.broadcast %jit3A_1443 : i32 to vector<16xi32>
      %min3A_1447 = arith.minsi %min3A_1446, %max3A_1445 : vector<16xi32>
      %gather3A_1448 = tpu.vector_load_idx %arg13[%min3A_1441, %min3A_1447] : memref<16x128xf32, #tpu.memory_space<vmem>>[vector<16xi32>, vector<16xi32>], vector<16xf32>,
      %sub3A_1449 = arith.subf %gather3A_1448, %gather3A_593 : vector<16xf32>
      %abs3A_1450 = math.absf %sub3A_1449 : vector<16xf32>
      %lt3A_1451 = arith.constant 1.000000e+00 : f32
      %lt3A_1452 = vector.broadcast %lt3A_1451 : f32 to vector<16xf32>
      %lt3A_1453 = arith.cmpf olt, %abs3A_1450, %lt3A_1452 : vector<16xf32>
      %mul3A_1454 = arith.constant 5.000000e-01 : f32
      %mul3A_1455 = vector.broadcast %mul3A_1454 : f32 to vector<16xf32>
      %mul3A_1456 = arith.mulf %mul3A_1455, %sub3A_1449 : vector<16xf32>
      %mul3A_1457 = arith.mulf %mul3A_1456, %sub3A_1449 : vector<16xf32>
      %sub3A_1458 = arith.constant 5.000000e-01 : f32
      %sub3A_1459 = vector.broadcast %sub3A_1458 : f32 to vector<16xf32>
      %sub3A_1460 = arith.subf %abs3A_1450, %sub3A_1459 : vector<16xf32>
      %select_n3A_1461 = arith.select %lt3A_1453, %mul3A_1457, %sub3A_1460 : vector<16xi1>, vector<16xf32>
      %jit3A_1462 = arith.constant 0.000000e+00 : f32
      %broadcast_in_dim3A_1463 = vector.broadcast %jit3A_1462 : f32 to vector<16xf32>
      %select_n3A_1464 = arith.select %and3A_699, %select_n3A_1461, %broadcast_in_dim3A_1463 : vector<16xi1>, vector<16xf32>
      %reduce_sum3A_1465 = arith.constant true
      %reduce_sum3A_1466 = vector.broadcast %reduce_sum3A_1465 : i1 to vector<16xi1>
      %reduce_sum3A_1467 = tpu.scan <sum>, %select_n3A_1464 masked %reduce_sum3A_1466 : vector<16xf32>, vector<16xi1> -> vector<16xf32>
      %reduce_sum3A_1468 = vector.extract %reduce_sum3A_1467[15] : f32 from vector<16xf32>
      %add3A_1469 = arith.addf %add3A_1432, %reduce_sum3A_1468 : f32
      %sub3A_1470 = arith.constant 96 : i32
      %sub3A_1471 = vector.broadcast %sub3A_1470 : i32 to vector<16xi32>
      %sub3A_1472 = arith.subi %convert_element_type3A_136, %sub3A_1471 : vector<16xi32>
      %jit3A_1473 = arith.constant 0 : i32
      %jit3A_1474 = arith.constant 15 : i32
      %max3A_1475 = vector.broadcast %jit3A_1473 : i32 to vector<16xi32>
      %max3A_1476 = arith.maxsi %max3A_1475, %sub3A_1472 : vector<16xi32>
      %min3A_1477 = vector.broadcast %jit3A_1474 : i32 to vector<16xi32>
      %min3A_1478 = arith.minsi %min3A_1477, %max3A_1476 : vector<16xi32>
      %jit3A_1479 = arith.constant 0 : i32
      %jit3A_1480 = arith.constant 127 : i32
      %max3A_1481 = vector.broadcast %jit3A_1479 : i32 to vector<16xi32>
      %max3A_1482 = arith.maxsi %max3A_1481, %convert_element_type3A_135 : vector<16xi32>
      %min3A_1483 = vector.broadcast %jit3A_1480 : i32 to vector<16xi32>
      %min3A_1484 = arith.minsi %min3A_1483, %max3A_1482 : vector<16xi32>
      %gather3A_1485 = tpu.vector_load_idx %arg14[%min3A_1478, %min3A_1484] : memref<16x128xf32, #tpu.memory_space<vmem>>[vector<16xi32>, vector<16xi32>], vector<16xf32>,
      %sub3A_1486 = arith.subf %gather3A_1485, %gather3A_192 : vector<16xf32>
      %abs3A_1487 = math.absf %sub3A_1486 : vector<16xf32>
      %lt3A_1488 = arith.constant 1.000000e+00 : f32
      %lt3A_1489 = vector.broadcast %lt3A_1488 : f32 to vector<16xf32>
      %lt3A_1490 = arith.cmpf olt, %abs3A_1487, %lt3A_1489 : vector<16xf32>
      %mul3A_1491 = arith.constant 5.000000e-01 : f32
      %mul3A_1492 = vector.broadcast %mul3A_1491 : f32 to vector<16xf32>
      %mul3A_1493 = arith.mulf %mul3A_1492, %sub3A_1486 : vector<16xf32>
      %mul3A_1494 = arith.mulf %mul3A_1493, %sub3A_1486 : vector<16xf32>
      %sub3A_1495 = arith.constant 5.000000e-01 : f32
      %sub3A_1496 = vector.broadcast %sub3A_1495 : f32 to vector<16xf32>
      %sub3A_1497 = arith.subf %abs3A_1487, %sub3A_1496 : vector<16xf32>
      %select_n3A_1498 = arith.select %lt3A_1490, %mul3A_1494, %sub3A_1497 : vector<16xi1>, vector<16xf32>
      %jit3A_1499 = arith.constant 0.000000e+00 : f32
      %broadcast_in_dim3A_1500 = vector.broadcast %jit3A_1499 : f32 to vector<16xf32>
      %select_n3A_1501 = arith.select %and3A_651, %select_n3A_1498, %broadcast_in_dim3A_1500 : vector<16xi1>, vector<16xf32>
      %reduce_sum3A_1502 = arith.constant true
      %reduce_sum3A_1503 = vector.broadcast %reduce_sum3A_1502 : i1 to vector<16xi1>
      %reduce_sum3A_1504 = tpu.scan <sum>, %select_n3A_1501 masked %reduce_sum3A_1503 : vector<16xf32>, vector<16xi1> -> vector<16xf32>
      %reduce_sum3A_1505 = vector.extract %reduce_sum3A_1504[15] : f32 from vector<16xf32>
      %add3A_1506 = arith.addf %add3A_1469, %reduce_sum3A_1505 : f32
      %sub3A_1507 = arith.constant 96 : i32
      %sub3A_1508 = vector.broadcast %sub3A_1507 : i32 to vector<16xi32>
      %sub3A_1509 = arith.subi %convert_element_type3A_273, %sub3A_1508 : vector<16xi32>
      %jit3A_1510 = arith.constant 0 : i32
      %jit3A_1511 = arith.constant 15 : i32
      %max3A_1512 = vector.broadcast %jit3A_1510 : i32 to vector<16xi32>
      %max3A_1513 = arith.maxsi %max3A_1512, %sub3A_1509 : vector<16xi32>
      %min3A_1514 = vector.broadcast %jit3A_1511 : i32 to vector<16xi32>
      %min3A_1515 = arith.minsi %min3A_1514, %max3A_1513 : vector<16xi32>
      %jit3A_1516 = arith.constant 0 : i32
      %jit3A_1517 = arith.constant 127 : i32
      %max3A_1518 = vector.broadcast %jit3A_1516 : i32 to vector<16xi32>
      %max3A_1519 = arith.maxsi %max3A_1518, %convert_element_type3A_272 : vector<16xi32>
      %min3A_1520 = vector.broadcast %jit3A_1517 : i32 to vector<16xi32>
      %min3A_1521 = arith.minsi %min3A_1520, %max3A_1519 : vector<16xi32>
      %gather3A_1522 = tpu.vector_load_idx %arg14[%min3A_1515, %min3A_1521] : memref<16x128xf32, #tpu.memory_space<vmem>>[vector<16xi32>, vector<16xi32>], vector<16xf32>,
      %sub3A_1523 = arith.subf %gather3A_1522, %gather3A_329 : vector<16xf32>
      %abs3A_1524 = math.absf %sub3A_1523 : vector<16xf32>
      %lt3A_1525 = arith.constant 1.000000e+00 : f32
      %lt3A_1526 = vector.broadcast %lt3A_1525 : f32 to vector<16xf32>
      %lt3A_1527 = arith.cmpf olt, %abs3A_1524, %lt3A_1526 : vector<16xf32>
      %mul3A_1528 = arith.constant 5.000000e-01 : f32
      %mul3A_1529 = vector.broadcast %mul3A_1528 : f32 to vector<16xf32>
      %mul3A_1530 = arith.mulf %mul3A_1529, %sub3A_1523 : vector<16xf32>
      %mul3A_1531 = arith.mulf %mul3A_1530, %sub3A_1523 : vector<16xf32>
      %sub3A_1532 = arith.constant 5.000000e-01 : f32
      %sub3A_1533 = vector.broadcast %sub3A_1532 : f32 to vector<16xf32>
      %sub3A_1534 = arith.subf %abs3A_1524, %sub3A_1533 : vector<16xf32>
      %select_n3A_1535 = arith.select %lt3A_1527, %mul3A_1531, %sub3A_1534 : vector<16xi1>, vector<16xf32>
      %jit3A_1536 = arith.constant 0.000000e+00 : f32
      %broadcast_in_dim3A_1537 = vector.broadcast %jit3A_1536 : f32 to vector<16xf32>
      %select_n3A_1538 = arith.select %and3A_667, %select_n3A_1535, %broadcast_in_dim3A_1537 : vector<16xi1>, vector<16xf32>
      %reduce_sum3A_1539 = arith.constant true
      %reduce_sum3A_1540 = vector.broadcast %reduce_sum3A_1539 : i1 to vector<16xi1>
      %reduce_sum3A_1541 = tpu.scan <sum>, %select_n3A_1538 masked %reduce_sum3A_1540 : vector<16xf32>, vector<16xi1> -> vector<16xf32>
      %reduce_sum3A_1542 = vector.extract %reduce_sum3A_1541[15] : f32 from vector<16xf32>
      %add3A_1543 = arith.addf %add3A_1506, %reduce_sum3A_1542 : f32
      %sub3A_1544 = arith.constant 96 : i32
      %sub3A_1545 = vector.broadcast %sub3A_1544 : i32 to vector<16xi32>
      %sub3A_1546 = arith.subi %convert_element_type3A_410, %sub3A_1545 : vector<16xi32>
      %jit3A_1547 = arith.constant 0 : i32
      %jit3A_1548 = arith.constant 15 : i32
      %max3A_1549 = vector.broadcast %jit3A_1547 : i32 to vector<16xi32>
      %max3A_1550 = arith.maxsi %max3A_1549, %sub3A_1546 : vector<16xi32>
      %min3A_1551 = vector.broadcast %jit3A_1548 : i32 to vector<16xi32>
      %min3A_1552 = arith.minsi %min3A_1551, %max3A_1550 : vector<16xi32>
      %jit3A_1553 = arith.constant 0 : i32
      %jit3A_1554 = arith.constant 127 : i32
      %max3A_1555 = vector.broadcast %jit3A_1553 : i32 to vector<16xi32>
      %max3A_1556 = arith.maxsi %max3A_1555, %convert_element_type3A_409 : vector<16xi32>
      %min3A_1557 = vector.broadcast %jit3A_1554 : i32 to vector<16xi32>
      %min3A_1558 = arith.minsi %min3A_1557, %max3A_1556 : vector<16xi32>
      %gather3A_1559 = tpu.vector_load_idx %arg14[%min3A_1552, %min3A_1558] : memref<16x128xf32, #tpu.memory_space<vmem>>[vector<16xi32>, vector<16xi32>], vector<16xf32>,
      %sub3A_1560 = arith.subf %gather3A_1559, %gather3A_466 : vector<16xf32>
      %abs3A_1561 = math.absf %sub3A_1560 : vector<16xf32>
      %lt3A_1562 = arith.constant 1.000000e+00 : f32
      %lt3A_1563 = vector.broadcast %lt3A_1562 : f32 to vector<16xf32>
      %lt3A_1564 = arith.cmpf olt, %abs3A_1561, %lt3A_1563 : vector<16xf32>
      %mul3A_1565 = arith.constant 5.000000e-01 : f32
      %mul3A_1566 = vector.broadcast %mul3A_1565 : f32 to vector<16xf32>
      %mul3A_1567 = arith.mulf %mul3A_1566, %sub3A_1560 : vector<16xf32>
      %mul3A_1568 = arith.mulf %mul3A_1567, %sub3A_1560 : vector<16xf32>
      %sub3A_1569 = arith.constant 5.000000e-01 : f32
      %sub3A_1570 = vector.broadcast %sub3A_1569 : f32 to vector<16xf32>
      %sub3A_1571 = arith.subf %abs3A_1561, %sub3A_1570 : vector<16xf32>
      %select_n3A_1572 = arith.select %lt3A_1564, %mul3A_1568, %sub3A_1571 : vector<16xi1>, vector<16xf32>
      %jit3A_1573 = arith.constant 0.000000e+00 : f32
      %broadcast_in_dim3A_1574 = vector.broadcast %jit3A_1573 : f32 to vector<16xf32>
      %select_n3A_1575 = arith.select %and3A_683, %select_n3A_1572, %broadcast_in_dim3A_1574 : vector<16xi1>, vector<16xf32>
      %reduce_sum3A_1576 = arith.constant true
      %reduce_sum3A_1577 = vector.broadcast %reduce_sum3A_1576 : i1 to vector<16xi1>
      %reduce_sum3A_1578 = tpu.scan <sum>, %select_n3A_1575 masked %reduce_sum3A_1577 : vector<16xf32>, vector<16xi1> -> vector<16xf32>
      %reduce_sum3A_1579 = vector.extract %reduce_sum3A_1578[15] : f32 from vector<16xf32>
      %add3A_1580 = arith.addf %add3A_1543, %reduce_sum3A_1579 : f32
      %sub3A_1581 = arith.constant 96 : i32
      %sub3A_1582 = vector.broadcast %sub3A_1581 : i32 to vector<16xi32>
      %sub3A_1583 = arith.subi %convert_element_type3A_547, %sub3A_1582 : vector<16xi32>
      %jit3A_1584 = arith.constant 0 : i32
      %jit3A_1585 = arith.constant 15 : i32
      %max3A_1586 = vector.broadcast %jit3A_1584 : i32 to vector<16xi32>
      %max3A_1587 = arith.maxsi %max3A_1586, %sub3A_1583 : vector<16xi32>
      %min3A_1588 = vector.broadcast %jit3A_1585 : i32 to vector<16xi32>
      %min3A_1589 = arith.minsi %min3A_1588, %max3A_1587 : vector<16xi32>
      %jit3A_1590 = arith.constant 0 : i32
      %jit3A_1591 = arith.constant 127 : i32
      %max3A_1592 = vector.broadcast %jit3A_1590 : i32 to vector<16xi32>
      %max3A_1593 = arith.maxsi %max3A_1592, %convert_element_type3A_546 : vector<16xi32>
      %min3A_1594 = vector.broadcast %jit3A_1591 : i32 to vector<16xi32>
      %min3A_1595 = arith.minsi %min3A_1594, %max3A_1593 : vector<16xi32>
      %gather3A_1596 = tpu.vector_load_idx %arg14[%min3A_1589, %min3A_1595] : memref<16x128xf32, #tpu.memory_space<vmem>>[vector<16xi32>, vector<16xi32>], vector<16xf32>,
      %sub3A_1597 = arith.subf %gather3A_1596, %gather3A_603 : vector<16xf32>
      %abs3A_1598 = math.absf %sub3A_1597 : vector<16xf32>
      %lt3A_1599 = arith.constant 1.000000e+00 : f32
      %lt3A_1600 = vector.broadcast %lt3A_1599 : f32 to vector<16xf32>
      %lt3A_1601 = arith.cmpf olt, %abs3A_1598, %lt3A_1600 : vector<16xf32>
      %mul3A_1602 = arith.constant 5.000000e-01 : f32
      %mul3A_1603 = vector.broadcast %mul3A_1602 : f32 to vector<16xf32>
      %mul3A_1604 = arith.mulf %mul3A_1603, %sub3A_1597 : vector<16xf32>
      %mul3A_1605 = arith.mulf %mul3A_1604, %sub3A_1597 : vector<16xf32>
      %sub3A_1606 = arith.constant 5.000000e-01 : f32
      %sub3A_1607 = vector.broadcast %sub3A_1606 : f32 to vector<16xf32>
      %sub3A_1608 = arith.subf %abs3A_1598, %sub3A_1607 : vector<16xf32>
      %select_n3A_1609 = arith.select %lt3A_1601, %mul3A_1605, %sub3A_1608 : vector<16xi1>, vector<16xf32>
      %jit3A_1610 = arith.constant 0.000000e+00 : f32
      %broadcast_in_dim3A_1611 = vector.broadcast %jit3A_1610 : f32 to vector<16xf32>
      %select_n3A_1612 = arith.select %and3A_699, %select_n3A_1609, %broadcast_in_dim3A_1611 : vector<16xi1>, vector<16xf32>
      %reduce_sum3A_1613 = arith.constant true
      %reduce_sum3A_1614 = vector.broadcast %reduce_sum3A_1613 : i1 to vector<16xi1>
      %reduce_sum3A_1615 = tpu.scan <sum>, %select_n3A_1612 masked %reduce_sum3A_1614 : vector<16xf32>, vector<16xi1> -> vector<16xf32>
      %reduce_sum3A_1616 = vector.extract %reduce_sum3A_1615[15] : f32 from vector<16xf32>
      %add3A_1617 = arith.addf %add3A_1580, %reduce_sum3A_1616 : f32
      %sub3A_1618 = arith.constant 96 : i32
      %sub3A_1619 = vector.broadcast %sub3A_1618 : i32 to vector<16xi32>
      %sub3A_1620 = arith.subi %convert_element_type3A_136, %sub3A_1619 : vector<16xi32>
      %jit3A_1621 = arith.constant 0 : i32
      %jit3A_1622 = arith.constant 15 : i32
      %max3A_1623 = vector.broadcast %jit3A_1621 : i32 to vector<16xi32>
      %max3A_1624 = arith.maxsi %max3A_1623, %sub3A_1620 : vector<16xi32>
      %min3A_1625 = vector.broadcast %jit3A_1622 : i32 to vector<16xi32>
      %min3A_1626 = arith.minsi %min3A_1625, %max3A_1624 : vector<16xi32>
      %jit3A_1627 = arith.constant 0 : i32
      %jit3A_1628 = arith.constant 127 : i32
      %max3A_1629 = vector.broadcast %jit3A_1627 : i32 to vector<16xi32>
      %max3A_1630 = arith.maxsi %max3A_1629, %convert_element_type3A_135 : vector<16xi32>
      %min3A_1631 = vector.broadcast %jit3A_1628 : i32 to vector<16xi32>
      %min3A_1632 = arith.minsi %min3A_1631, %max3A_1630 : vector<16xi32>
      %gather3A_1633 = tpu.vector_load_idx %arg15[%min3A_1626, %min3A_1632] : memref<16x128xf32, #tpu.memory_space<vmem>>[vector<16xi32>, vector<16xi32>], vector<16xf32>,
      %sub3A_1634 = arith.subf %gather3A_1633, %gather3A_202 : vector<16xf32>
      %abs3A_1635 = math.absf %sub3A_1634 : vector<16xf32>
      %lt3A_1636 = arith.constant 1.000000e+00 : f32
      %lt3A_1637 = vector.broadcast %lt3A_1636 : f32 to vector<16xf32>
      %lt3A_1638 = arith.cmpf olt, %abs3A_1635, %lt3A_1637 : vector<16xf32>
      %mul3A_1639 = arith.constant 5.000000e-01 : f32
      %mul3A_1640 = vector.broadcast %mul3A_1639 : f32 to vector<16xf32>
      %mul3A_1641 = arith.mulf %mul3A_1640, %sub3A_1634 : vector<16xf32>
      %mul3A_1642 = arith.mulf %mul3A_1641, %sub3A_1634 : vector<16xf32>
      %sub3A_1643 = arith.constant 5.000000e-01 : f32
      %sub3A_1644 = vector.broadcast %sub3A_1643 : f32 to vector<16xf32>
      %sub3A_1645 = arith.subf %abs3A_1635, %sub3A_1644 : vector<16xf32>
      %select_n3A_1646 = arith.select %lt3A_1638, %mul3A_1642, %sub3A_1645 : vector<16xi1>, vector<16xf32>
      %jit3A_1647 = arith.constant 0.000000e+00 : f32
      %broadcast_in_dim3A_1648 = vector.broadcast %jit3A_1647 : f32 to vector<16xf32>
      %select_n3A_1649 = arith.select %and3A_651, %select_n3A_1646, %broadcast_in_dim3A_1648 : vector<16xi1>, vector<16xf32>
      %reduce_sum3A_1650 = arith.constant true
      %reduce_sum3A_1651 = vector.broadcast %reduce_sum3A_1650 : i1 to vector<16xi1>
      %reduce_sum3A_1652 = tpu.scan <sum>, %select_n3A_1649 masked %reduce_sum3A_1651 : vector<16xf32>, vector<16xi1> -> vector<16xf32>
      %reduce_sum3A_1653 = vector.extract %reduce_sum3A_1652[15] : f32 from vector<16xf32>
      %add3A_1654 = arith.addf %add3A_1617, %reduce_sum3A_1653 : f32
      %sub3A_1655 = arith.constant 96 : i32
      %sub3A_1656 = vector.broadcast %sub3A_1655 : i32 to vector<16xi32>
      %sub3A_1657 = arith.subi %convert_element_type3A_273, %sub3A_1656 : vector<16xi32>
      %jit3A_1658 = arith.constant 0 : i32
      %jit3A_1659 = arith.constant 15 : i32
      %max3A_1660 = vector.broadcast %jit3A_1658 : i32 to vector<16xi32>
      %max3A_1661 = arith.maxsi %max3A_1660, %sub3A_1657 : vector<16xi32>
      %min3A_1662 = vector.broadcast %jit3A_1659 : i32 to vector<16xi32>
      %min3A_1663 = arith.minsi %min3A_1662, %max3A_1661 : vector<16xi32>
      %jit3A_1664 = arith.constant 0 : i32
      %jit3A_1665 = arith.constant 127 : i32
      %max3A_1666 = vector.broadcast %jit3A_1664 : i32 to vector<16xi32>
      %max3A_1667 = arith.maxsi %max3A_1666, %convert_element_type3A_272 : vector<16xi32>
      %min3A_1668 = vector.broadcast %jit3A_1665 : i32 to vector<16xi32>
      %min3A_1669 = arith.minsi %min3A_1668, %max3A_1667 : vector<16xi32>
      %gather3A_1670 = tpu.vector_load_idx %arg15[%min3A_1663, %min3A_1669] : memref<16x128xf32, #tpu.memory_space<vmem>>[vector<16xi32>, vector<16xi32>], vector<16xf32>,
      %sub3A_1671 = arith.subf %gather3A_1670, %gather3A_339 : vector<16xf32>
      %abs3A_1672 = math.absf %sub3A_1671 : vector<16xf32>
      %lt3A_1673 = arith.constant 1.000000e+00 : f32
      %lt3A_1674 = vector.broadcast %lt3A_1673 : f32 to vector<16xf32>
      %lt3A_1675 = arith.cmpf olt, %abs3A_1672, %lt3A_1674 : vector<16xf32>
      %mul3A_1676 = arith.constant 5.000000e-01 : f32
      %mul3A_1677 = vector.broadcast %mul3A_1676 : f32 to vector<16xf32>
      %mul3A_1678 = arith.mulf %mul3A_1677, %sub3A_1671 : vector<16xf32>
      %mul3A_1679 = arith.mulf %mul3A_1678, %sub3A_1671 : vector<16xf32>
      %sub3A_1680 = arith.constant 5.000000e-01 : f32
      %sub3A_1681 = vector.broadcast %sub3A_1680 : f32 to vector<16xf32>
      %sub3A_1682 = arith.subf %abs3A_1672, %sub3A_1681 : vector<16xf32>
      %select_n3A_1683 = arith.select %lt3A_1675, %mul3A_1679, %sub3A_1682 : vector<16xi1>, vector<16xf32>
      %jit3A_1684 = arith.constant 0.000000e+00 : f32
      %broadcast_in_dim3A_1685 = vector.broadcast %jit3A_1684 : f32 to vector<16xf32>
      %select_n3A_1686 = arith.select %and3A_667, %select_n3A_1683, %broadcast_in_dim3A_1685 : vector<16xi1>, vector<16xf32>
      %reduce_sum3A_1687 = arith.constant true
      %reduce_sum3A_1688 = vector.broadcast %reduce_sum3A_1687 : i1 to vector<16xi1>
      %reduce_sum3A_1689 = tpu.scan <sum>, %select_n3A_1686 masked %reduce_sum3A_1688 : vector<16xf32>, vector<16xi1> -> vector<16xf32>
      %reduce_sum3A_1690 = vector.extract %reduce_sum3A_1689[15] : f32 from vector<16xf32>
      %add3A_1691 = arith.addf %add3A_1654, %reduce_sum3A_1690 : f32
      %sub3A_1692 = arith.constant 96 : i32
      %sub3A_1693 = vector.broadcast %sub3A_1692 : i32 to vector<16xi32>
      %sub3A_1694 = arith.subi %convert_element_type3A_410, %sub3A_1693 : vector<16xi32>
      %jit3A_1695 = arith.constant 0 : i32
      %jit3A_1696 = arith.constant 15 : i32
      %max3A_1697 = vector.broadcast %jit3A_1695 : i32 to vector<16xi32>
      %max3A_1698 = arith.maxsi %max3A_1697, %sub3A_1694 : vector<16xi32>
      %min3A_1699 = vector.broadcast %jit3A_1696 : i32 to vector<16xi32>
      %min3A_1700 = arith.minsi %min3A_1699, %max3A_1698 : vector<16xi32>
      %jit3A_1701 = arith.constant 0 : i32
      %jit3A_1702 = arith.constant 127 : i32
      %max3A_1703 = vector.broadcast %jit3A_1701 : i32 to vector<16xi32>
      %max3A_1704 = arith.maxsi %max3A_1703, %convert_element_type3A_409 : vector<16xi32>
      %min3A_1705 = vector.broadcast %jit3A_1702 : i32 to vector<16xi32>
      %min3A_1706 = arith.minsi %min3A_1705, %max3A_1704 : vector<16xi32>
      %gather3A_1707 = tpu.vector_load_idx %arg15[%min3A_1700, %min3A_1706] : memref<16x128xf32, #tpu.memory_space<vmem>>[vector<16xi32>, vector<16xi32>], vector<16xf32>,
      %sub3A_1708 = arith.subf %gather3A_1707, %gather3A_476 : vector<16xf32>
      %abs3A_1709 = math.absf %sub3A_1708 : vector<16xf32>
      %lt3A_1710 = arith.constant 1.000000e+00 : f32
      %lt3A_1711 = vector.broadcast %lt3A_1710 : f32 to vector<16xf32>
      %lt3A_1712 = arith.cmpf olt, %abs3A_1709, %lt3A_1711 : vector<16xf32>
      %mul3A_1713 = arith.constant 5.000000e-01 : f32
      %mul3A_1714 = vector.broadcast %mul3A_1713 : f32 to vector<16xf32>
      %mul3A_1715 = arith.mulf %mul3A_1714, %sub3A_1708 : vector<16xf32>
      %mul3A_1716 = arith.mulf %mul3A_1715, %sub3A_1708 : vector<16xf32>
      %sub3A_1717 = arith.constant 5.000000e-01 : f32
      %sub3A_1718 = vector.broadcast %sub3A_1717 : f32 to vector<16xf32>
      %sub3A_1719 = arith.subf %abs3A_1709, %sub3A_1718 : vector<16xf32>
      %select_n3A_1720 = arith.select %lt3A_1712, %mul3A_1716, %sub3A_1719 : vector<16xi1>, vector<16xf32>
      %jit3A_1721 = arith.constant 0.000000e+00 : f32
      %broadcast_in_dim3A_1722 = vector.broadcast %jit3A_1721 : f32 to vector<16xf32>
      %select_n3A_1723 = arith.select %and3A_683, %select_n3A_1720, %broadcast_in_dim3A_1722 : vector<16xi1>, vector<16xf32>
      %reduce_sum3A_1724 = arith.constant true
      %reduce_sum3A_1725 = vector.broadcast %reduce_sum3A_1724 : i1 to vector<16xi1>
      %reduce_sum3A_1726 = tpu.scan <sum>, %select_n3A_1723 masked %reduce_sum3A_1725 : vector<16xf32>, vector<16xi1> -> vector<16xf32>
      %reduce_sum3A_1727 = vector.extract %reduce_sum3A_1726[15] : f32 from vector<16xf32>
      %add3A_1728 = arith.addf %add3A_1691, %reduce_sum3A_1727 : f32
      %sub3A_1729 = arith.constant 96 : i32
      %sub3A_1730 = vector.broadcast %sub3A_1729 : i32 to vector<16xi32>
      %sub3A_1731 = arith.subi %convert_element_type3A_547, %sub3A_1730 : vector<16xi32>
      %jit3A_1732 = arith.constant 0 : i32
      %jit3A_1733 = arith.constant 15 : i32
      %max3A_1734 = vector.broadcast %jit3A_1732 : i32 to vector<16xi32>
      %max3A_1735 = arith.maxsi %max3A_1734, %sub3A_1731 : vector<16xi32>
      %min3A_1736 = vector.broadcast %jit3A_1733 : i32 to vector<16xi32>
      %min3A_1737 = arith.minsi %min3A_1736, %max3A_1735 : vector<16xi32>
      %jit3A_1738 = arith.constant 0 : i32
      %jit3A_1739 = arith.constant 127 : i32
      %max3A_1740 = vector.broadcast %jit3A_1738 : i32 to vector<16xi32>
      %max3A_1741 = arith.maxsi %max3A_1740, %convert_element_type3A_546 : vector<16xi32>
      %min3A_1742 = vector.broadcast %jit3A_1739 : i32 to vector<16xi32>
      %min3A_1743 = arith.minsi %min3A_1742, %max3A_1741 : vector<16xi32>
      %gather3A_1744 = tpu.vector_load_idx %arg15[%min3A_1737, %min3A_1743] : memref<16x128xf32, #tpu.memory_space<vmem>>[vector<16xi32>, vector<16xi32>], vector<16xf32>,
      %sub3A_1745 = arith.subf %gather3A_1744, %gather3A_613 : vector<16xf32>
      %abs3A_1746 = math.absf %sub3A_1745 : vector<16xf32>
      %lt3A_1747 = arith.constant 1.000000e+00 : f32
      %lt3A_1748 = vector.broadcast %lt3A_1747 : f32 to vector<16xf32>
      %lt3A_1749 = arith.cmpf olt, %abs3A_1746, %lt3A_1748 : vector<16xf32>
      %mul3A_1750 = arith.constant 5.000000e-01 : f32
      %mul3A_1751 = vector.broadcast %mul3A_1750 : f32 to vector<16xf32>
      %mul3A_1752 = arith.mulf %mul3A_1751, %sub3A_1745 : vector<16xf32>
      %mul3A_1753 = arith.mulf %mul3A_1752, %sub3A_1745 : vector<16xf32>
      %sub3A_1754 = arith.constant 5.000000e-01 : f32
      %sub3A_1755 = vector.broadcast %sub3A_1754 : f32 to vector<16xf32>
      %sub3A_1756 = arith.subf %abs3A_1746, %sub3A_1755 : vector<16xf32>
      %select_n3A_1757 = arith.select %lt3A_1749, %mul3A_1753, %sub3A_1756 : vector<16xi1>, vector<16xf32>
      %jit3A_1758 = arith.constant 0.000000e+00 : f32
      %broadcast_in_dim3A_1759 = vector.broadcast %jit3A_1758 : f32 to vector<16xf32>
      %select_n3A_1760 = arith.select %and3A_699, %select_n3A_1757, %broadcast_in_dim3A_1759 : vector<16xi1>, vector<16xf32>
      %reduce_sum3A_1761 = arith.constant true
      %reduce_sum3A_1762 = vector.broadcast %reduce_sum3A_1761 : i1 to vector<16xi1>
      %reduce_sum3A_1763 = tpu.scan <sum>, %select_n3A_1760 masked %reduce_sum3A_1762 : vector<16xf32>, vector<16xi1> -> vector<16xf32>
      %reduce_sum3A_1764 = vector.extract %reduce_sum3A_1763[15] : f32 from vector<16xf32>
      %add3A_1765 = arith.addf %add3A_1728, %reduce_sum3A_1764 : f32
      %sub3A_1766 = arith.constant 96 : i32
      %sub3A_1767 = vector.broadcast %sub3A_1766 : i32 to vector<16xi32>
      %sub3A_1768 = arith.subi %convert_element_type3A_136, %sub3A_1767 : vector<16xi32>
      %jit3A_1769 = arith.constant 0 : i32
      %jit3A_1770 = arith.constant 15 : i32
      %max3A_1771 = vector.broadcast %jit3A_1769 : i32 to vector<16xi32>
      %max3A_1772 = arith.maxsi %max3A_1771, %sub3A_1768 : vector<16xi32>
      %min3A_1773 = vector.broadcast %jit3A_1770 : i32 to vector<16xi32>
      %min3A_1774 = arith.minsi %min3A_1773, %max3A_1772 : vector<16xi32>
      %jit3A_1775 = arith.constant 0 : i32
      %jit3A_1776 = arith.constant 127 : i32
      %max3A_1777 = vector.broadcast %jit3A_1775 : i32 to vector<16xi32>
      %max3A_1778 = arith.maxsi %max3A_1777, %convert_element_type3A_135 : vector<16xi32>
      %min3A_1779 = vector.broadcast %jit3A_1776 : i32 to vector<16xi32>
      %min3A_1780 = arith.minsi %min3A_1779, %max3A_1778 : vector<16xi32>
      %gather3A_1781 = tpu.vector_load_idx %arg16[%min3A_1774, %min3A_1780] : memref<16x128xf32, #tpu.memory_space<vmem>>[vector<16xi32>, vector<16xi32>], vector<16xf32>,
      %sub3A_1782 = arith.subf %gather3A_1781, %gather3A_212 : vector<16xf32>
      %abs3A_1783 = math.absf %sub3A_1782 : vector<16xf32>
      %lt3A_1784 = arith.constant 1.000000e+00 : f32
      %lt3A_1785 = vector.broadcast %lt3A_1784 : f32 to vector<16xf32>
      %lt3A_1786 = arith.cmpf olt, %abs3A_1783, %lt3A_1785 : vector<16xf32>
      %mul3A_1787 = arith.constant 5.000000e-01 : f32
      %mul3A_1788 = vector.broadcast %mul3A_1787 : f32 to vector<16xf32>
      %mul3A_1789 = arith.mulf %mul3A_1788, %sub3A_1782 : vector<16xf32>
      %mul3A_1790 = arith.mulf %mul3A_1789, %sub3A_1782 : vector<16xf32>
      %sub3A_1791 = arith.constant 5.000000e-01 : f32
      %sub3A_1792 = vector.broadcast %sub3A_1791 : f32 to vector<16xf32>
      %sub3A_1793 = arith.subf %abs3A_1783, %sub3A_1792 : vector<16xf32>
      %select_n3A_1794 = arith.select %lt3A_1786, %mul3A_1790, %sub3A_1793 : vector<16xi1>, vector<16xf32>
      %jit3A_1795 = arith.constant 0.000000e+00 : f32
      %broadcast_in_dim3A_1796 = vector.broadcast %jit3A_1795 : f32 to vector<16xf32>
      %select_n3A_1797 = arith.select %and3A_651, %select_n3A_1794, %broadcast_in_dim3A_1796 : vector<16xi1>, vector<16xf32>
      %reduce_sum3A_1798 = arith.constant true
      %reduce_sum3A_1799 = vector.broadcast %reduce_sum3A_1798 : i1 to vector<16xi1>
      %reduce_sum3A_1800 = tpu.scan <sum>, %select_n3A_1797 masked %reduce_sum3A_1799 : vector<16xf32>, vector<16xi1> -> vector<16xf32>
      %reduce_sum3A_1801 = vector.extract %reduce_sum3A_1800[15] : f32 from vector<16xf32>
      %add3A_1802 = arith.addf %add3A_1765, %reduce_sum3A_1801 : f32
      %sub3A_1803 = arith.constant 96 : i32
      %sub3A_1804 = vector.broadcast %sub3A_1803 : i32 to vector<16xi32>
      %sub3A_1805 = arith.subi %convert_element_type3A_273, %sub3A_1804 : vector<16xi32>
      %jit3A_1806 = arith.constant 0 : i32
      %jit3A_1807 = arith.constant 15 : i32
      %max3A_1808 = vector.broadcast %jit3A_1806 : i32 to vector<16xi32>
      %max3A_1809 = arith.maxsi %max3A_1808, %sub3A_1805 : vector<16xi32>
      %min3A_1810 = vector.broadcast %jit3A_1807 : i32 to vector<16xi32>
      %min3A_1811 = arith.minsi %min3A_1810, %max3A_1809 : vector<16xi32>
      %jit3A_1812 = arith.constant 0 : i32
      %jit3A_1813 = arith.constant 127 : i32
      %max3A_1814 = vector.broadcast %jit3A_1812 : i32 to vector<16xi32>
      %max3A_1815 = arith.maxsi %max3A_1814, %convert_element_type3A_272 : vector<16xi32>
      %min3A_1816 = vector.broadcast %jit3A_1813 : i32 to vector<16xi32>
      %min3A_1817 = arith.minsi %min3A_1816, %max3A_1815 : vector<16xi32>
      %gather3A_1818 = tpu.vector_load_idx %arg16[%min3A_1811, %min3A_1817] : memref<16x128xf32, #tpu.memory_space<vmem>>[vector<16xi32>, vector<16xi32>], vector<16xf32>,
      %sub3A_1819 = arith.subf %gather3A_1818, %gather3A_349 : vector<16xf32>
      %abs3A_1820 = math.absf %sub3A_1819 : vector<16xf32>
      %lt3A_1821 = arith.constant 1.000000e+00 : f32
      %lt3A_1822 = vector.broadcast %lt3A_1821 : f32 to vector<16xf32>
      %lt3A_1823 = arith.cmpf olt, %abs3A_1820, %lt3A_1822 : vector<16xf32>
      %mul3A_1824 = arith.constant 5.000000e-01 : f32
      %mul3A_1825 = vector.broadcast %mul3A_1824 : f32 to vector<16xf32>
      %mul3A_1826 = arith.mulf %mul3A_1825, %sub3A_1819 : vector<16xf32>
      %mul3A_1827 = arith.mulf %mul3A_1826, %sub3A_1819 : vector<16xf32>
      %sub3A_1828 = arith.constant 5.000000e-01 : f32
      %sub3A_1829 = vector.broadcast %sub3A_1828 : f32 to vector<16xf32>
      %sub3A_1830 = arith.subf %abs3A_1820, %sub3A_1829 : vector<16xf32>
      %select_n3A_1831 = arith.select %lt3A_1823, %mul3A_1827, %sub3A_1830 : vector<16xi1>, vector<16xf32>
      %jit3A_1832 = arith.constant 0.000000e+00 : f32
      %broadcast_in_dim3A_1833 = vector.broadcast %jit3A_1832 : f32 to vector<16xf32>
      %select_n3A_1834 = arith.select %and3A_667, %select_n3A_1831, %broadcast_in_dim3A_1833 : vector<16xi1>, vector<16xf32>
      %reduce_sum3A_1835 = arith.constant true
      %reduce_sum3A_1836 = vector.broadcast %reduce_sum3A_1835 : i1 to vector<16xi1>
      %reduce_sum3A_1837 = tpu.scan <sum>, %select_n3A_1834 masked %reduce_sum3A_1836 : vector<16xf32>, vector<16xi1> -> vector<16xf32>
      %reduce_sum3A_1838 = vector.extract %reduce_sum3A_1837[15] : f32 from vector<16xf32>
      %add3A_1839 = arith.addf %add3A_1802, %reduce_sum3A_1838 : f32
      %sub3A_1840 = arith.constant 96 : i32
      %sub3A_1841 = vector.broadcast %sub3A_1840 : i32 to vector<16xi32>
      %sub3A_1842 = arith.subi %convert_element_type3A_410, %sub3A_1841 : vector<16xi32>
      %jit3A_1843 = arith.constant 0 : i32
      %jit3A_1844 = arith.constant 15 : i32
      %max3A_1845 = vector.broadcast %jit3A_1843 : i32 to vector<16xi32>
      %max3A_1846 = arith.maxsi %max3A_1845, %sub3A_1842 : vector<16xi32>
      %min3A_1847 = vector.broadcast %jit3A_1844 : i32 to vector<16xi32>
      %min3A_1848 = arith.minsi %min3A_1847, %max3A_1846 : vector<16xi32>
      %jit3A_1849 = arith.constant 0 : i32
      %jit3A_1850 = arith.constant 127 : i32
      %max3A_1851 = vector.broadcast %jit3A_1849 : i32 to vector<16xi32>
      %max3A_1852 = arith.maxsi %max3A_1851, %convert_element_type3A_409 : vector<16xi32>
      %min3A_1853 = vector.broadcast %jit3A_1850 : i32 to vector<16xi32>
      %min3A_1854 = arith.minsi %min3A_1853, %max3A_1852 : vector<16xi32>
      %gather3A_1855 = tpu.vector_load_idx %arg16[%min3A_1848, %min3A_1854] : memref<16x128xf32, #tpu.memory_space<vmem>>[vector<16xi32>, vector<16xi32>], vector<16xf32>,
      %sub3A_1856 = arith.subf %gather3A_1855, %gather3A_486 : vector<16xf32>
      %abs3A_1857 = math.absf %sub3A_1856 : vector<16xf32>
      %lt3A_1858 = arith.constant 1.000000e+00 : f32
      %lt3A_1859 = vector.broadcast %lt3A_1858 : f32 to vector<16xf32>
      %lt3A_1860 = arith.cmpf olt, %abs3A_1857, %lt3A_1859 : vector<16xf32>
      %mul3A_1861 = arith.constant 5.000000e-01 : f32
      %mul3A_1862 = vector.broadcast %mul3A_1861 : f32 to vector<16xf32>
      %mul3A_1863 = arith.mulf %mul3A_1862, %sub3A_1856 : vector<16xf32>
      %mul3A_1864 = arith.mulf %mul3A_1863, %sub3A_1856 : vector<16xf32>
      %sub3A_1865 = arith.constant 5.000000e-01 : f32
      %sub3A_1866 = vector.broadcast %sub3A_1865 : f32 to vector<16xf32>
      %sub3A_1867 = arith.subf %abs3A_1857, %sub3A_1866 : vector<16xf32>
      %select_n3A_1868 = arith.select %lt3A_1860, %mul3A_1864, %sub3A_1867 : vector<16xi1>, vector<16xf32>
      %jit3A_1869 = arith.constant 0.000000e+00 : f32
      %broadcast_in_dim3A_1870 = vector.broadcast %jit3A_1869 : f32 to vector<16xf32>
      %select_n3A_1871 = arith.select %and3A_683, %select_n3A_1868, %broadcast_in_dim3A_1870 : vector<16xi1>, vector<16xf32>
      %reduce_sum3A_1872 = arith.constant true
      %reduce_sum3A_1873 = vector.broadcast %reduce_sum3A_1872 : i1 to vector<16xi1>
      %reduce_sum3A_1874 = tpu.scan <sum>, %select_n3A_1871 masked %reduce_sum3A_1873 : vector<16xf32>, vector<16xi1> -> vector<16xf32>
      %reduce_sum3A_1875 = vector.extract %reduce_sum3A_1874[15] : f32 from vector<16xf32>
      %add3A_1876 = arith.addf %add3A_1839, %reduce_sum3A_1875 : f32
      %sub3A_1877 = arith.constant 96 : i32
      %sub3A_1878 = vector.broadcast %sub3A_1877 : i32 to vector<16xi32>
      %sub3A_1879 = arith.subi %convert_element_type3A_547, %sub3A_1878 : vector<16xi32>
      %jit3A_1880 = arith.constant 0 : i32
      %jit3A_1881 = arith.constant 15 : i32
      %max3A_1882 = vector.broadcast %jit3A_1880 : i32 to vector<16xi32>
      %max3A_1883 = arith.maxsi %max3A_1882, %sub3A_1879 : vector<16xi32>
      %min3A_1884 = vector.broadcast %jit3A_1881 : i32 to vector<16xi32>
      %min3A_1885 = arith.minsi %min3A_1884, %max3A_1883 : vector<16xi32>
      %jit3A_1886 = arith.constant 0 : i32
      %jit3A_1887 = arith.constant 127 : i32
      %max3A_1888 = vector.broadcast %jit3A_1886 : i32 to vector<16xi32>
      %max3A_1889 = arith.maxsi %max3A_1888, %convert_element_type3A_546 : vector<16xi32>
      %min3A_1890 = vector.broadcast %jit3A_1887 : i32 to vector<16xi32>
      %min3A_1891 = arith.minsi %min3A_1890, %max3A_1889 : vector<16xi32>
      %gather3A_1892 = tpu.vector_load_idx %arg16[%min3A_1885, %min3A_1891] : memref<16x128xf32, #tpu.memory_space<vmem>>[vector<16xi32>, vector<16xi32>], vector<16xf32>,
      %sub3A_1893 = arith.subf %gather3A_1892, %gather3A_623 : vector<16xf32>
      %abs3A_1894 = math.absf %sub3A_1893 : vector<16xf32>
      %lt3A_1895 = arith.constant 1.000000e+00 : f32
      %lt3A_1896 = vector.broadcast %lt3A_1895 : f32 to vector<16xf32>
      %lt3A_1897 = arith.cmpf olt, %abs3A_1894, %lt3A_1896 : vector<16xf32>
      %mul3A_1898 = arith.constant 5.000000e-01 : f32
      %mul3A_1899 = vector.broadcast %mul3A_1898 : f32 to vector<16xf32>
      %mul3A_1900 = arith.mulf %mul3A_1899, %sub3A_1893 : vector<16xf32>
      %mul3A_1901 = arith.mulf %mul3A_1900, %sub3A_1893 : vector<16xf32>
      %sub3A_1902 = arith.constant 5.000000e-01 : f32
      %sub3A_1903 = vector.broadcast %sub3A_1902 : f32 to vector<16xf32>
      %sub3A_1904 = arith.subf %abs3A_1894, %sub3A_1903 : vector<16xf32>
      %select_n3A_1905 = arith.select %lt3A_1897, %mul3A_1901, %sub3A_1904 : vector<16xi1>, vector<16xf32>
      %jit3A_1906 = arith.constant 0.000000e+00 : f32
      %broadcast_in_dim3A_1907 = vector.broadcast %jit3A_1906 : f32 to vector<16xf32>
      %select_n3A_1908 = arith.select %and3A_699, %select_n3A_1905, %broadcast_in_dim3A_1907 : vector<16xi1>, vector<16xf32>
      %reduce_sum3A_1909 = arith.constant true
      %reduce_sum3A_1910 = vector.broadcast %reduce_sum3A_1909 : i1 to vector<16xi1>
      %reduce_sum3A_1911 = tpu.scan <sum>, %select_n3A_1908 masked %reduce_sum3A_1910 : vector<16xf32>, vector<16xi1> -> vector<16xf32>
      %reduce_sum3A_1912 = vector.extract %reduce_sum3A_1911[15] : f32 from vector<16xf32>
      %add3A_1913 = arith.addf %add3A_1876, %reduce_sum3A_1912 : f32
      %swap3A_1914 = arith.constant 64 : index
      %swap3A_1915 = tpu.vector_load %arg17[%swap3A_1914] {strides = array<i32>} : memref<128xf32, #tpu.memory_space<vmem>>, vector<16xf32>,
      tpu.vector_store %arg17[%swap3A_1914], %select_n3A {strides = array<i32>} : memref<128xf32, #tpu.memory_space<vmem>>, vector<16xf32>,
      %swap3A_1916 = arith.constant 64 : index
      %swap3A_1917 = tpu.vector_load %arg18[%swap3A_1916] {strides = array<i32>} : memref<128xf32, #tpu.memory_space<vmem>>, vector<16xf32>,
      tpu.vector_store %arg18[%swap3A_1916], %select_n3A {strides = array<i32>} : memref<128xf32, #tpu.memory_space<vmem>>, vector<16xf32>,
      %swap3A_1918 = arith.constant 80 : index
      %swap3A_1919 = tpu.vector_load %arg17[%swap3A_1918] {strides = array<i32>} : memref<128xf32, #tpu.memory_space<vmem>>, vector<16xf32>,
      tpu.vector_store %arg17[%swap3A_1918], %select_n3A {strides = array<i32>} : memref<128xf32, #tpu.memory_space<vmem>>, vector<16xf32>,
      %swap3A_1920 = arith.constant 80 : index
      %swap3A_1921 = tpu.vector_load %arg18[%swap3A_1920] {strides = array<i32>} : memref<128xf32, #tpu.memory_space<vmem>>, vector<16xf32>,
      tpu.vector_store %arg18[%swap3A_1920], %select_n3A {strides = array<i32>} : memref<128xf32, #tpu.memory_space<vmem>>, vector<16xf32>,
      %swap3A_1922 = arith.constant 96 : index
      %swap3A_1923 = tpu.vector_load %arg17[%swap3A_1922] {strides = array<i32>} : memref<128xf32, #tpu.memory_space<vmem>>, vector<16xf32>,
      tpu.vector_store %arg17[%swap3A_1922], %select_n3A {strides = array<i32>} : memref<128xf32, #tpu.memory_space<vmem>>, vector<16xf32>,
      %swap3A_1924 = arith.constant 96 : index
      %swap3A_1925 = tpu.vector_load %arg18[%swap3A_1924] {strides = array<i32>} : memref<128xf32, #tpu.memory_space<vmem>>, vector<16xf32>,
      tpu.vector_store %arg18[%swap3A_1924], %select_n3A {strides = array<i32>} : memref<128xf32, #tpu.memory_space<vmem>>, vector<16xf32>,
      %swap3A_1926 = arith.constant 112 : index
      %swap3A_1927 = tpu.vector_load %arg17[%swap3A_1926] {strides = array<i32>} : memref<128xf32, #tpu.memory_space<vmem>>, vector<16xf32>,
      tpu.vector_store %arg17[%swap3A_1926], %select_n3A {strides = array<i32>} : memref<128xf32, #tpu.memory_space<vmem>>, vector<16xf32>,
      %swap3A_1928 = arith.constant 112 : index
      %swap3A_1929 = tpu.vector_load %arg18[%swap3A_1928] {strides = array<i32>} : memref<128xf32, #tpu.memory_space<vmem>>, vector<16xf32>,
      tpu.vector_store %arg18[%swap3A_1928], %select_n3A {strides = array<i32>} : memref<128xf32, #tpu.memory_space<vmem>>, vector<16xf32>,
      %eq3A_1930 = arith.constant 0 : i32
      %eq3A_1931 = vector.broadcast %eq3A_1930 : i32 to vector<16xi32>
      %eq3A_1932 = arith.cmpi eq, %iota3A, %eq3A_1931 : vector<16xi32>
      %eq3A_1933 = arith.constant 1 : i32
      %eq3A_1934 = vector.broadcast %eq3A_1933 : i32 to vector<16xi32>
      %eq3A_1935 = arith.cmpi eq, %iota3A, %eq3A_1934 : vector<16xi32>
      %jit3A_1936 = arith.constant 0.000000e+00 : f32
      %broadcast_in_dim3A_1937 = vector.broadcast %add3A_1913 : f32 to vector<16xf32>
      %broadcast_in_dim3A_1938 = vector.broadcast %jit3A_1936 : f32 to vector<16xf32>
      %select_n3A_1939 = arith.select %eq3A_1935, %broadcast_in_dim3A_1937, %broadcast_in_dim3A_1938 : vector<16xi1>, vector<16xf32>
      %broadcast_in_dim3A_1940 = vector.broadcast %add3A_709 : f32 to vector<16xf32>
      %select_n3A_1941 = arith.select %eq3A_1932, %broadcast_in_dim3A_1940, %select_n3A_1939 : vector<16xi1>, vector<16xf32>
      %swap3A_1942 = arith.constant 0 : index
      %swap3A_1943 = tpu.vector_load %arg19[%swap3A_1942] {strides = array<i32>} : memref<128xf32, #tpu.memory_space<vmem>>, vector<16xf32>,
      tpu.vector_store %arg19[%swap3A_1942], %select_n3A_1941 {strides = array<i32>} : memref<128xf32, #tpu.memory_space<vmem>>, vector<16xf32>,
      %swap3A_1944 = arith.constant 16 : index
      %swap3A_1945 = tpu.vector_load %arg19[%swap3A_1944] {strides = array<i32>} : memref<128xf32, #tpu.memory_space<vmem>>, vector<16xf32>,
      tpu.vector_store %arg19[%swap3A_1944], %select_n3A {strides = array<i32>} : memref<128xf32, #tpu.memory_space<vmem>>, vector<16xf32>,
      %swap3A_1946 = arith.constant 32 : index
      %swap3A_1947 = tpu.vector_load %arg19[%swap3A_1946] {strides = array<i32>} : memref<128xf32, #tpu.memory_space<vmem>>, vector<16xf32>,
      tpu.vector_store %arg19[%swap3A_1946], %select_n3A {strides = array<i32>} : memref<128xf32, #tpu.memory_space<vmem>>, vector<16xf32>,
      %swap3A_1948 = arith.constant 48 : index
      %swap3A_1949 = tpu.vector_load %arg19[%swap3A_1948] {strides = array<i32>} : memref<128xf32, #tpu.memory_space<vmem>>, vector<16xf32>,
      tpu.vector_store %arg19[%swap3A_1948], %select_n3A {strides = array<i32>} : memref<128xf32, #tpu.memory_space<vmem>>, vector<16xf32>,
      %swap3A_1950 = arith.constant 64 : index
      %swap3A_1951 = tpu.vector_load %arg19[%swap3A_1950] {strides = array<i32>} : memref<128xf32, #tpu.memory_space<vmem>>, vector<16xf32>,
      tpu.vector_store %arg19[%swap3A_1950], %select_n3A {strides = array<i32>} : memref<128xf32, #tpu.memory_space<vmem>>, vector<16xf32>,
      %swap3A_1952 = arith.constant 80 : index
      %swap3A_1953 = tpu.vector_load %arg19[%swap3A_1952] {strides = array<i32>} : memref<128xf32, #tpu.memory_space<vmem>>, vector<16xf32>,
      tpu.vector_store %arg19[%swap3A_1952], %select_n3A {strides = array<i32>} : memref<128xf32, #tpu.memory_space<vmem>>, vector<16xf32>,
      %swap3A_1954 = arith.constant 96 : index
      %swap3A_1955 = tpu.vector_load %arg19[%swap3A_1954] {strides = array<i32>} : memref<128xf32, #tpu.memory_space<vmem>>, vector<16xf32>,
      tpu.vector_store %arg19[%swap3A_1954], %select_n3A {strides = array<i32>} : memref<128xf32, #tpu.memory_space<vmem>>, vector<16xf32>,
      %swap3A_1956 = arith.constant 112 : index
      %swap3A_1957 = tpu.vector_load %arg19[%swap3A_1956] {strides = array<i32>} : memref<128xf32, #tpu.memory_space<vmem>>, vector<16xf32>,
      tpu.vector_store %arg19[%swap3A_1956], %select_n3A {strides = array<i32>} : memref<128xf32, #tpu.memory_space<vmem>>, vector<16xf32>,
      %mul3A_1958 = arith.constant 128 : i32
      %mul3A_1959 = arith.muli %add3A, %mul3A_1958 : i32
      %multiple_of3A_1960 = tpu.assume_multiple %mul3A_1959, 8 : i32
      "tpu.region"() ({
        %run_scoped3A = tpu.sem_alloc : memref<!tpu.dma_semaphore, #tpu.memory_space<semaphore_mem>>
        %dma_start3A_1961 = tpu.memref_slice %arg4[%multiple_of3A_1960] : memref<1024xf32, #tpu.memory_space<hbm>> -> memref<128xf32, #tpu.memory_space<hbm>>
        %dma_start3A_1962 = tpu.memref_slice %arg4[%multiple_of3A_1960] : memref<1024xf32, #tpu.memory_space<hbm>> -> memref<128xf32, #tpu.memory_space<hbm>>
        tpu.enqueue_dma source(%arg19 : memref<128xf32, #tpu.memory_space<vmem>>) target(%dma_start3A_1962 : memref<128xf32, #tpu.memory_space<hbm>>) target_semaphore(%run_scoped3A : memref<!tpu.dma_semaphore, #tpu.memory_space<semaphore_mem>>)
        %dma_wait3A_1963 = tpu.memref_slice %arg4[%multiple_of3A_1960] : memref<1024xf32, #tpu.memory_space<hbm>> -> memref<128xf32, #tpu.memory_space<hbm>>
        %dma_wait3A_1964 = tpu.memref_slice %arg4[%multiple_of3A_1960] : memref<1024xf32, #tpu.memory_space<hbm>> -> memref<128xf32, #tpu.memory_space<hbm>>
        tpu.wait_dma2 semaphore(%run_scoped3A : memref<!tpu.dma_semaphore, #tpu.memory_space<semaphore_mem>>) src(%arg19 : memref<128xf32, #tpu.memory_space<vmem>>) dst(%dma_wait3A_1964 : memref<128xf32, #tpu.memory_space<hbm>>)
        tpu.yield
      }) : () -> ()
      "tpu.region"() ({
        %run_scoped3A = tpu.sem_alloc : memref<!tpu.dma_semaphore, #tpu.memory_space<semaphore_mem>>
        %dma_start3A_1961 = tpu.memref_slice %arg5[%multiple_of3A_1960] : memref<1024xf32, #tpu.memory_space<hbm>> -> memref<128xf32, #tpu.memory_space<hbm>>
        %dma_start3A_1962 = tpu.memref_slice %arg5[%multiple_of3A_1960] : memref<1024xf32, #tpu.memory_space<hbm>> -> memref<128xf32, #tpu.memory_space<hbm>>
        tpu.enqueue_dma source(%arg17 : memref<128xf32, #tpu.memory_space<vmem>>) target(%dma_start3A_1962 : memref<128xf32, #tpu.memory_space<hbm>>) target_semaphore(%run_scoped3A : memref<!tpu.dma_semaphore, #tpu.memory_space<semaphore_mem>>)
        %dma_wait3A_1963 = tpu.memref_slice %arg5[%multiple_of3A_1960] : memref<1024xf32, #tpu.memory_space<hbm>> -> memref<128xf32, #tpu.memory_space<hbm>>
        %dma_wait3A_1964 = tpu.memref_slice %arg5[%multiple_of3A_1960] : memref<1024xf32, #tpu.memory_space<hbm>> -> memref<128xf32, #tpu.memory_space<hbm>>
        tpu.wait_dma2 semaphore(%run_scoped3A : memref<!tpu.dma_semaphore, #tpu.memory_space<semaphore_mem>>) src(%arg17 : memref<128xf32, #tpu.memory_space<vmem>>) dst(%dma_wait3A_1964 : memref<128xf32, #tpu.memory_space<hbm>>)
        tpu.yield
      }) : () -> ()
      "tpu.region"() ({
        %run_scoped3A = tpu.sem_alloc : memref<!tpu.dma_semaphore, #tpu.memory_space<semaphore_mem>>
        %dma_start3A_1961 = tpu.memref_slice %arg6[%multiple_of3A_1960] : memref<1024xf32, #tpu.memory_space<hbm>> -> memref<128xf32, #tpu.memory_space<hbm>>
        %dma_start3A_1962 = tpu.memref_slice %arg6[%multiple_of3A_1960] : memref<1024xf32, #tpu.memory_space<hbm>> -> memref<128xf32, #tpu.memory_space<hbm>>
        tpu.enqueue_dma source(%arg18 : memref<128xf32, #tpu.memory_space<vmem>>) target(%dma_start3A_1962 : memref<128xf32, #tpu.memory_space<hbm>>) target_semaphore(%run_scoped3A : memref<!tpu.dma_semaphore, #tpu.memory_space<semaphore_mem>>)
        %dma_wait3A_1963 = tpu.memref_slice %arg6[%multiple_of3A_1960] : memref<1024xf32, #tpu.memory_space<hbm>> -> memref<128xf32, #tpu.memory_space<hbm>>
        %dma_wait3A_1964 = tpu.memref_slice %arg6[%multiple_of3A_1960] : memref<1024xf32, #tpu.memory_space<hbm>> -> memref<128xf32, #tpu.memory_space<hbm>>
        tpu.wait_dma2 semaphore(%run_scoped3A : memref<!tpu.dma_semaphore, #tpu.memory_space<semaphore_mem>>) src(%arg18 : memref<128xf32, #tpu.memory_space<vmem>>) dst(%dma_wait3A_1964 : memref<128xf32, #tpu.memory_space<hbm>>)
        tpu.yield
      }) : () -> ()
    } else {
    }
    return
  }
}

module attributes {stable_mosaic.version = 14 : i64} {
  func.func @_tc_body(%arg0: i32, %arg1: memref<8x8x200x176xf32, #tpu.memory_space<any>>, %arg2: memref<8x128xf32, #tpu.memory_space<vmem>>, %arg3: memref<8x128xf32, #tpu.memory_space<vmem>>, %arg4: memref<8x128xf32, #tpu.memory_space<vmem>>, %arg5: memref<1x1xf32, #tpu.memory_space<smem>>, %arg6: memref<1x1xf32, #tpu.memory_space<smem>>, %arg7: memref<8x200x176xf32, #tpu.memory_space<vmem>>, %arg8: memref<!tpu.dma_semaphore, #tpu.memory_space<semaphore_mem>>) attributes {dimension_semantics = [#tpu.dimension_semantics<arbitrary>], iteration_bounds = array<i64: 1>, scalar_prefetch = 0 : i64, scratch_operands = 2 : i64, tpu.core_type = #tpu.core_type<tc>, window_params = [{}, {pipeline_mode = #tpu.pipeline_mode<synchronous>, transform_indices = @transform_1, window_bounds = array<i64: 8, 128>}, {pipeline_mode = #tpu.pipeline_mode<synchronous>, transform_indices = @transform_2, window_bounds = array<i64: 8, 128>}, {pipeline_mode = #tpu.pipeline_mode<synchronous>, transform_indices = @transform_3, window_bounds = array<i64: 8, 128>}, {transform_indices = @transform_4, window_bounds = array<i64: 1, 1>}, {transform_indices = @transform_5, window_bounds = array<i64: 1, 1>}]} {
    %dma_start3A = arith.constant 0 : i32
    %dma_start3A_0 = arith.constant 0 : i32
    %dma_start3A_1 = arith.constant 0 : i32
    %dma_start3A_2 = arith.constant 0 : i32
    %dma_start3A_3 = tpu.memref_slice %arg1[%dma_start3A_0, %dma_start3A, %dma_start3A_1, %dma_start3A_2] : memref<8x8x200x176xf32, #tpu.memory_space<any>> -> memref<8x1x200x176xf32, #tpu.memory_space<any>>
    %dma_start3A_4 = tpu.memref_squeeze %dma_start3A_3 : memref<8x1x200x176xf32, #tpu.memory_space<any>> -> memref<8x200x176xf32, #tpu.memory_space<any>>
    tpu.enqueue_dma source(%dma_start3A_4 : memref<8x200x176xf32, #tpu.memory_space<any>>) target(%arg7 : memref<8x200x176xf32, #tpu.memory_space<vmem>>) target_semaphore(%arg8 : memref<!tpu.dma_semaphore, #tpu.memory_space<semaphore_mem>>)
    %get3A = arith.constant 0 : index
    %get3A_5 = arith.constant 0 : index
    %get3A_6 = vector.load %arg2[%get3A, %get3A_5] : memref<8x128xf32, #tpu.memory_space<vmem>>, vector<8x128xf32>
    %get3A_7 = arith.constant 0 : index
    %get3A_8 = arith.constant 0 : index
    %get3A_9 = vector.load %arg3[%get3A_7, %get3A_8] : memref<8x128xf32, #tpu.memory_space<vmem>>, vector<8x128xf32>
    %max3A = arith.constant 0.000000e+00 : f32
    %max3A_10 = vector.broadcast %max3A : f32 to vector<8x128xf32>
    %max3A_11 = arith.maximumf %get3A_6, %max3A_10 : vector<8x128xf32>
    %abs3A = math.absf %get3A_6 : vector<8x128xf32>
    %neg3A = arith.constant 0.000000e+00 : f32
    %neg3A_12 = vector.broadcast %neg3A : f32 to vector<8x128xf32>
    %neg3A_13 = arith.subf %neg3A_12, %abs3A : vector<8x128xf32>
    %exp3A = math.exp %neg3A_13 : vector<8x128xf32>
    %add3A = arith.constant 1.000000e+00 : f32
    %add3A_14 = vector.broadcast %add3A : f32 to vector<8x128xf32>
    %add3A_15 = arith.addf %add3A_14, %exp3A : vector<8x128xf32>
    %log3A = math.log %add3A_15 : vector<8x128xf32>
    %add3A_16 = arith.addf %max3A_11, %log3A : vector<8x128xf32>
    %gt3A = arith.constant 0.000000e+00 : f32
    %gt3A_17 = vector.broadcast %gt3A : f32 to vector<8x128xf32>
    %gt3A_18 = arith.cmpf ogt, %get3A_9, %gt3A_17 : vector<8x128xf32>
    %mul3A = arith.constant 2.900000e+01 : f32
    %mul3A_19 = vector.broadcast %mul3A : f32 to vector<8x128xf32>
    %mul3A_20 = arith.mulf %mul3A_19, %add3A_16 : vector<8x128xf32>
    %mul3A_21 = arith.constant 3.000000e+01 : f32
    %mul3A_22 = vector.broadcast %mul3A_21 : f32 to vector<8x128xf32>
    %mul3A_23 = arith.mulf %mul3A_22, %get3A_6 : vector<8x128xf32>
    %sub3A = arith.subf %mul3A_20, %mul3A_23 : vector<8x128xf32>
    %jit3A = arith.constant 0.000000e+00 : f32
    %broadcast_in_dim3A = vector.broadcast %jit3A : f32 to vector<8x128xf32>
    %select_n3A = arith.select %gt3A_18, %sub3A, %broadcast_in_dim3A : vector<8x128xi1>, vector<8x128xf32>
    %reduce_sum3A = vector.shape_cast %select_n3A : vector<8x128xf32> to vector<1x8x128xf32>
    %reduce_sum3A_24 = arith.constant dense<0.000000e+00> : vector<1xf32>
    %reduce_sum3A_25 = vector.multi_reduction <add>, %reduce_sum3A, %reduce_sum3A_24 [1, 2] : vector<1x8x128xf32> to vector<1xf32>
    %reduce_sum3A_26 = vector.shape_cast %reduce_sum3A_25 : vector<1xf32> to vector<1x1x1xf32>
    %reduce_sum3A_27 = vector.extract %reduce_sum3A_26[0, 0, 0] : f32 from vector<1x1x1xf32>
    %get3A_28 = arith.constant 0 : index
    %get3A_29 = arith.constant 0 : index
    %get3A_30 = vector.load %arg4[%get3A_28, %get3A_29] : memref<8x128xf32, #tpu.memory_space<vmem>>, vector<8x128xf32>
    %iota3A = tpu.iota {dimensions = array<i32: 1>} : vector<8x128xi32>
    %eq3A = arith.constant 0 : i32
    %eq3A_31 = vector.broadcast %eq3A : i32 to vector<8x128xi32>
    %eq3A_32 = arith.cmpi eq, %iota3A, %eq3A_31 : vector<8x128xi32>
    %jit3A_33 = arith.constant 0.000000e+00 : f32
    %broadcast_in_dim3A_34 = vector.broadcast %jit3A_33 : f32 to vector<8x128xf32>
    %select_n3A_35 = arith.select %eq3A_32, %get3A_30, %broadcast_in_dim3A_34 : vector<8x128xi1>, vector<8x128xf32>
    %reduce_sum3A_36 = vector.shape_cast %select_n3A_35 : vector<8x128xf32> to vector<1x8x128xf32>
    %reduce_sum3A_37 = arith.constant dense<0.000000e+00> : vector<1xf32>
    %reduce_sum3A_38 = vector.multi_reduction <add>, %reduce_sum3A_36, %reduce_sum3A_37 [1, 2] : vector<1x8x128xf32> to vector<1xf32>
    %reduce_sum3A_39 = vector.shape_cast %reduce_sum3A_38 : vector<1xf32> to vector<1x1x1xf32>
    %reduce_sum3A_40 = vector.extract %reduce_sum3A_39[0, 0, 0] : f32 from vector<1x1x1xf32>
    %eq3A_41 = arith.constant 1 : i32
    %eq3A_42 = vector.broadcast %eq3A_41 : i32 to vector<8x128xi32>
    %eq3A_43 = arith.cmpi eq, %iota3A, %eq3A_42 : vector<8x128xi32>
    %jit3A_44 = arith.constant 0.000000e+00 : f32
    %broadcast_in_dim3A_45 = vector.broadcast %jit3A_44 : f32 to vector<8x128xf32>
    %select_n3A_46 = arith.select %eq3A_43, %get3A_30, %broadcast_in_dim3A_45 : vector<8x128xi1>, vector<8x128xf32>
    %reduce_sum3A_47 = vector.shape_cast %select_n3A_46 : vector<8x128xf32> to vector<1x8x128xf32>
    %reduce_sum3A_48 = arith.constant dense<0.000000e+00> : vector<1xf32>
    %reduce_sum3A_49 = vector.multi_reduction <add>, %reduce_sum3A_47, %reduce_sum3A_48 [1, 2] : vector<1x8x128xf32> to vector<1xf32>
    %reduce_sum3A_50 = vector.shape_cast %reduce_sum3A_49 : vector<1xf32> to vector<1x1x1xf32>
    %reduce_sum3A_51 = vector.extract %reduce_sum3A_50[0, 0, 0] : f32 from vector<1x1x1xf32>
    %dma_wait3A = arith.constant 0 : i32
    %dma_wait3A_52 = arith.constant 0 : i32
    %dma_wait3A_53 = arith.constant 0 : i32
    %dma_wait3A_54 = arith.constant 0 : i32
    %dma_wait3A_55 = tpu.memref_slice %arg1[%dma_wait3A_52, %dma_wait3A, %dma_wait3A_53, %dma_wait3A_54] : memref<8x8x200x176xf32, #tpu.memory_space<any>> -> memref<8x1x200x176xf32, #tpu.memory_space<any>>
    %dma_wait3A_56 = tpu.memref_squeeze %dma_wait3A_55 : memref<8x1x200x176xf32, #tpu.memory_space<any>> -> memref<8x200x176xf32, #tpu.memory_space<any>>
    tpu.wait_dma2 semaphore(%arg8 : memref<!tpu.dma_semaphore, #tpu.memory_space<semaphore_mem>>) src(%dma_wait3A_56 : memref<8x200x176xf32, #tpu.memory_space<any>>) dst(%arg7 : memref<8x200x176xf32, #tpu.memory_space<vmem>>)
    %get3A_57 = arith.constant 0 : index
    %get3A_58 = arith.constant 0 : index
    %get3A_59 = arith.constant 0 : index
    %get3A_60 = vector.load %arg7[%get3A_57, %get3A_58, %get3A_59] : memref<8x200x176xf32, #tpu.memory_space<vmem>>, vector<8x200x176xf32>
    %max3A_61 = arith.constant 0.000000e+00 : f32
    %max3A_62 = vector.broadcast %max3A_61 : f32 to vector<8x200x176xf32>
    %max3A_63 = arith.maximumf %get3A_60, %max3A_62 : vector<8x200x176xf32>
    %abs3A_64 = math.absf %get3A_60 : vector<8x200x176xf32>
    %neg3A_65 = arith.constant 0.000000e+00 : f32
    %neg3A_66 = vector.broadcast %neg3A_65 : f32 to vector<8x200x176xf32>
    %neg3A_67 = arith.subf %neg3A_66, %abs3A_64 : vector<8x200x176xf32>
    %exp3A_68 = math.exp %neg3A_67 : vector<8x200x176xf32>
    %add3A_69 = arith.constant 1.000000e+00 : f32
    %add3A_70 = vector.broadcast %add3A_69 : f32 to vector<8x200x176xf32>
    %add3A_71 = arith.addf %add3A_70, %exp3A_68 : vector<8x200x176xf32>
    %log3A_72 = math.log %add3A_71 : vector<8x200x176xf32>
    %add3A_73 = arith.addf %max3A_63, %log3A_72 : vector<8x200x176xf32>
    %reduce_sum3A_74 = vector.shape_cast %add3A_73 : vector<8x200x176xf32> to vector<1x8x200x176xf32>
    %reduce_sum3A_75 = arith.constant dense<0.000000e+00> : vector<1xf32>
    %reduce_sum3A_76 = vector.multi_reduction <add>, %reduce_sum3A_74, %reduce_sum3A_75 [1, 2, 3] : vector<1x8x200x176xf32> to vector<1xf32>
    %reduce_sum3A_77 = vector.shape_cast %reduce_sum3A_76 : vector<1xf32> to vector<1x1x1x1xf32>
    %reduce_sum3A_78 = vector.extract %reduce_sum3A_77[0, 0, 0, 0] : f32 from vector<1x1x1x1xf32>
    %add3A_79 = arith.addf %reduce_sum3A_78, %reduce_sum3A_27 : f32
    %div3A = arith.constant 2.816000e+05 : f32
    %div3A_80 = arith.divf %add3A_79, %div3A : f32
    %mul3A_81 = arith.constant 7.000000e+00 : f32
    %mul3A_82 = arith.mulf %reduce_sum3A_40, %mul3A_81 : f32
    %add3A_83 = arith.constant 9.99999997E-7 : f32
    %add3A_84 = arith.addf %mul3A_82, %add3A_83 : f32
    %div3A_85 = arith.divf %reduce_sum3A_51, %add3A_84 : f32
    %gt3A_86 = arith.constant 0.000000e+00 : f32
    %gt3A_87 = arith.cmpf ogt, %reduce_sum3A_40, %gt3A_86 : f32
    %jit3A_88 = arith.constant 0.000000e+00 : f32
    %select_n3A_89 = arith.select %gt3A_87, %div3A_85, %jit3A_88 : f32
    %mul3A_90 = arith.constant 2.000000e+00 : f32
    %mul3A_91 = arith.mulf %mul3A_90, %select_n3A_89 : f32
    %add3A_92 = arith.addf %div3A_80, %mul3A_91 : f32
    %swap3A = arith.constant 0 : index
    %swap3A_93 = arith.constant 0 : index
    %swap3A_94 = memref.load %arg5[%swap3A, %swap3A_93] : memref<1x1xf32, #tpu.memory_space<smem>>
    memref.store %add3A_92, %arg5[%swap3A, %swap3A_93] : memref<1x1xf32, #tpu.memory_space<smem>>
    %swap3A_95 = arith.constant 0 : index
    %swap3A_96 = arith.constant 0 : index
    %swap3A_97 = memref.load %arg6[%swap3A_95, %swap3A_96] : memref<1x1xf32, #tpu.memory_space<smem>>
    memref.store %reduce_sum3A_40, %arg6[%swap3A_95, %swap3A_96] : memref<1x1xf32, #tpu.memory_space<smem>>
    return
  }
  func.func @transform_1(%arg0: i32) -> (i32, i32) {
    %c0_i32 = arith.constant 0 : i32
    %c0_i32_0 = arith.constant 0 : i32
    %c0_i32_1 = arith.constant 0 : i32
    return %c0_i32, %c0_i32_0 : i32, i32
  }
  func.func @transform_2(%arg0: i32) -> (i32, i32) {
    %c0_i32 = arith.constant 0 : i32
    %c0_i32_0 = arith.constant 0 : i32
    %c0_i32_1 = arith.constant 0 : i32
    return %c0_i32, %c0_i32_0 : i32, i32
  }
  func.func @transform_3(%arg0: i32) -> (i32, i32) {
    %c0_i32 = arith.constant 0 : i32
    %c0_i32_0 = arith.constant 0 : i32
    %c0_i32_1 = arith.constant 0 : i32
    return %c0_i32, %c0_i32_0 : i32, i32
  }
  func.func @transform_4(%arg0: i32) -> (i32, i32) {
    %c0_i32 = arith.constant 0 : i32
    %c0_i32_0 = arith.constant 0 : i32
    %c0_i32_1 = arith.constant 0 : i32
    return %c0_i32, %c0_i32_0 : i32, i32
  }
  func.func @transform_5(%arg0: i32) -> (i32, i32) {
    %c0_i32 = arith.constant 0 : i32
    %c0_i32_0 = arith.constant 0 : i32
    %c0_i32_1 = arith.constant 0 : i32
    return %c0_i32, %c0_i32_0 : i32, i32
  }
}

</mosaic_0001>

<sc_bundles>
// kernel: kernel.4.cloned.1.call-start
scs
__scs_entry_jumppad:
0x0: {  	(pc) =	sbr.rel $0x88, $3  }
0x1: {  	(tag) =	ssettag $0x0;
	lr =	simm.s32 $0x1  }
0x2: {  	[smem:$0x3F9F] =	sst lr;
	_ =	strace $0xD0000000  }
0x3: {  	_ = 	snop  }
0x4: {  	_ = 	snop  }
0x5: {  	_ = 	snop  }
0x6: {  	_ = 	snop  }
0x7: {  	_ = 	snop  }
__scs_overlays_trampoline_lowered:
0x8: {  	[smem:$0x3FAE] =	sst s0  }
0x9: {  	[smem:$0x3FAF] =	sst s1  }
0xa: {  	[smem:$0x3FB0] =	sst s2  }
0xb: {  	[smem:$0x3FB1] =	sst s3  }
0xc: {  	[smem:$0x3FB2] =	sst s4  }
0xd: {  	[smem:$0x3FB3] =	sst s5  }
0xe: {  	[smem:$0x3FB4] =	sst s6  }
0xf: {  	[smem:$0x3FB5] =	sst s7  }
0x10: {  	[smem:$0x3FB6] =	sst s8  }
0x11: {  	[smem:$0x3FB7] =	sst s9;
	s0 =	simm.s32 @!p0 $0x0  }
0x12: {  	s1 =	sld [smem:$0x3F9D];
	s0 =	simm.s32 @p0 $0x1  }
0x13: {  	[smem:$0x3FB8] =	sst s0;
	s0 =	simm.s32 @!p1 $0x0  }
0x14: {  	s2 =	sld [smem:$0x3F9C];
	s0 =	simm.s32 @p1 $0x1  }
0x15: {  	[smem:$0x3FB9] =	sst s0;
	s0 =	simm.s32 @!p2 $0x0  }
0x16: {  	s3 =	sld [smem:$0x3FDB];
	s0 =	simm.s32 @p2 $0x1  }
0x17: {  	s4 =	simm.s32 $0x1BF5;
	[smem:$0x3FBB] =	sst s0  }
0x18: {  	s0 =	sld [smem:$0x3F9E];
	_ =	swait.ge [sflag:s4], $0x0  }
0x19: {  	s7 =	sld [smem:$0x3F9F]  }
0x1a: {  	s8 =	sadd.s32 $0xFFFFE003, lr  }
0x1b: {  	s9 =	sadd.s32 $0xFFFFFEF7, lr;
	s5 =	simm.s32 $0xFFFFFFFF;
	p2 =	slt.u32 s8, $0xFFFFF086  }
0x1c: {  	p1 =	slt.u32 s9, $0xF7A;
	s5 =	simm.s32 @!p2 $0x0  }
0x1d: {  	s5 =	simm.s32 @p1 $0x1;
	p0 =	seq.s32 s7, s2  }
0x1e: {  	s7 =	smul.u32 @!p0 $0xF7A, s2;
	p2 =	seq.s32 @!p0 s5, $0x0  }
0x1f: {  	s9 =	smul.u32 $0xF7A, s1;
	s8 =	simm.s32 @!p0 $0x1BF5;
	p2 =	por !p2, p0  }
0x20: {  	[sflag:s8] =	ssyncset.s32 @!p0 $0xFFFFF086;
	s6 =	sadd.s32 @!p0 s3, s7;
	s7 =	simm.s32 @!p0 $0x108  }
0x21: {  	s3 =	sadd.s32 s3, s9;
	s6 =	sadd.s32 @!p0 $0x88, s6;
	s7 =	simm.s32 @p2 $0x1082  }
0x22: {  	[simem:s7], [sflag:s8] =	dma.local @!p0 [hbm:s6], $0xF7A  }
0x23: {  	s9 =	sor.u32 $0xD0000000, s2;
	s6 =	simm.s32 $0x108;
	_ =	swait.ge @!p0 [sflag:s8], $0x0  }
0x24: {  	s3 =	sadd.s32 $0x88, s3;
	s6 =	simm.s32 @!p1 $0x1082;
	[sflag:s4] =	ssyncset.s32 $0xFFFFF086  }
0x25: {  	[simem:s6], [sflag:s4] =	dma.local [hbm:s3], $0xF7A  }
0x26: {  	[smem:$0x3F9F] =	sst s1;
	(tag) =	ssettag s2;
	_ =	strace s9  }
0x27: {  	s1 =	sld [smem:$0x3FAF]  }
0x28: {  	s2 =	sld [smem:$0x3FB0]  }
0x29: {  	s4 =	sld [smem:$0x3FB2]  }
0x2a: {  	p0 =	seq.s32 s5, $0x0;
	s5 =	sld [smem:$0x3FB3]  }
0x2b: {  	s6 =	sld [smem:$0x3FB4]  }
0x2c: {  	s7 =	sld [smem:$0x3FB5]  }
0x2d: {  	s3 =	simm.s32 $0x108;
	s8 =	sld [smem:$0x3FB6]  }
0x2e: {  	s3 =	simm.s32 @!p0 $0x1082;
	s9 =	sld [smem:$0x3FB7]  }
0x2f: {  	lr =	sadd.s32 s0, s3;
	s0 =	sld [smem:$0x3FAE]  }
0x30: {  	s3 =	sld [smem:$0x3FB1]  }
0x31: {  	[smem:$0x3FBA] =	sst s10  }
0x32: {  	s10 =	sld [smem:$0x3FB8];
	_ =	sdelay $0x3  }
0x33: {  	p0 =	seq.s32 s10, $0x1;
	s10 =	sld [smem:$0x3FBA];
	_ =	sdelay $0x3  }
0x34: {  	[smem:$0x3FBA] =	sst s10  }
0x35: {  	s10 =	sld [smem:$0x3FB9];
	_ =	sdelay $0x3  }
0x36: {  	p1 =	seq.s32 s10, $0x1;
	s10 =	sld [smem:$0x3FBA];
	_ =	sdelay $0x3  }
0x37: {  	[smem:$0x3FBA] =	sst s10  }
0x38: {  	s10 =	sld [smem:$0x3FBB]  }
0x39: {  	_ = 	snop;
	(pc) =	sbr.ind lr, $3  }
0x3a: {  	_ = 	snop  }
0x3b: {  	_ = 	snop  }
0x3c: {  	p2 =	seq.s32 s10, $0x1;
	s10 =	sld [smem:$0x3FBA]  }
0x3d: {  	_ =	shalt  }
0x3e: {  	_ =	shalt  }
0x3f: {  	_ =	shalt  }
0x40: {  	_ =	shalt  }
0x41: {  	_ =	shalt  }
0x42: {  	_ =	shalt  }
0x43: {  	_ =	shalt  }
0x44: {  	_ =	shalt  }
0x45: {  	_ =	shalt  }
0x46: {  	_ =	shalt  }
0x47: {  	_ =	shalt  }
0x48: {  	_ =	shalt  }
0x49: {  	_ =	shalt  }
0x4a: {  	_ =	shalt  }
0x4b: {  	_ =	shalt  }
0x4c: {  	_ =	shalt  }
0x4d: {  	_ =	shalt  }
0x4e: {  	_ =	shalt  }
0x4f: {  	_ =	shalt  }
0x50: {  	_ =	shalt  }
0x51: {  	_ =	shalt  }
0x52: {  	_ =	shalt  }
0x53: {  	_ =	shalt  }
0x54: {  	_ =	shalt  }
0x55: {  	_ =	shalt  }
0x56: {  	_ =	shalt  }
0x57: {  	_ =	shalt  }
0x58: {  	_ =	shalt  }
0x59: {  	_ =	shalt  }
0x5a: {  	_ =	shalt  }
0x5b: {  	_ =	shalt  }
0x5c: {  	_ =	shalt  }
0x5d: {  	_ =	shalt  }
0x5e: {  	_ =	shalt  }
0x5f: {  	_ =	shalt  }
0x60: {  	_ =	shalt  }
0x61: {  	_ =	shalt  }
0x62: {  	_ =	shalt  }
0x63: {  	_ =	shalt  }
0x64: {  	_ =	shalt  }
0x65: {  	_ =	shalt  }
0x66: {  	_ =	shalt  }
0x67: {  	_ =	shalt  }
0x68: {  	_ =	shalt  }
0x69: {  	_ =	shalt  }
0x6a: {  	_ =	shalt  }
0x6b: {  	_ =	shalt  }
0x6c: {  	_ =	shalt  }
0x6d: {  	_ =	shalt  }
0x6e: {  	_ =	shalt  }
0x6f: {  	_ =	shalt  }
0x70: {  	_ =	shalt  }
0x71: {  	_ =	shalt  }
0x72: {  	_ =	shalt  }
0x73: {  	_ =	shalt  }
0x74: {  	_ =	shalt  }
0x75: {  	_ =	shalt  }
0x76: {  	_ =	shalt  }
0x77: {  	_ =	shalt  }
0x78: {  	_ =	shalt  }
0x79: {  	_ =	shalt  }
0x7a: {  	_ =	shalt  }
0x7b: {  	_ =	shalt  }
0x7c: {  	_ =	shalt  }
0x7d: {  	_ =	shalt  }
0x7e: {  	_ =	shalt  }
0x7f: {  	_ =	shalt  }
0x80: {  	_ =	shalt  }
0x81: {  	_ =	shalt  }
0x82: {  	_ =	shalt  }
0x83: {  	_ =	shalt  }
0x84: {  	_ =	shalt  }
0x85: {  	_ =	shalt  }
0x86: {  	_ =	shalt  }
0x87: {  	_ =	shalt  }
.Lfunc_end0:
.L_simem_size_0:
called_computation_lowered:
.L_overlay_start_0:
0x88: {  	s2 =	sld [smem:$0x3FD9]  }
0x89: {  	s3 =	sld [smem:$0x3FFE];
	_ =	sdelay $0x1  }
0x8a: {  	s1 =	srdreg.scid  }
0x8b: {  	s0 =	sand.u32 $0x1, s1  }
0x8c: {  	s16 =	sshll.u32 s0, $0xA;
	s2 =	sadd.s32 s3, s2  }
0x8d: {  	s2 =	sadd.s32 s2, s16  }
0x8e: {  	[smem:$0x3FC6] =	sst s2  }
0x8f: {  	_ = 	snop  }
0x90: {  	(tm) =	ssettm $0x1  }
0x91: {  	s17 =	sld [smem:$0x3FFB];
	_ =	sdelay $0x3  }
0x92: {  	_ =	strace s17  }
0x93: {  	s2 =	sld [smem:$0x3FFC];
	_ =	sdelay $0x3  }
0x94: {  	_ =	strace s2  }
0x95: {  	s2 =	sld [smem:$0x3FFD];
	_ =	sdelay $0x3  }
0x96: {  	_ =	strace s2  }
0x97: {  	_ =	strace $0x8FFFFFFF  }
0x98: {  	s18 =	sld [smem:$0x3FDB];
	_ =	sdelay $0x1  }
0x99: {  	s19 =	simm.s32 $_scs_section_size  }
0x9a: {  	s4 =	simm.s32 $_size__tile_overlayer_lowered;
	s5 =	simm.s32 $_tile_overlayer_lowered  }
0x9b: {  	s22 =	simm.s32 $0x1BFF;
	s21 =	sshll.u32 s5, $0x1;
	s2 =	sadd.s32 s19, s18  }
0x9c: {  	s6 =	simm.s32 $0x0;
	s20 =	sshll.u32 s4, $0x1;
	s4 =	sadd.s32 s21, s2  }
0x9d: {  	[timem:s6], [sflag:s22] =	dma.local [hbm:s4], s20  }
0x9e: {  	_ =	swait.ge [sflag:s22], s20  }
0x9f: {  	s3 =	ssub.s32 $0x0, s20;
	[sflag:s22] =	ssyncset.done $0x0  }
0xa0: {  	[sflag:s22] =	ssyncadd.s32 s3;
	_ =	sdelay $0x1  }
0xa1: {  	s23 =	simm.s32 $0x1B8B  }
0xa2: {  	_ =	swait.ge [sflag:s23], $0x1  }
0xa3: {  	[sflag:s23] =	ssyncset.done $0x0  }
0xa4: {  	s25 =	simm.s32 $0x1B8E;
	s24 =	sld [smem:$0x3FFE];
	[sflag:s23] =	ssyncadd.s32 $0xFFFFFFFF  }
0xa5: {  	s26 =	simm.s32 $execute0_lowered;
	[smem:$0x3FD2] =	sst s25  }
0xa6: {  	s4 =	sshll.u32 s26, $0x1;
	_ =	strace $0x80000046;
	[dreg:$0x1] =	wrdreg $0xFFFFFFFF  }
0xa7: {  	s28 =	simm.s32 $_size_execute0_lowered;
	s2 =	sadd.s32 s2, s4;
	[dreg:$0x0] =	wrdreg $0x0  }
0xa8: {  	s4 =	sshll.u32 s28, $0x1;
	[dreg:$0x2] =	wrdreg s2  }
0xa9: {  	[dreg:$0x3] =	wrdreg s4  }
0xaa: {  	[dreg:$0x4] =	wrdreg $0xC0  }
0xab: {  	_ =	task [dreg:s6], $0x5FFFF  }
0xac: {  	[dreg:$0x1] =	wrdreg $0xFFFFFFFF  }
0xad: {  	[dreg:$0x0] =	wrdreg $0x60  }
0xae: {  	[dreg:$0x2] =	wrdreg s24  }
0xaf: {  	[dreg:$0x3] =	wrdreg $0x9  }
0xb0: {  	_ =	task.clear_ibuf [dreg:s6], $0x4FFFF;
	_ =	strace $0x90000046  }
0xb1: {  	s29 =	simm.s32 $0x9;
	_ =	strace $0x80000048  }
0xb2: {  	_ =	swait.ge [sflag:s29], $0x1  }
0xb3: {  	[sflag:s29] =	ssyncadd.s32 $0xFFFFFFFF  }
0xb4: {  	_ =	strace $0x90000048  }
0xb5: {  	_ =	sfence  }
0xb6: {  	s30 =	sld [smem:$0x0];
	_ =	sdelay $0x2  }
0xb7: {  	s31 =	sshll.u32 s1, $0xD;
	s1 =	sshrl.u32 s1, $0x2  }
0xb8: {  	s3 =	sand.u32 $0x4000, s31;
	s1 =	sadd.s32 s1, s30  }
0xb9: {  	s0 =	sor.u32 s3, s0;
	s1 =	sshll.u32 s1, $0x11  }
0xba: {  	s0 =	sor.u32 s1, s0  }
0xbb: {  	s0 =	sadd.s32 $0x8F2B, s0  }
0xbc: {  	[sflag:s0] =	ssyncadd.remote.s32 $0x1  }
0xbd: {  	_ =	sfence.sel $0xFFFF  }
0xbe: {  	[dreg:$0x0] =	wrdreg $0xFFFFFFFF;
	(pc) =	sbr.abs _section_cstart, $3  }
0xbf: {  	[dreg:$0x1] =	wrdreg $0xFFFFFFFF  }
0xc0: {  	_ =	task.clear_ibuf [dreg:s6], $0x2FFFF;
	_ =	strace $0x9FFFFFFF  }
0xc1: {  	(tm) =	ssettm $0x7FFFFFFF  }
tec
execute0_lowered:
.L_overlay_start_1:
0x0: {  	(tag) =	ssettag $0x1  }
0x1: {  	s1 =	simm.s32 $0x0  }
0x2: {  	[smem:$0x7FF] =	sst s1  }
0x3: {  	s0 =	rddreg [dreg:$0x0];
	v0 =	vimm.f32 $7.000000000e+01;
	_ =	strace $0x80000047  }
0x4: {  	(erf) = vrcp.f32 v0;
	v0 =	vimm.f32 $8.000000000e+01  }
0x5: {  	(erf) = vrcp.f32 v0;
	v0 =	vimm.f32 $1.760000000e+02  }
0x6: {  	(erf) = vrcp.f32 v0;
	v0 =	vimm.f32 $2.000000000e+02  }
0x7: {  	(erf) = vrcp.f32 v0;
	_ =	sdelay $0x2  }
0x8: {  	s2 =	stileid.u32  }
0x9: {  	p0 =	sgt.u32 s2, $0x3  }
.Ltmp0:
0xa: {  	_ = 	snop;
	(pc) =	sbr.rel @p0 .LBB2_11-.Ltmp0, $4  }
0xb: {  	v0 =	vpop (erf)  }
0xc: {  	v1 =	vpop (erf)  }
0xd: {  	v2 =	vpop (erf)  }
0xe: {  	v3 =	vpop (erf)  }
0xf: {  	v4 =	vlaneseq.u32  }
0x10: {  	v5 =	vmul.u32 $0x7, v4;
	_ =	sdelay $0x1  }
0x11: {  	v6 =	vadd.s32 $0x1, v5  }
0x12: {  	[tilespmem:$0x1FEF0] =	vst v6;
	v6 =	vadd.s32 $0x2, v5  }
0x13: {  	[tilespmem:$0x1FF00] =	vst v6;
	v6 =	vadd.s32 $0x3, v5  }
0x14: {  	s2 =	srdreg.scid;
	s3 =	stileid.u32;
	s14 =	sadd.s32 $0x1200, s0;
	[tilespmem:$0x1FF10] =	vst v6;
	v6 =	vadd.s32 $0x4, v5  }
0x15: {  	s16 =	simm.s32 $0x2;
	s17 =	simm.s32 $0x400;
	s18 =	simm.s32 $0x800;
	[tilespmem:$0x1FF20] =	vst v6;
	v6 =	vadd.s32 $0x5, v5  }
0x16: {  	s19 =	simm.s32 $0x8B80;
	s20 =	simm.s32 $0x9380;
	s21 =	simm.s32 $0x9B80;
	[tilespmem:$0x1FF30] =	vst v6;
	v6 =	vadd.s32 $0x6, v5  }
0x17: {  	s22 =	simm.s32 $0xA380;
	s2 =	sand.u32 $0x1, s2;
	s3 =	sshll.u32 s3, $0x1;
	[tilespmem:$0x1FF40] =	vst v6;
	v6 =	vadd.s32 $0x70, v5  }
0x18: {  	s28 =	simm.s32 $0x200;
	s29 =	simm.s32 $0x1;
	s3 =	sor.u32 s2, s3;
	[tilespmem:$0x1FF50] =	vst v6;
	v6 =	vadd.s32 $0x71, v5  }
0x19: {  	s2 =	ssub.s32 $0x2, s2;
	s4 =	smul.u32 $0x64000, s3;
	s23 =	sshll.u32 s3, $0x4;
	[tilespmem:$0x1FF60] =	vst v6;
	v6 =	vadd.s32 $0x72, v5  }
0x1a: {  	s3 =	smul.u32 $0x38, s3;
	s15 =	sshrl.u32 s2, $0x1;
	s24 =	sadd.s32 s23, s0;
	[tilespmem:$0x1FF70] =	vst v6;
	v6 =	vadd.s32 $0x73, v5  }
0x1b: {  	vm0 =	vcmask $0x300;
	s31 =	ssub.s32 s2, s15;
	s23 =	simm.s32 $0xAB80;
	s2 =	simm.s32 $0x0;
	[tilespmem:$0x1FF80] =	vst v6;
	v6 =	vadd.s32 $0x74, v5  }
0x1c: {  	vm1 =	vcmask $0x704;
	v33 =	vor.u32 $0x10, v4;
	s4 =	sshrl.u32 s4, $0x3;
	s11 =	sadd.s32 $0x65400, s24;
	s12 =	sadd.s32 $0x65600, s24;
	[tilespmem:$0x1FF90] =	vst v6;
	v6 =	vadd.s32 $0x75, v5  }
0x1d: {  	v34 =	vor.u32 $0x20, v4;
	v35 =	vor.u32 $0x30, v4;
	s13 =	sadd.s32 $0x65800, s24;
	s14 =	sadd.s32 s14, s3;
	s10 =	sadd.s32 s4, s0;
	[tilespmem:$0x1FFA0] =	vst v6;
	v6 =	vadd.s32 $0x76, v5  }
0x1e: {  	v23 =	vadd.s32 $0xE4, v5;
	v24 =	vadd.s32 $0xE5, v5;
	s15 =	smax.u32 s31, $0x1;
	s24 =	simm.s32 $0xB380;
	s25 =	sadd.s32 $0x2000, s10;
	[tilespmem:$0x1FFB0] =	vst v6;
	v6 =	vadd.s32 $0xE0, v5  }
0x1f: {  	v36 =	vimm.f32 $0.0e+00;
	v25 =	vadd.s32 $0xE6, v5;
	s26 =	sadd.s32 $0x3900, s10;
	s30 =	sadd.s32 $0x5200, s10;
	s6 =	sadd.s32 $0x6B00, s10;
	[tilespmem:$0x1FFC0] =	vst v6;
	v6 =	vadd.s32 $0xE1, v5  }
0x20: {  	v26 =	vadd.s32 $0x150, v5;
	v27 =	vadd.s32 $0x151, v5;
	s7 =	sadd.s32 $0x8400, s10;
	s8 =	sadd.s32 $0x9D00, s10;
	[dreg:$0x2] =	wrdreg s25;
	[tilespmem:$0x1FFD0] =	vst v6;
	v6 =	vadd.s32 $0xE2, v5  }
0x21: {  	v28 =	vadd.s32 $0x152, v5;
	v29 =	vadd.s32 $0x153, v5;
	s9 =	sadd.s32 $0xB600, s10;
	s10 =	sadd.s32 $0xCF00, s10;
	[dreg:$0x3] =	wrdreg s26;
	[tilespmem:$0x1FFE0] =	vst v6;
	v6 =	vadd.s32 $0xE3, v5  }
0x22: {  	v30 =	vadd.s32 $0x154, v5;
	v31 =	vadd.s32 $0x155, v5;
	v32 =	vadd.s32 $0x156, v5;
	[dreg:$0x4] =	wrdreg s30;
	s25 =	simm.s32 $0xBB80;
	s26 =	simm.s32 $0xC380;
	[tilespmem:$0x1FFF0] =	vst v6  }
.LBB2_2:
0x23: {  	s0 =	simm.s32 $0x0  }
0x24: {  	[tilespmem:s0], [sflag:$0x2] =	stream.linear.gather [hbm4b:s14+s0], $0x1C0, $0x38;
	[tilespmem:$0xCD00] =	vst v63  }
0x25: {  	_ =	swait.ge [sflag:s16], $0x1C0  }
0x26: {  	[sflag:s16] =	ssyncset.done $0x0  }
0x27: {  	s3 =	rddreg [dreg:$0x2];
	[sflag:s16] =	ssyncadd.s32 $0xFFFFFE40  }
0x28: {  	[tilespmem:s19], [sflag:$0x1] =	stream.strided.gather [hbm4b:s3+s17], $0x800, s18, s17, $0x38;
	[tilespmem:$0xCD00] =	vst v63  }
0x29: {  	s30 =	rddreg [dreg:$0x3]  }
0x2a: {  	[tilespmem:s20], [sflag:$0x1] =	stream.strided.gather [hbm4b:s30+s17], $0x800, s18, s17, $0x38;
	[tilespmem:$0xCD00] =	vst v63  }
0x2b: {  	s31 =	rddreg [dreg:$0x4]  }
0x2c: {  	[tilespmem:s21], [sflag:$0x1] =	stream.strided.gather [hbm4b:s31+s17], $0x800, s18, s17, $0x38;
	[tilespmem:$0xCD00] =	vst v63  }
0x2d: {  	_ = 	snop  }
0x2e: {  	[tilespmem:s22], [sflag:$0x1] =	stream.strided.gather [hbm4b:s6+s17], $0x800, s18, s17, $0x38;
	[tilespmem:$0xCD00] =	vst v63  }
0x2f: {  	v10 =	vld [tilespmem:$0x1FF70]  }
0x30: {  	[tilespmem:s23], [sflag:$0x1] =	stream.strided.gather [hbm4b:s7+s17], $0x800, s18, s17, $0x38;
	[tilespmem:$0xCD00] =	vst v63  }
0x31: {  	_ = 	snop  }
0x32: {  	[tilespmem:s24], [sflag:$0x1] =	stream.strided.gather [hbm4b:s8+s17], $0x800, s18, s17, $0x38;
	[tilespmem:$0xCD00] =	vst v63  }
0x33: {  	_ = 	snop  }
0x34: {  	[tilespmem:s25], [sflag:$0x1] =	stream.strided.gather [hbm4b:s9+s17], $0x800, s18, s17, $0x38;
	[tilespmem:$0xCD00] =	vst v63  }
0x35: {  	_ = 	snop  }
0x36: {  	[tilespmem:s26], [sflag:$0x1] =	stream.strided.gather [hbm4b:s10+s17], $0x800, s18, s17, $0x38;
	[tilespmem:$0xCD00] =	vst v63  }
0x37: {  	v55 =	vld.idx.msk [tilespmem:v10+s0+$0x0], $0xffff  }
0x38: {  	v10 =	vld [tilespmem:$0x1FF80];
	_ =	sdelay $0x5  }
0x39: {  	v7 =	vld [tilespmem:$0x1FEF0];
	_ =	sdelay $0x1  }
0x3a: {  	v49 =	vld.idx.msk [tilespmem:v10+s0+$0x0], $0xffff  }
0x3b: {  	v10 =	vld [tilespmem:$0x1FF90];
	_ =	sdelay $0x4  }
0x3c: {  	v9 =	vld.idx.msk [tilespmem:v7+s0+$0x0], $0xffff  }
0x3d: {  	v7 =	vld [tilespmem:$0x1FF00];
	_ =	sdelay $0x1  }
0x3e: {  	v47 =	vld.idx.msk [tilespmem:v10+s0+$0x0], $0xffff  }
0x3f: {  	v10 =	vld [tilespmem:$0x1FFA0];
	_ =	sdelay $0x4  }
0x40: {  	v54 =	vld.idx.msk [tilespmem:v7+s0+$0x0], $0xffff  }
0x41: {  	v7 =	vld [tilespmem:$0x1FF10];
	_ =	sdelay $0x1  }
0x42: {  	v42 =	vld.idx.msk [tilespmem:v10+s0+$0x0], $0xffff  }
0x43: {  	v10 =	vld [tilespmem:$0x1FFB0];
	_ =	sdelay $0x4  }
0x44: {  	v51 =	vld.idx.msk [tilespmem:v7+s0+$0x0], $0xffff  }
0x45: {  	v7 =	vld [tilespmem:$0x1FF20];
	_ =	sdelay $0x1  }
0x46: {  	v38 =	vld.idx.msk [tilespmem:v10+s0+$0x0], $0xffff  }
0x47: {  	v10 =	vld [tilespmem:$0x1FFC0];
	_ =	sdelay $0x3  }
0x48: {  	v8 =	vld [tilespmem:$0x1FF60]  }
0x49: {  	v46 =	vld.idx.msk [tilespmem:v7+s0+$0x0], $0xffff  }
0x4a: {  	v7 =	vld [tilespmem:$0x1FF30];
	_ =	sdelay $0x1  }
0x4b: {  	v11 =	vld.idx.msk [tilespmem:v10+s0+$0x0], $0xffff  }
0x4c: {  	v10 =	vld [tilespmem:$0x1FFD0];
	_ =	sdelay $0x1  }
0x4d: {  	v6 =	vld.idx.msk [tilespmem:v5+s0+$0x0], $0xffff  }
0x4e: {  	v8 =	vld.idx.msk [tilespmem:v8+s0+$0x0], $0xffff  }
0x4f: {  	v45 =	vld.idx.msk [tilespmem:v23+s0+$0x0], $0xffff  }
0x50: {  	v43 =	vld.idx.msk [tilespmem:v7+s0+$0x0], $0xffff  }
0x51: {  	v7 =	vld [tilespmem:$0x1FF40]  }
0x52: {  	v41 =	vld.idx.msk [tilespmem:v24+s0+$0x0], $0xffff  }
0x53: {  	v14 =	vld.idx.msk [tilespmem:v10+s0+$0x0], $0xffff  }
0x54: {  	v10 =	vld [tilespmem:$0x1FFE0]  }
0x55: {  	v37 =	vld.idx.msk [tilespmem:v25+s0+$0x0], $0xffff  }
0x56: {  	v15 =	vld.idx.msk [tilespmem:v27+s0+$0x0], $0xffff;
	v9 =	vadd.f32 $4.000000000e+01, v9  }
0x57: {  	v56 =	vld.idx.msk [tilespmem:v28+s0+$0x0], $0xffff  }
0x58: {  	v61 =	vmul.f32 v9, v1;
	v9 =	vld [tilespmem:$0x1FFF0]  }
0x59: {  	v62 =	vmul.f32 v6, v0;
	v39 =	vld.idx.msk [tilespmem:v7+s0+$0x0], $0xffff  }
0x5a: {  	v6 =	vmul.f32 $2.000000000e+02, v61;
	v7 =	vld [tilespmem:$0x1FF50]  }
0x5b: {  	v52 =	vld.idx.msk [tilespmem:v29+s0+$0x0], $0xffff;
	vm2 =	vge.f32 v62, $0.0e+00;
	vm3 =	vlt.f32 v62, $1.000000000e+00;
	vm4 =	vge.f32 v61, $0.0e+00  }
0x5c: {  	vm2 =	vmand vm2, vm4;
	v6 =	vtrunc.f32 v6;
	v53 =	vld.idx.msk [tilespmem:v10+s0+$0x0], $0xffff;
	v10 =	vmul.f32 $1.760000000e+02, v62  }
0x5d: {  	v48 =	vld.idx.msk [tilespmem:v30+s0+$0x0], $0xffff;
	vm2 =	vmand vm2, vm3;
	vm3 =	vlt.f32 v61, $1.000000000e+00;
	v6 =	vcvt.f32.s32 v6  }
0x5e: {  	v44 =	vld.idx.msk [tilespmem:v31+s0+$0x0], $0xffff;
	vm2 =	vmand vm3, vm2;
	v10 =	vtrunc.f32 v10  }
0x5f: {  	v40 =	vld.idx.msk [tilespmem:v32+s0+$0x0], $0xffff;
	v6 =	vnsel vm2, $0x64, v6;
	v10 =	vcvt.f32.s32 v10  }
0x60: {  	v13 =	vmov s0;
	v50 =	vld.idx.msk [tilespmem:v9+s0+$0x0], $0xffff;
	v12 =	vmul.u32 $0xB0, v6  }
0x61: {  	vm3 =	veq.s32 v13, v4;
	v9 =	vld.idx.msk [tilespmem:v26+s0+$0x0], $0xffff;
	v10 =	vnsel vm2, $0x58, v10  }
0x62: {  	vm4 =	vmand vm2, vm3;
	v7 =	vld.idx.msk [tilespmem:v7+s0+$0x0], $0xffff;
	s0 =	simm.s32 $0x1;
	v57 =	vadd.s32 v10, v12  }
.LBB2_3:
0x63: {  	p0 =	sne.s32 s0, $0xF  }
.Ltmp1:
0x64: {  	_ = 	snop;
	(pc) =	sbr.rel @p0 .LBB2_3-.Ltmp1, $4  }
0x65: {  	_ = 	snop  }
0x66: {  	v12 =	vmov s0;
	s0 =	sadd.s32 $0x1, s0  }
0x67: {  	vm3 =	veq.s32 v12, v4  }
0x68: {  	[tilespmem:v57+s28+$0x0] =	vst.idx.msk vm4, v4;
	vm4 =	vmand vm2, vm3  }
0x69: {  	v12 =	vadd.f32 $4.000000000e+01, v8;
	_ =	sdelay $0x1  }
0x6a: {  	v8 =	vmul.f32 v7, v0;
	v7 =	vmul.f32 v12, v1;
	_ =	sdelay $0x1  }
0x6b: {  	v12 =	vmul.f32 $2.000000000e+02, v7  }
0x6c: {  	vm3 =	vge.f32 v8, $0.0e+00;
	v13 =	vmul.f32 $1.760000000e+02, v8;
	vm5 =	vge.f32 v7, $0.0e+00  }
0x6d: {  	vm3 =	vmand vm3, vm5;
	vm5 =	vlt.f32 v8, $1.000000000e+00;
	v12 =	vtrunc.f32 v12  }
0x6e: {  	vm3 =	vmand vm3, vm5;
	vm5 =	vlt.f32 v7, $1.000000000e+00;
	v12 =	vcvt.f32.s32 v12  }
0x6f: {  	v13 =	vtrunc.f32 v13;
	vm3 =	vmand vm5, vm3  }
0x70: {  	s0 =	simm.s32 $0x0;
	v13 =	vcvt.f32.s32 v13;
	v12 =	vnsel vm3, $0x64, v12  }
0x71: {  	v17 =	vmov s0;
	v16 =	vmul.u32 $0xB0, v12  }
0x72: {  	vm5 =	veq.s32 v17, v4;
	v13 =	vnsel vm3, $0x58, v13  }
0x73: {  	[tilespmem:v57+s28+$0x0] =	vst.idx.msk vm4, v4;
	s0 =	simm.s32 $0x1;
	vm4 =	vmand vm3, vm5;
	v58 =	vadd.s32 v13, v16  }
.LBB2_5:
0x74: {  	p0 =	sne.s32 s0, $0xF  }
.Ltmp2:
0x75: {  	_ = 	snop;
	(pc) =	sbr.rel @p0 .LBB2_5-.Ltmp2, $4  }
0x76: {  	_ = 	snop  }
0x77: {  	v16 =	vmov s0;
	s0 =	sadd.s32 $0x1, s0  }
0x78: {  	vm5 =	veq.s32 v16, v4  }
0x79: {  	[tilespmem:v58+s28+$0x0] =	vst.idx.msk vm4, v33;
	vm4 =	vmand vm3, vm5  }
0x7a: {  	v14 =	vadd.f32 $4.000000000e+01, v14;
	_ =	sdelay $0x1  }
0x7b: {  	v63 =	vmul.f32 v14, v1  }
0x7c: {  	v11 =	vmul.f32 v11, v0  }
0x7d: {  	v14 =	vmul.f32 $2.000000000e+02, v63  }
0x7e: {  	vm5 =	vge.f32 v11, $0.0e+00;
	v16 =	vmul.f32 $1.760000000e+02, v11;
	vm6 =	vge.f32 v63, $0.0e+00  }
0x7f: {  	vm5 =	vmand vm5, vm6;
	vm6 =	vlt.f32 v11, $1.000000000e+00;
	v14 =	vtrunc.f32 v14  }
0x80: {  	vm5 =	vmand vm5, vm6;
	vm6 =	vlt.f32 v63, $1.000000000e+00;
	v14 =	vcvt.f32.s32 v14  }
0x81: {  	v16 =	vtrunc.f32 v16;
	vm6 =	vmand vm6, vm5  }
0x82: {  	s0 =	simm.s32 $0x0;
	v16 =	vcvt.f32.s32 v16;
	v14 =	vnsel vm6, $0x64, v14  }
0x83: {  	v59 =	vmov s0;
	v18 =	vmul.u32 $0xB0, v14  }
0x84: {  	vm5 =	veq.s32 v59, v4;
	v17 =	vnsel vm6, $0x58, v16  }
0x85: {  	[tilespmem:v58+s28+$0x0] =	vst.idx.msk vm4, v33;
	s0 =	simm.s32 $0x1;
	vm4 =	vmand vm6, vm5;
	v59 =	vadd.s32 v17, v18  }
.LBB2_7:
0x86: {  	p0 =	sne.s32 s0, $0xF  }
.Ltmp3:
0x87: {  	_ = 	snop;
	(pc) =	sbr.rel @p0 .LBB2_7-.Ltmp3, $4  }
0x88: {  	_ = 	snop  }
0x89: {  	v16 =	vmov s0;
	s0 =	sadd.s32 $0x1, s0  }
0x8a: {  	vm5 =	veq.s32 v16, v4  }
0x8b: {  	[tilespmem:v59+s28+$0x0] =	vst.idx.msk vm4, v34;
	vm4 =	vmand vm6, vm5  }
0x8c: {  	v15 =	vadd.f32 $4.000000000e+01, v15;
	_ =	sdelay $0x1  }
0x8d: {  	v16 =	vmul.f32 v9, v0;
	v9 =	vmul.f32 v15, v1;
	_ =	sdelay $0x1  }
0x8e: {  	v15 =	vmul.f32 $2.000000000e+02, v9  }
0x8f: {  	vm5 =	vge.f32 v16, $0.0e+00;
	v18 =	vmul.f32 $1.760000000e+02, v16;
	vm7 =	vge.f32 v9, $0.0e+00  }
0x90: {  	vm5 =	vmand vm5, vm7;
	vm7 =	vlt.f32 v16, $1.000000000e+00;
	v15 =	vtrunc.f32 v15  }
0x91: {  	vm5 =	vmand vm5, vm7;
	vm7 =	vlt.f32 v9, $1.000000000e+00;
	v15 =	vcvt.f32.s32 v15  }
0x92: {  	v18 =	vtrunc.f32 v18;
	vm7 =	vmand vm7, vm5  }
0x93: {  	s0 =	simm.s32 $0x0;
	v18 =	vcvt.f32.s32 v18;
	v15 =	vnsel vm7, $0x64, v15  }
0x94: {  	v19 =	vmov s0;
	v60 =	vmul.u32 $0xB0, v15  }
0x95: {  	vm5 =	veq.s32 v19, v4;
	v18 =	vnsel vm7, $0x58, v18  }
0x96: {  	[tilespmem:v59+s28+$0x0] =	vst.idx.msk vm4, v34;
	s0 =	simm.s32 $0x1;
	vm4 =	vmand vm7, vm5;
	v60 =	vadd.s32 v18, v60  }
.LBB2_9:
0x97: {  	p0 =	sne.s32 s0, $0xF  }
.Ltmp4:
0x98: {  	_ = 	snop;
	(pc) =	sbr.rel @p0 .LBB2_9-.Ltmp4, $4  }
0x99: {  	_ = 	snop  }
0x9a: {  	v19 =	vmov s0;
	s0 =	sadd.s32 $0x1, s0  }
0x9b: {  	vm5 =	veq.s32 v19, v4  }
0x9c: {  	[tilespmem:v60+s28+$0x0] =	vst.idx.msk vm4, v35;
	vm4 =	vmand vm7, vm5  }
0x9d: {  	_ =	sdelay $0x4  }
0x9e: {  	[tilespmem:v60+s28+$0x0] =	vst.idx.msk vm4, v35  }
0x9f: {  	v19 =	vld.idx.msk [tilespmem:v57+s28+$0x0], $0xffff  }
0xa0: {  	v57 =	vld.idx.msk [tilespmem:v58+s28+$0x0], $0xffff  }
0xa1: {  	v58 =	vld.idx.msk [tilespmem:v59+s28+$0x0], $0xffff  }
0xa2: {  	v59 =	vld.idx.msk [tilespmem:v60+s28+$0x0], $0xffff;
	_ =	sdelay $0x1  }
0xa3: {  	vm8 =	veq.s32 v19, v4  }
0xa4: {  	vm5 =	vmand vm2, vm8;
	vm2 =	veq.s32 v57, v33  }
0xa5: {  	v19 =	vsel vm5, $0x3F800000, v36;
	vm4 =	vmand vm3, vm2;
	vm2 =	veq.s32 v58, v34  }
0xa6: {  	(xrf2) =	vadd.scan.msk.f32 $0xffff, v19;
	v60 =	vsel vm4, $0x3F800000, v36;
	vm3 =	vmand vm6, vm2;
	vm2 =	veq.s32 v59, v35  }
0xa7: {  	(xrf2) =	vadd.scan.msk.f32 $0xffff, v60;
	v20 =	vsel vm3, $0x3F800000, v36;
	vm2 =	vmand vm7, vm2  }
0xa8: {  	(xrf2) =	vadd.scan.msk.f32 $0xffff, v20;
	v21 =	vsel vm2, $0x3F800000, v36  }
0xa9: {  	(xrf2) =	vadd.scan.msk.f32 $0xffff, v21;
	_ =	sdelay $0x6  }
0xaa: {  	v57, _, _ =	vpop (xrf2)  }
0xab: {  	(v2sf) =	vpush v57, $0xF;
	v57, _, _ =	vpop (xrf2)  }
0xac: {  	(v2sf) =	vpush v57, $0xF;
	v57, _, _ =	vpop (xrf2)  }
0xad: {  	(v2sf) =	vpush v57, $0xF;
	v57, _, _ =	vpop (xrf2)  }
0xae: {  	(v2sf) =	vpush v57, $0xF;
	_ =	sdelay $0xb  }
0xaf: {  	s3 =	spop (v2sf)  }
0xb0: {  	s0 =	spop (v2sf)  }
0xb1: {  	s31 =	spop (v2sf)  }
0xb2: {  	s30 =	spop (v2sf)  }
0xb3: {  	_ =	swait.ge [sflag:s29], $0x800  }
0xb4: {  	[sflag:s29] =	ssyncset.done $0x0  }
0xb5: {  	[sflag:s29] =	ssyncadd.s32 $0xFFFFF800  }
0xb6: {  	_ =	swait.ge [sflag:s29], $0x800  }
0xb7: {  	[sflag:s29] =	ssyncset.done $0x0  }
0xb8: {  	[sflag:s29] =	ssyncadd.s32 $0xFFFFF800  }
0xb9: {  	_ =	swait.ge [sflag:s29], $0x800  }
0xba: {  	[sflag:s29] =	ssyncset.done $0x0  }
0xbb: {  	[sflag:s29] =	ssyncadd.s32 $0xFFFFF800  }
0xbc: {  	_ =	swait.ge [sflag:s29], $0x800  }
0xbd: {  	[sflag:s29] =	ssyncset.done $0x0  }
0xbe: {  	[sflag:s29] =	ssyncadd.s32 $0xFFFFF800  }
0xbf: {  	_ =	swait.ge [sflag:s29], $0x800  }
0xc0: {  	[sflag:s29] =	ssyncset.done $0x0  }
0xc1: {  	v57 =	vadd.s32 $0xFFFFFFA0, v6;
	[sflag:s29] =	ssyncadd.s32 $0xFFFFF800  }
0xc2: {  	vm9 =	vgt.s32 v57, $0x0;
	_ =	swait.ge [sflag:s29], $0x800  }
0xc3: {  	vm10 =	vgt.s32 v10, $0x0;
	v57 =	vnsel vm9, $0x0, v57;
	[sflag:s29] =	ssyncset.done $0x0  }
0xc4: {  	v58 =	vnsel vm10, $0x0, v10;
	v57 =	vmin.u32 v57, $0xF;
	[sflag:s29] =	ssyncadd.s32 $0xFFFFF800  }
0xc5: {  	v58 =	vmin.u32 v58, $0x7F;
	v57 =	vshll.u32 v57, $0x7;
	_ =	swait.ge [sflag:s29], $0x800  }
0xc6: {  	v57 =	vor.u32 v58, v57;
	[sflag:s29] =	ssyncset.done $0x0  }
0xc7: {  	v58 =	vadd.s32 $0xFFFFFFA0, v12;
	[sflag:s29] =	ssyncadd.s32 $0xFFFFF800  }
0xc8: {  	vm11 =	vgt.s32 v58, $0x0;
	_ =	swait.ge [sflag:s29], $0x800  }
0xc9: {  	vm12 =	vgt.s32 v13, $0x0;
	v58 =	vnsel vm11, $0x0, v58;
	[sflag:s29] =	ssyncset.done $0x0  }
0xca: {  	v59 =	vnsel vm12, $0x0, v13;
	v58 =	vmin.u32 v58, $0xF;
	[sflag:s29] =	ssyncadd.s32 $0xFFFFF800  }
0xcb: {  	v59 =	vmin.u32 v59, $0x7F;
	v58 =	vshll.u32 v58, $0x7;
	v22 =	vld.idx.msk [tilespmem:v57+s19+$0x0], $0xffff  }
0xcc: {  	v59 =	vor.u32 v59, v58  }
0xcd: {  	v58 =	vadd.s32 $0xFFFFFFA0, v14  }
0xce: {  	vm13 =	vgt.s32 v58, $0x0  }
0xcf: {  	vm14 =	vgt.s32 v17, $0x0;
	v58 =	vnsel vm13, $0x0, v58;
	[tilespmem:$0xCC00] =	vst v19  }
0xd0: {  	v19 =	vmin.u32 v58, $0xF;
	v58 =	vnsel vm14, $0x0, v17;
	[tilespmem:$0xCB80] =	vst v22  }
0xd1: {  	v58 =	vmin.u32 v58, $0x7F;
	v19 =	vshll.u32 v19, $0x7;
	v22 =	vld.idx.msk [tilespmem:v59+s19+$0x0], $0xffff  }
0xd2: {  	v58 =	vor.u32 v58, v19  }
0xd3: {  	v19 =	vadd.s32 $0xFFFFFFA0, v15  }
0xd4: {  	vm15 =	vgt.s32 v19, $0x0  }
0xd5: {  	vm9 =	vgt.s32 v18, $0x0;
	v19 =	vnsel vm15, $0x0, v19;
	[tilespmem:$0xCC10] =	vst v60  }
0xd6: {  	v19 =	vmin.u32 v19, $0xF;
	v60 =	vnsel vm9, $0x0, v18;
	[tilespmem:$0xCB90] =	vst v22  }
0xd7: {  	v19 =	vshll.u32 v19, $0x7;
	v60 =	vmin.u32 v60, $0x7F;
	v22 =	vld.idx.msk [tilespmem:v58+s19+$0x0], $0xffff  }
0xd8: {  	v60 =	vor.u32 v60, v19;
	_ =	sdelay $0x2  }
0xd9: {  	[tilespmem:$0xCC20] =	vst v20  }
0xda: {  	[tilespmem:$0xCBA0] =	vst v22  }
0xdb: {  	v10 =	vcvt.s32.f32 v10;
	v19 =	vld.idx.msk [tilespmem:v60+s19+$0x0], $0xffff;
	_ =	sdelay $0x1  }
0xdc: {  	v10 =	vadd.f32 $5.000000000e-01, v10;
	v6 =	vcvt.s32.f32 v6  }
0xdd: {  	v13 =	vcvt.s32.f32 v13  }
0xde: {  	v10 =	vmul.f32 v10, v2;
	v6 =	vadd.f32 $5.000000000e-01, v6;
	v17 =	vcvt.s32.f32 v17;
	[tilespmem:$0xCC30] =	vst v21  }
0xdf: {  	v13 =	vadd.f32 $5.000000000e-01, v13;
	v12 =	vcvt.s32.f32 v12;
	v18 =	vcvt.s32.f32 v18;
	[tilespmem:$0xCBB0] =	vst v19  }
0xe0: {  	v10 =	vsub.f32 v62, v10;
	v6 =	vmul.f32 v6, v3;
	v17 =	vadd.f32 $5.000000000e-01, v17;
	v19 =	vld.idx.msk [tilespmem:v57+s20+$0x0], $0xffff  }
0xe1: {  	v13 =	vmul.f32 v13, v2;
	v12 =	vadd.f32 $5.000000000e-01, v12;
	v18 =	vadd.f32 $5.000000000e-01, v18  }
0xe2: {  	v10 =	vmul.f32 $1.760000000e+02, v10;
	v6 =	vsub.f32 v61, v6;
	v61 =	vmul.f32 v17, v2;
	v17 =	vld.idx.msk [tilespmem:v59+s20+$0x0], $0xffff  }
0xe3: {  	v8 =	vsub.f32 v8, v13;
	v12 =	vmul.f32 v12, v3;
	v62 =	vmul.f32 v18, v2;
	v18 =	vld.idx.msk [tilespmem:v58+s20+$0x0], $0xffff  }
0xe4: {  	v13 =	vcvt.s32.f32 v14;
	v11 =	vsub.f32 v11, v61  }
0xe5: {  	v8 =	vmul.f32 $1.760000000e+02, v8;
	v7 =	vsub.f32 v7, v12;
	v10 =	vsub.f32 v19, v10  }
0xe6: {  	v6 =	vmul.f32 $2.000000000e+02, v6;
	v11 =	vmul.f32 $1.760000000e+02, v11;
	v12 =	vsub.f32 v16, v62;
	v19 =	vld.idx.msk [tilespmem:v57+s21+$0x0], $0xffff  }
0xe7: {  	v7 =	vmul.f32 $2.000000000e+02, v7;
	v8 =	vsub.f32 v17, v8;
	v61 =	vmul.f32 $5.000000000e-01, v10  }
0xe8: {  	v12 =	vmul.f32 $1.760000000e+02, v12;
	v17 =	vld.idx.msk [tilespmem:v60+s20+$0x0], $0xffff;
	v11 =	vsub.f32 v18, v11;
	v62 =	vand.u32 $0x7FFFFFFF, v10  }
0xe9: {  	v16 =	vand.u32 $0x7FFFFFFF, v8;
	v10 =	vmul.f32 v61, v10;
	v61 =	vadd.f32 $-5.000000000e-01, v62  }
0xea: {  	vm10 =	vlt.f32 v62, $1.000000000e+00;
	vm11 =	vlt.f32 v16, $1.000000000e+00;
	v62 =	vmul.f32 $5.000000000e-01, v8  }
0xeb: {  	v16 =	vadd.f32 $-5.000000000e-01, v16;
	v6 =	vsub.f32 v19, v6;
	v10 =	vsel vm10, v10, v61  }
0xec: {  	v61 =	vmul.f32 $5.000000000e-01, v11;
	v8 =	vmul.f32 v62, v8;
	v62 =	vand.u32 $0x7FFFFFFF, v11  }
0xed: {  	v12 =	vsub.f32 v17, v12;
	v17 =	vld.idx.msk [tilespmem:v59+s21+$0x0], $0xffff;
	vm12 =	vlt.f32 v62, $1.000000000e+00;
	v10 =	vnsel vm5, $0x0, v10  }
0xee: {  	v19 =	vand.u32 $0x7FFFFFFF, v6;
	v11 =	vmul.f32 v61, v11;
	v61 =	vadd.f32 $-5.000000000e-01, v62  }
0xef: {  	v8 =	vsel vm11, v8, v16;
	v62 =	vmul.f32 $5.000000000e-01, v12;
	v16 =	vand.u32 $0x7FFFFFFF, v12  }
0xf0: {  	vm14 =	vlt.f32 v19, $1.000000000e+00;
	v8 =	vnsel vm4, $0x0, v8;
	v11 =	vsel vm12, v11, v61  }
0xf1: {  	v12 =	vmul.f32 v62, v12;
	v61 =	vmul.f32 $5.000000000e-01, v6;
	v62 =	vadd.f32 $-5.000000000e-01, v16  }
0xf2: {  	(xrf2) =	vadd.scan.msk.f32 $0xffff, v10;
	vm13 =	vlt.f32 v16, $1.000000000e+00;
	v7 =	vsub.f32 v17, v7;
	v17 =	vadd.f32 $-5.000000000e-01, v19  }
0xf3: {  	(xrf2) =	vadd.scan.msk.f32 $0xffff, v8;
	v11 =	vnsel vm3, $0x0, v11;
	v6 =	vmul.f32 v61, v6;
	v18 =	vsel vm13, v12, v62  }
0xf4: {  	v19 =	vmul.f32 $5.000000000e-01, v7;
	v61 =	vand.u32 $0x7FFFFFFF, v7;
	v12 =	vadd.f32 $5.000000000e-01, v13  }
0xf5: {  	v15 =	vcvt.s32.f32 v15;
	(xrf2) =	vadd.scan.msk.f32 $0xffff, v11;
	v8 =	vnsel vm2, $0x0, v18;
	v62 =	vadd.f32 $-5.000000000e-01, v61  }
0xf6: {  	v6 =	vsel vm14, v6, v17;
	(xrf2) =	vadd.scan.msk.f32 $0xffff, v8;
	v7 =	vmul.f32 v19, v7;
	v13 =	vmul.f32 v12, v3  }
0xf7: {  	vm15 =	vlt.f32 v61, $1.000000000e+00;
	v12 =	vld.idx.msk [tilespmem:v60+s22+$0x0], $0xffff;
	v6 =	vnsel vm5, $0x0, v6  }
0xf8: {  	(xrf2) =	vadd.scan.msk.f32 $0xffff, v6;
	v6 =	vadd.f32 $5.000000000e-01, v15;
	v7 =	vsel vm15, v7, v62;
	v8 =	vsub.f32 v63, v13;
	v63 =	vld.idx.msk [tilespmem:v59+s22+$0x0], $0xffff  }
0xf9: {  	v13 =	vld.idx.msk [tilespmem:v59+s23+$0x0], $0xffff;
	v7 =	vnsel vm4, $0x0, v7  }
0xfa: {  	v6 =	vmul.f32 v6, v3;
	(xrf2) =	vadd.scan.msk.f32 $0xffff, v7;
	v7 =	vld.idx.msk [tilespmem:v58+s21+$0x0], $0xffff  }
0xfb: {  	v14 =	vld.idx.msk [tilespmem:v60+s21+$0x0], $0xffff  }
0xfc: {  	v15, _, _ =	vpop (xrf2);
	v6 =	vsub.f32 v9, v6  }
0xfd: {  	v8 =	vmul.f32 $2.000000000e+02, v8;
	(v2sf) =	vpush v15, $0xF;
	v12 =	vsub.f32 v12, v56;
	v16, _, _ =	vpop (xrf2)  }
0xfe: {  	(v2sf) =	vpush v16, $0xF;
	v55 =	vsub.f32 v63, v55;
	v6 =	vmul.f32 $2.000000000e+02, v6  }
0xff: {  	v13 =	vsub.f32 v13, v49;
	v17, _, _ =	vpop (xrf2);
	v7 =	vsub.f32 v7, v8  }
0x100: {  	v8 =	vld.idx.msk [tilespmem:v57+s22+$0x0], $0xffff;
	(v2sf) =	vpush v17, $0xF;
	v18, _, _ =	vpop (xrf2);
	v6 =	vsub.f32 v14, v6  }
0x101: {  	v63 =	vmul.f32 $5.000000000e-01, v55;
	v14 =	vld.idx.msk [tilespmem:v58+s22+$0x0], $0xffff;
	(v2sf) =	vpush v18, $0xF;
	v61 =	vand.u32 $0x7FFFFFFF, v7  }
0x102: {  	v62 =	vmul.f32 $5.000000000e-01, v7;
	v19, _, _ =	vpop (xrf2);
	vm9 =	vlt.f32 v61, $1.000000000e+00;
	v16 =	vmul.f32 $5.000000000e-01, v6  }
0x103: {  	v10 =	vadd.f32 $-5.000000000e-01, v61;
	v17 =	vand.u32 $0x7FFFFFFF, v6;
	(v2sf) =	vpush v19, $0xF  }
0x104: {  	v7 =	vmul.f32 v62, v7;
	v19 =	vadd.f32 $-5.000000000e-01, v17;
	vm10 =	vlt.f32 v17, $1.000000000e+00;
	v18, _, _ =	vpop (xrf2)  }
0x105: {  	v6 =	vmul.f32 v16, v6;
	v8 =	vsub.f32 v8, v54;
	(v2sf) =	vpush v18, $0xF  }
0x106: {  	v7 =	vsel vm9, v7, v10;
	v14 =	vsub.f32 v14, v53;
	v53 =	vand.u32 $0x7FFFFFFF, v12  }
0x107: {  	v6 =	vsel vm10, v6, v19;
	v54 =	vmul.f32 $5.000000000e-01, v8;
	v7 =	vnsel vm3, $0x0, v7  }
0x108: {  	v18 =	vld.idx.msk [tilespmem:v57+s23+$0x0], $0xffff;
	v61 =	vand.u32 $0x7FFFFFFF, v8;
	v19 =	vand.u32 $0x7FFFFFFF, v55;
	vm14 =	vlt.f32 v53, $1.000000000e+00  }
0x109: {  	v62 =	vadd.f32 $-5.000000000e-01, v61;
	vm11 =	vlt.f32 v61, $1.000000000e+00;
	v61 =	vmul.f32 $5.000000000e-01, v14  }
0x10a: {  	v8 =	vmul.f32 v54, v8;
	v54 =	vmul.f32 v63, v55;
	v55 =	vadd.f32 $-5.000000000e-01, v19  }
0x10b: {  	v10 =	vadd.f32 $-5.000000000e-01, v53;
	v6 =	vnsel vm2, $0x0, v6;
	vm12 =	vlt.f32 v19, $1.000000000e+00  }
0x10c: {  	v11 =	vmul.f32 v61, v14;
	v8 =	vsel vm11, v8, v62;
	v9 =	vsel vm12, v54, v55  }
0x10d: {  	v62 =	vand.u32 $0x7FFFFFFF, v14;
	v15 =	vsub.f32 v18, v51;
	v54 =	vmul.f32 $5.000000000e-01, v12  }
0x10e: {  	v55 =	vld.idx.msk [tilespmem:v58+s23+$0x0], $0xffff;
	v51 =	vmul.f32 $5.000000000e-01, v13;
	v8 =	vnsel vm5, $0x0, v8;
	v63 =	vadd.f32 $-5.000000000e-01, v62  }
0x10f: {  	vm13 =	vlt.f32 v62, $1.000000000e+00;
	v9 =	vnsel vm4, $0x0, v9;
	v56 =	vmul.f32 $5.000000000e-01, v15  }
0x110: {  	v12 =	vmul.f32 v54, v12;
	v61 =	vand.u32 $0x7FFFFFFF, v15;
	v54 =	vand.u32 $0x7FFFFFFF, v13  }
0x111: {  	v13 =	vmul.f32 v51, v13;
	v11 =	vsel vm13, v11, v63;
	v62 =	vadd.f32 $-5.000000000e-01, v61;
	v63 =	vld.idx.msk [tilespmem:v60+s23+$0x0], $0xffff  }
0x112: {  	v21 =	vld.idx.msk [tilespmem:v59+s24+$0x0], $0xffff;
	vm15 =	vlt.f32 v61, $1.000000000e+00;
	v61 =	vadd.f32 $-5.000000000e-01, v54;
	vm9 =	vlt.f32 v54, $1.000000000e+00  }
0x113: {  	v14 =	vmul.f32 v56, v15;
	v10 =	vsel vm14, v12, v10;
	v56 =	vld.idx.msk [tilespmem:v57+s24+$0x0], $0xffff;
	v53 =	vsub.f32 v55, v50  }
0x114: {  	v11 =	vnsel vm3, $0x0, v11;
	v10 =	vnsel vm2, $0x0, v10;
	v13 =	vsel vm9, v13, v61  }
0x115: {  	v49 =	vsel vm15, v14, v62;
	v13 =	vnsel vm4, $0x0, v13;
	v55 =	vmul.f32 $5.000000000e-01, v53  }
0x116: {  	v12 =	vnsel vm5, $0x0, v49;
	v20 =	vand.u32 $0x7FFFFFFF, v53;
	v18 =	vsub.f32 v63, v52  }
0x117: {  	v62 =	vadd.f32 $-5.000000000e-01, v20;
	v52 =	vsub.f32 v21, v47;
	v14 =	vmul.f32 v55, v53  }
0x118: {  	(xrf2) =	vadd.scan.msk.f32 $0xffff, v7;
	v51 =	vld.idx.msk [tilespmem:v58+s24+$0x0], $0xffff;
	vm10 =	vlt.f32 v20, $1.000000000e+00;
	v17 =	vsub.f32 v56, v46;
	v63 =	vmul.f32 $5.000000000e-01, v18  }
0x119: {  	(xrf2) =	vadd.scan.msk.f32 $0xffff, v6;
	v49 =	vand.u32 $0x7FFFFFFF, v18;
	v56 =	vmul.f32 $5.000000000e-01, v52;
	v14 =	vsel vm10, v14, v62  }
0x11a: {  	(xrf2) =	vadd.scan.msk.f32 $0xffff, v8;
	v53 =	vld.idx.msk [tilespmem:v60+s24+$0x0], $0xffff;
	v50 =	vadd.f32 $-5.000000000e-01, v49;
	vm11 =	vlt.f32 v49, $1.000000000e+00;
	v54 =	vand.u32 $0x7FFFFFFF, v17  }
0x11b: {  	(xrf2) =	vadd.scan.msk.f32 $0xffff, v9;
	v55 =	vmul.f32 $5.000000000e-01, v17;
	v62 =	vand.u32 $0x7FFFFFFF, v52;
	v7 =	vmul.f32 v63, v18  }
0x11c: {  	(xrf2) =	vadd.scan.msk.f32 $0xffff, v11;
	v6 =	vnsel vm3, $0x0, v14;
	vm12 =	vlt.f32 v54, $1.000000000e+00;
	v9 =	vmul.f32 v56, v52  }
0x11d: {  	(xrf2) =	vadd.scan.msk.f32 $0xffff, v10;
	v63 =	vadd.f32 $-5.000000000e-01, v62;
	v61 =	vmul.f32 v55, v17;
	v17 =	vsub.f32 v51, v45  }
0x11e: {  	(xrf2) =	vadd.scan.msk.f32 $0xffff, v12;
	v8 =	vadd.f32 $-5.000000000e-01, v54;
	vm13 =	vlt.f32 v62, $1.000000000e+00;
	v7 =	vsel vm11, v7, v50  }
0x11f: {  	(xrf2) =	vadd.scan.msk.f32 $0xffff, v13;
	v18 =	vsub.f32 v53, v48;
	v9 =	vsel vm13, v9, v63;
	v19 =	vmul.f32 $5.000000000e-01, v17  }
0x120: {  	(xrf2) =	vadd.scan.msk.f32 $0xffff, v6;
	v7 =	vnsel vm2, $0x0, v7;
	v8 =	vsel vm12, v61, v8;
	v6 =	vnsel vm4, $0x0, v9  }
0x121: {  	v62 =	vld.idx.msk [tilespmem:v60+s25+$0x0], $0xffff;
	v45 =	vand.u32 $0x7FFFFFFF, v17;
	v46 =	vmul.f32 $5.000000000e-01, v18;
	(xrf2) =	vadd.scan.msk.f32 $0xffff, v7;
	v7 =	vmul.f32 v19, v17  }
0x122: {  	v8 =	vnsel vm5, $0x0, v8;
	v47 =	vadd.f32 $-5.000000000e-01, v45;
	v48 =	vand.u32 $0x7FFFFFFF, v18  }
0x123: {  	v49, _, _ =	vpop (xrf2);
	v61 =	vld.idx.msk [tilespmem:v58+s25+$0x0], $0xffff;
	vm14 =	vlt.f32 v45, $1.000000000e+00;
	(xrf2) =	vadd.scan.msk.f32 $0xffff, v8;
	v51 =	vadd.f32 $-5.000000000e-01, v48;
	v50 =	vmul.f32 v46, v18  }
0x124: {  	(v2sf) =	vpush v49, $0xF;
	v52, _, _ =	vpop (xrf2);
	vm15 =	vlt.f32 v48, $1.000000000e+00;
	(xrf2) =	vadd.scan.msk.f32 $0xffff, v6;
	v6 =	vsel vm14, v7, v47  }
0x125: {  	v55 =	vld.idx.msk [tilespmem:v59+s25+$0x0], $0xffff;
	(v2sf) =	vpush v52, $0xF;
	v6 =	vnsel vm3, $0x0, v6;
	v8 =	vsel vm15, v50, v51;
	v7, _, _ =	vpop (xrf2)  }
0x126: {  	v19 =	vld.idx.msk [tilespmem:v57+s26+$0x0], $0xffff;
	v11 =	vsub.f32 v62, v44;
	(v2sf) =	vpush v7, $0xF;
	v7, _, _ =	vpop (xrf2);
	(xrf2) =	vadd.scan.msk.f32 $0xffff, v6;
	v6 =	vnsel vm2, $0x0, v8  }
0x127: {  	s4 =	spop (v2sf);
	(v2sf) =	vpush v7, $0xF;
	v7, _, _ =	vpop (xrf2);
	(xrf2) =	vadd.scan.msk.f32 $0xffff, v6;
	v6 =	vld.idx.msk [tilespmem:v57+s25+$0x0], $0xffff  }
0x128: {  	s4 =	sadd.f32 $0.0e+00, s4;
	v44 =	vld.idx.msk [tilespmem:v59+s26+$0x0], $0xffff;
	v46 =	vand.u32 $0x7FFFFFFF, v11;
	v10 =	vsub.f32 v61, v41  }
0x129: {  	s5 =	spop (v2sf);
	v48 =	vld.idx.msk [tilespmem:v58+s26+$0x0], $0xffff;
	v47 =	vadd.f32 $-5.000000000e-01, v46;
	v53, _, _ =	vpop (xrf2);
	(v2sf) =	vpush v7, $0xF  }
0x12a: {  	s4 =	sadd.f32 s5, s4;
	v8 =	vsub.f32 v55, v42;
	v7, _, _ =	vpop (xrf2);
	(v2sf) =	vpush v53, $0xF  }
0x12b: {  	s5 =	spop (v2sf);
	v45 =	vmul.f32 $5.000000000e-01, v11;
	v12 =	vsub.f32 v19, v39;
	v54, _, _ =	vpop (xrf2);
	(v2sf) =	vpush v7, $0xF  }
0x12c: {  	s4 =	sadd.f32 s5, s4;
	vm12 =	vlt.f32 v46, $1.000000000e+00;
	v7, _, _ =	vpop (xrf2);
	(v2sf) =	vpush v54, $0xF;
	v6 =	vsub.f32 v6, v43  }
0x12d: {  	s5 =	spop (v2sf);
	v42 =	vand.u32 $0x7FFFFFFF, v10;
	v50 =	vsub.f32 v44, v38;
	(v2sf) =	vpush v7, $0xF;
	v7, _, _ =	vpop (xrf2)  }
0x12e: {  	s4 =	sadd.f32 s5, s4;
	v55 =	vsub.f32 v48, v37;
	(v2sf) =	vpush v7, $0xF;
	v7, _, _ =	vpop (xrf2);
	v56 =	vmul.f32 $5.000000000e-01, v6  }
0x12f: {  	s5 =	spop (v2sf);
	vm11 =	vlt.f32 v42, $1.000000000e+00;
	v18 =	vand.u32 $0x7FFFFFFF, v8;
	(v2sf) =	vpush v7, $0xF;
	v7, _, _ =	vpop (xrf2)  }
0x130: {  	s4 =	sadd.f32 s5, s4;
	(v2sf) =	vpush v7, $0xF;
	v7 =	vand.u32 $0x7FFFFFFF, v6;
	v6 =	vmul.f32 v56, v6  }
0x131: {  	s5 =	spop (v2sf);
	v16 =	vadd.f32 $-5.000000000e-01, v7;
	vm9 =	vlt.f32 v7, $1.000000000e+00;
	v7 =	vmul.f32 $5.000000000e-01, v8  }
0x132: {  	s4 =	sadd.f32 s5, s4;
	v9 =	vadd.f32 $-5.000000000e-01, v42;
	v49 =	vmul.f32 $5.000000000e-01, v12;
	v41 =	vadd.f32 $-5.000000000e-01, v18  }
0x133: {  	v43 =	vmul.f32 $5.000000000e-01, v10;
	s5 =	spop (v2sf);
	v6 =	vsel vm9, v6, v16;
	v7 =	vmul.f32 v7, v8  }
0x134: {  	v52 =	vand.u32 $0x7FFFFFFF, v12;
	vm10 =	vlt.f32 v18, $1.000000000e+00;
	s4 =	sadd.f32 s5, s4;
	v6 =	vnsel vm5, $0x0, v6  }
0x135: {  	v57 =	vand.u32 $0x7FFFFFFF, v55;
	v10 =	vmul.f32 v43, v10;
	s5 =	spop (v2sf);
	v7 =	vsel vm10, v7, v41;
	(xrf2) =	vadd.scan.msk.f32 $0xffff, v6  }
0x136: {  	v51 =	vld.idx.msk [tilespmem:v60+s26+$0x0], $0xffff;
	v53 =	vadd.f32 $-5.000000000e-01, v52;
	vm13 =	vlt.f32 v52, $1.000000000e+00;
	s4 =	sadd.f32 s5, s4;
	v6 =	vnsel vm4, $0x0, v7  }
0x137: {  	v54 =	vmul.f32 $5.000000000e-01, v50;
	v8 =	vmul.f32 v45, v11;
	v7 =	vsel vm11, v10, v9;
	s5 =	spop (v2sf);
	(xrf2) =	vadd.scan.msk.f32 $0xffff, v6  }
0x138: {  	v58 =	vadd.f32 $-5.000000000e-01, v57;
	v9 =	vmul.f32 v49, v12;
	v6 =	vnsel vm3, $0x0, v7;
	s4 =	sadd.f32 s5, s4  }
0x139: {  	v8 =	vsel vm12, v8, v47;
	v10 =	vmul.f32 v54, v50;
	s5 =	spop (v2sf);
	(xrf2) =	vadd.scan.msk.f32 $0xffff, v6;
	v6 =	vand.u32 $0x7FFFFFFF, v50  }
0x13a: {  	v7 =	vnsel vm2, $0x0, v8;
	v9 =	vsel vm13, v9, v53;
	s4 =	sadd.f32 s5, s4;
	v56 =	vadd.f32 $-5.000000000e-01, v6  }
0x13b: {  	v63, _, _ =	vpop (xrf2);
	s5 =	spop (v2sf);
	(xrf2) =	vadd.scan.msk.f32 $0xffff, v7;
	vm14 =	vlt.f32 v6, $1.000000000e+00;
	v6 =	vmul.f32 $5.000000000e-01, v55;
	v7 =	vsub.f32 v51, v40  }
0x13c: {  	vm15 =	vlt.f32 v57, $1.000000000e+00;
	(v2sf) =	vpush v63, $0xF;
	v9 =	vnsel vm5, $0x0, v9;
	s4 =	sadd.f32 s5, s4  }
0x13d: {  	v17, _, _ =	vpop (xrf2);
	(xrf2) =	vadd.scan.msk.f32 $0xffff, v9;
	v10 =	vsel vm14, v10, v56;
	s5 =	spop (v2sf);
	v6 =	vmul.f32 v6, v55;
	v59 =	vmul.f32 $5.000000000e-01, v7  }
0x13e: {  	(v2sf) =	vpush v17, $0xF;
	v60 =	vand.u32 $0x7FFFFFFF, v7;
	v10 =	vnsel vm4, $0x0, v10;
	s4 =	sadd.f32 s5, s4  }
0x13f: {  	v62 =	vadd.f32 $-5.000000000e-01, v60;
	s5 =	spop (v2sf);
	v6 =	vsel vm15, v6, v58;
	v7 =	vmul.f32 v59, v7;
	v61, _, _ =	vpop (xrf2);
	(xrf2) =	vadd.scan.msk.f32 $0xffff, v10  }
0x140: {  	v6 =	vnsel vm3, $0x0, v6;
	vm3 =	vlt.f32 v60, $1.000000000e+00;
	s4 =	sadd.f32 s5, s4;
	(v2sf) =	vpush v61, $0xF  }
0x141: {  	s5 =	spop (v2sf);
	v63, _, _ =	vpop (xrf2);
	(xrf2) =	vadd.scan.msk.f32 $0xffff, v6;
	v6 =	vsel vm3, v7, v62  }
0x142: {  	s4 =	sadd.f32 s5, s4;
	(v2sf) =	vpush v63, $0xF;
	v6 =	vnsel vm2, $0x0, v6  }
0x143: {  	s5 =	spop (v2sf);
	v7, _, _ =	vpop (xrf2);
	(xrf2) =	vadd.scan.msk.f32 $0xffff, v6  }
0x144: {  	s4 =	sadd.f32 s5, s4;
	(v2sf) =	vpush v7, $0xF  }
0x145: {  	s5 =	spop (v2sf);
	v6, _, _ =	vpop (xrf2)  }
0x146: {  	s4 =	sadd.f32 s5, s4;
	(v2sf) =	vpush v6, $0xF  }
0x147: {  	s5 =	spop (v2sf);
	v6, _, _ =	vpop (xrf2)  }
0x148: {  	s4 =	sadd.f32 s5, s4;
	(v2sf) =	vpush v6, $0xF  }
0x149: {  	s5 =	spop (v2sf);
	v6, _, _ =	vpop (xrf2)  }
0x14a: {  	s4 =	sadd.f32 s5, s4;
	(v2sf) =	vpush v6, $0xF  }
0x14b: {  	s5 =	spop (v2sf);
	v6, _, _ =	vpop (xrf2)  }
0x14c: {  	s4 =	sadd.f32 s5, s4;
	(v2sf) =	vpush v6, $0xF  }
0x14d: {  	s5 =	spop (v2sf);
	v6, _, _ =	vpop (xrf2)  }
0x14e: {  	s4 =	sadd.f32 s5, s4;
	(v2sf) =	vpush v6, $0xF  }
0x14f: {  	s5 =	spop (v2sf)  }
0x150: {  	s4 =	sadd.f32 s5, s4  }
0x151: {  	s5 =	spop (v2sf)  }
0x152: {  	[tilespmem:$0xCBC0] =	vst v36;
	s4 =	sadd.f32 s5, s4  }
0x153: {  	[tilespmem:$0xCC40] =	vst v36;
	s5 =	spop (v2sf)  }
0x154: {  	[tilespmem:$0xCBD0] =	vst v36;
	s4 =	sadd.f32 s5, s4  }
0x155: {  	s3 =	sadd.f32 $0.0e+00, s3;
	[tilespmem:$0xCC50] =	vst v36;
	s5 =	spop (v2sf)  }
0x156: {  	[tilespmem:$0xCBE0] =	vst v36;
	s4 =	sadd.f32 s5, s4  }
0x157: {  	s0 =	sadd.f32 s0, s3;
	[tilespmem:$0xCC60] =	vst v36;
	s5 =	spop (v2sf)  }
0x158: {  	[tilespmem:$0xCBF0] =	vst v36;
	s3 =	sadd.f32 s5, s4  }
0x159: {  	s0 =	sadd.f32 s31, s0;
	[tilespmem:$0xCC70] =	vst v36;
	s5 =	spop (v2sf)  }
0x15a: {  	[tilespmem:$0xCC90] =	vst v36;
	s3 =	sadd.f32 s5, s3  }
0x15b: {  	s0 =	sadd.f32 s30, s0;
	[tilespmem:$0xCCA0] =	vst v36;
	s30 =	spop (v2sf)  }
0x15c: {  	[tilespmem:$0xCCB0] =	vst v36;
	s3 =	sadd.f32 s30, s3  }
0x15d: {  	[tilespmem:$0xCCC0] =	vst v36;
	s31 =	spop (v2sf)  }
0x15e: {  	[tilespmem:$0xCCD0] =	vst v36;
	v6 =	vmov s0;
	s3 =	sadd.f32 s31, s3  }
0x15f: {  	[tilespmem:$0xCCE0] =	vst v36;
	v6 =	vnsel vm0, $0x0, v6  }
0x160: {  	[tilespmem:$0xCCF0] =	vst v36;
	v6 =	vsel vm1, s3, v6  }
0x161: {  	s5 =	simm.s32 $0xCC80;
	[tilespmem:$0xCC80] =	vst v6  }
0x162: {  	[hbm4b:s11+s1] =	stream.linear.scatter [tilespmem:s5], [sflag:$0x2], $0x80, $0x38;
	[tilespmem:$0xCD00] =	vst v63  }
0x163: {  	_ =	swait.ge [sflag:s16], $0x80  }
0x164: {  	[sflag:s16] =	ssyncset.done $0x0  }
0x165: {  	s30 =	simm.s32 $0xCB80;
	[sflag:s16] =	ssyncadd.s32 $0xFFFFFF80  }
0x166: {  	[hbm4b:s12+s1] =	stream.linear.scatter [tilespmem:s30], [sflag:$0x2], $0x80, $0x38;
	[tilespmem:$0xCD00] =	vst v63  }
0x167: {  	s2 =	sadd.s32 $0x1, s2;
	_ =	swait.ge [sflag:s16], $0x80  }
0x168: {  	p0 =	sne.s32 s2, s15;
	[sflag:s16] =	ssyncset.done $0x0  }
.Ltmp5:
0x169: {  	s31 =	simm.s32 $0xCC00;
	[sflag:s16] =	ssyncadd.s32 $0xFFFFFF80;
	(pc) =	sbr.rel @p0 .LBB2_2-.Ltmp5, $4  }
0x16a: {  	[hbm4b:s13+s1] =	stream.linear.scatter [tilespmem:s31], [sflag:$0x2], $0x80, $0x38;
	[tilespmem:$0xCD00] =	vst v63  }
0x16b: {  	_ =	swait.ge [sflag:s16], $0x80  }
0x16c: {  	[sflag:s16] =	ssyncset.done $0x0  }
0x16d: {  	[sflag:s16] =	ssyncadd.s32 $0xFFFFFF80  }
.LBB2_11:
0x16e: {  	_ =	sfence.sel $0x180000  }
0x16f: {  	[bflag:$0x0] =	sbarrier.arrive $0xFFFF  }
0x170: {  	_ =	strace $0x90000047  }
0x171: {  	s0 =	stileid.u32;
	[bflag:$0x2] =	sbarrier.arrive $0xFFFF  }
0x172: {  	p0 =	sne.s32 s0, $0x0;
	s0 =	rddreg [dreg:$0x1]  }
0x173: {  	s0 =	sadd.s32 @!p0 $0x100000, s0  }
0x174: {  	[sflag:s0] =	ssyncadd.tile.s32 @!p0 $0x1;
	_ =	shalt  }
.Lfunc_end2:
_tile_overlayer_lowered:
.L_overlay_start_2:
0x175: {  	(tag) =	ssettag $0x2  }
0x176: {  	s0 =	rddreg [dreg:$0x0];
	s2 =	stileid.u32  }
0x177: {  	s1 =	rddreg [dreg:$0x1];
	p0 =	sne.s32 s2, $0x0  }
0x178: {  	s3 =	rddreg [dreg:$0x2];
	[bflag:$0x3] =	sbarrier.arrive $0xFFFF;
	s2 =	simm.s32 @!p0 $0x1C02  }
0x179: {  	[timem:s3], [sflag:s2] =	dma.local @!p0 [hbm:s0], s1  }
0x17a: {  	s0 =	simm.s32 @!p0 $0x2  }
0x17b: {  	_ =	swait.ge @!p0 [sflag:s0], s1  }
0x17c: {  	s1 =	ssub.s32 @!p0 $0x0, s1;
	[sflag:s0] =	ssyncset.done @!p0 $0x0  }
0x17d: {  	[sflag:s0] =	ssyncadd.s32 @!p0 s1  }
0x17e: {  	[bflag:$0x3] =	sbarrier.arrive $0xFFFF  }
0x17f: {  	_ =	shalt  }

</sc_bundles>
